<compile_context>
chip_gen: v7x
topology: tpu7x:2x2x1
jax: 0.10.2.dev20260603
libtpu: 0.0.44.dev20260713+nightly
codegen_flags: <defaults>
</compile_context>

<pallas_src>
import jax
import jax.numpy as jnp
from jax import lax
from jax.experimental import pallas as pl
from jax.experimental.pallas import tpu as pltpu
from jax.experimental.pallas import tpu_sc as plsc

N = 10000
E = 320000
D_FEAT = 128
D_EDGE = 16
D_AUG = 32

NC = 2
NS = 16
NW = NC * NS
EPW = E // NW
CHUNK = 80
NCHUNK = EPW // CHUNK
SLAB = 5
SPAN = SLAB * CHUNK
NSLAB = NCHUNK // SLAB
NBODY = 12
FLUSH = 624
TAIL0 = NS * FLUSH
TAILR = N - TAIL0


def _sc_body(x_hbm, ei_hbm, ea_hbm, accx_out, acca_out,
             slab0, slab1, rows0, rows1, abuf0, abuf1,
             acc_x, acc_a, isem0, isem1, osem0, osem1, ssem0, ssem1):
    cid = lax.axis_index("c")
    sid = lax.axis_index("s")
    wid = cid * NS + sid

    slab = (slab0, slab1)
    rows = (rows0, rows1)
    abuf = (abuf0, abuf1)
    isem = (isem0, isem1)
    osem = (osem0, osem1)
    ssem = (ssem0, ssem1)

    def zero_row(i, _):
        for j in range(D_FEAT // 16):
            rows0[i, pl.ds(j * 16, 16)] = jnp.zeros((16,), jnp.float32)
        for j in range(D_AUG // 16):
            abuf0[i, pl.ds(j * 16, 16)] = jnp.zeros((16,), jnp.float32)
        return 0

    lax.fori_loop(0, CHUNK, zero_row, 0)
    row0 = sid * FLUSH
    for r in range(FLUSH // CHUNK):
        pltpu.sync_copy(rows0, acc_x.at[pl.ds(row0 + r * CHUNK, CHUNK)])
        pltpu.sync_copy(abuf0, acc_a.at[pl.ds(row0 + r * CHUNK, CHUNK)])
    zrem = FLUSH - (FLUSH // CHUNK) * CHUNK
    pltpu.sync_copy(rows0.at[pl.ds(0, zrem)],
                    acc_x.at[pl.ds(row0 + FLUSH - zrem, zrem)])
    pltpu.sync_copy(abuf0.at[pl.ds(0, zrem)],
                    acc_a.at[pl.ds(row0 + FLUSH - zrem, zrem)])

    @pl.when(sid == NS - 1)
    def _zero_tail():
        pltpu.sync_copy(rows0.at[pl.ds(0, TAILR)],
                        acc_x.at[pl.ds(TAIL0, TAILR)])
        pltpu.sync_copy(abuf0.at[pl.ds(0, TAILR)],
                        acc_a.at[pl.ds(TAIL0, TAILR)])

    onecol = jnp.where(lax.iota(jnp.int32, 16) == 0,
                       jnp.float32(1.0), jnp.float32(0.0))

    def init_abuf(i, _):
        abuf0[i, pl.ds(16, 16)] = onecol
        abuf1[i, pl.ds(16, 16)] = onecol
        return 0

    lax.fori_loop(0, CHUNK, init_abuf, 0)

    plsc.subcore_barrier()

    def issue_in(c, b, S, j):
        pltpu.async_copy(x_hbm.at[S.at[1, pl.ds(j * CHUNK, CHUNK)]],
                         rows[b], isem[b])
        pltpu.async_copy(ea_hbm.at[pl.ds(wid * EPW + c * CHUNK, CHUNK)],
                         abuf[b].at[:, pl.ds(0, D_EDGE)], isem[b])

    def wait_in(c, b, S, j):
        pltpu.make_async_copy(x_hbm.at[S.at[1, pl.ds(j * CHUNK, CHUNK)]],
                              rows[b], isem[b]).wait()
        pltpu.make_async_copy(ea_hbm.at[pl.ds(wid * EPW + c * CHUNK, CHUNK)],
                              abuf[b].at[:, pl.ds(0, D_EDGE)], isem[b]).wait()

    def issue_out(b, S, j):
        pltpu.async_copy(rows[b], acc_x.at[S.at[0, pl.ds(j * CHUNK, CHUNK)]],
                         osem[b], add=True)
        pltpu.async_copy(abuf[b], acc_a.at[S.at[0, pl.ds(j * CHUNK, CHUNK)]],
                         osem[b], add=True)

    def wait_out(b):
        pltpu.make_async_copy(rows[b], acc_x.at[slab0.at[0, pl.ds(0, CHUNK)]],
                              osem[b]).wait()
        pltpu.make_async_copy(abuf[b], acc_a.at[slab0.at[0, pl.ds(0, CHUNK)]],
                              osem[b]).wait()

    def issue_slab(s, sb):
        base = wid * EPW + s * SPAN
        pltpu.async_copy(ei_hbm.at[0, pl.ds(base, SPAN)],
                         slab[sb].at[0], ssem[sb])
        pltpu.async_copy(ei_hbm.at[1, pl.ds(base, SPAN)],
                         slab[sb].at[1], ssem[sb])

    def wait_slab(s, sb):
        base = wid * EPW + s * SPAN
        pltpu.make_async_copy(ei_hbm.at[0, pl.ds(base, SPAN)],
                              slab[sb].at[0], ssem[sb]).wait()
        pltpu.make_async_copy(ei_hbm.at[1, pl.ds(base, SPAN)],
                              slab[sb].at[1], ssem[sb]).wait()

    issue_slab(0, 0)
    wait_slab(0, 0)
    issue_in(0, 0, slab0, 0)

    def step(i, js, j):
        S = slab[js]
        c = 10 * i + 5 * js + j
        b = (js + j) % 2
        wait_in(c, b, S, j)
        issue_out(b, S, j)
        if js == 0 and j == 0:
            @pl.when(i > 0)
            def _():
                wait_out(1 - b)
        else:
            wait_out(1 - b)
        if js == 0 and j == 1:
            issue_slab(2 * i + 1, 1)
        if js == 1 and j == 1:
            issue_slab(2 * i + 2, 0)
        if j == SLAB - 1:
            if js == 0:
                wait_slab(2 * i + 1, 1)
                issue_in(c + 1, 1 - b, slab1, 0)
            else:
                wait_slab(2 * i + 2, 0)
                issue_in(c + 1, 1 - b, slab0, 0)
        else:
            issue_in(c + 1, 1 - b, S, j + 1)

    def body(i, _):
        for js in range(2):
            for j in range(SLAB):
                step(i, js, j)
        return 0

    lax.fori_loop(0, NBODY, body, 0)

    for j in range(SLAB):
        c = 10 * NBODY + j
        b = j % 2
        wait_in(c, b, slab0, j)
        issue_out(b, slab0, j)
        wait_out(1 - b)
        if j < SLAB - 1:
            issue_in(c + 1, 1 - b, slab0, j + 1)
    wait_out(0)

    plsc.subcore_barrier()

    pltpu.sync_copy(acc_x.at[pl.ds(row0, FLUSH)],
                    accx_out.at[cid, pl.ds(row0, FLUSH)])
    pltpu.sync_copy(acc_a.at[pl.ds(row0, FLUSH)],
                    acca_out.at[cid, pl.ds(row0, FLUSH)])

    @pl.when(sid == NS - 1)
    def _flush_tail():
        pltpu.sync_copy(acc_x.at[pl.ds(TAIL0, TAILR)],
                        accx_out.at[cid, pl.ds(TAIL0, TAILR)])
        pltpu.sync_copy(acc_a.at[pl.ds(TAIL0, TAILR)],
                        acca_out.at[cid, pl.ds(TAIL0, TAILR)])


_sc_segsum = pl.kernel(
    _sc_body,
    out_type=(
        jax.ShapeDtypeStruct((NC, N, D_FEAT), jnp.float32),
        jax.ShapeDtypeStruct((NC, N, D_AUG), jnp.float32),
    ),
    mesh=plsc.VectorSubcoreMesh(core_axis_name="c", subcore_axis_name="s"),
    scratch_types=[
        pltpu.VMEM((2, SPAN), jnp.int32),
        pltpu.VMEM((2, SPAN), jnp.int32),
        pltpu.VMEM((CHUNK, D_FEAT), jnp.float32),
        pltpu.VMEM((CHUNK, D_FEAT), jnp.float32),
        pltpu.VMEM((CHUNK, D_AUG), jnp.float32),
        pltpu.VMEM((CHUNK, D_AUG), jnp.float32),
        pltpu.VMEM_SHARED((N, D_FEAT), jnp.float32),
        pltpu.VMEM_SHARED((N, D_AUG), jnp.float32),
        pltpu.SemaphoreType.DMA,
        pltpu.SemaphoreType.DMA,
        pltpu.SemaphoreType.DMA,
        pltpu.SemaphoreType.DMA,
        pltpu.SemaphoreType.DMA,
        pltpu.SemaphoreType.DMA,
    ],
    compiler_params=pltpu.CompilerParams(use_tc_tiling_on_sc=False),
)


def _tc_body(x_ref, ax_ref, aa_ref, w1_ref, w2_ref, w5_ref, b1_ref, o_ref):
    acc = jnp.dot(x_ref[...], w1_ref[...], preferred_element_type=jnp.float32)
    acc += jnp.dot(ax_ref[0] + ax_ref[1], w2_ref[...],
                   preferred_element_type=jnp.float32)
    acc += jnp.dot(aa_ref[0] + aa_ref[1], w5_ref[...],
                   preferred_element_type=jnp.float32)
    o_ref[...] = acc + b1_ref[...]


ROW_BLK = 1000


def _tc_combine(x, accx, acca, W1, W2, W5aug, b1):
    return pl.pallas_call(
        _tc_body,
        out_shape=jax.ShapeDtypeStruct((N, D_FEAT), jnp.float32),
        grid=(N // ROW_BLK,),
        in_specs=[
            pl.BlockSpec((ROW_BLK, D_FEAT), lambda i: (i, 0)),
            pl.BlockSpec((NC, ROW_BLK, D_FEAT), lambda i: (0, i, 0)),
            pl.BlockSpec((NC, ROW_BLK, D_AUG), lambda i: (0, i, 0)),
            pl.BlockSpec((D_FEAT, D_FEAT), lambda i: (0, 0)),
            pl.BlockSpec((D_FEAT, D_FEAT), lambda i: (0, 0)),
            pl.BlockSpec((D_AUG, D_FEAT), lambda i: (0, 0)),
            pl.BlockSpec((1, D_FEAT), lambda i: (0, 0)),
        ],
        out_specs=pl.BlockSpec((ROW_BLK, D_FEAT), lambda i: (i, 0)),
    )(x, accx, acca, W1, W2, W5aug, b1)


def kernel(x, edge_index, edge_attr, W1, b1, W2, b2, W3, b3, W4, b4, W5, b5):
    accx, acca = _sc_segsum(x, edge_index, edge_attr)
    W5aug = jnp.zeros((D_AUG, D_FEAT), jnp.float32).at[0:16].set(W5).at[16].set(b2 + b5)
    return _tc_combine(x, accx, acca, W1, W2, W5aug, b1.reshape(1, D_FEAT))

# --- scband reference (transcript-rebuilt; emitter-appended) ---
"""Pipeline reference for scband-instant-policy-81527069212717 (READ-ONLY COPY).

The authoritative reference and input builder live on the scoring server;
editing this copy changes nothing except your own understanding.
"""

import jax, jax.numpy as jnp
import numpy as np

N = 10000
E = 320000
D_FEAT = 128
D_EDGE = 16
HIDDEN = 128
HEAD_DIM = 16.0


def setup_inputs(seed: int = 0) -> dict:
    key = jax.random.key(seed)
    ks = jax.random.split(key, 14)
    x = jax.random.normal(ks[0], (N, D_FEAT), dtype=jnp.float32)
    edge_index = jax.random.randint(ks[1], (2, E), 0, N, dtype=jnp.int32)
    edge_attr = jax.random.normal(ks[2], (E, D_EDGE), dtype=jnp.float32)
    s_n = 1.0 / np.sqrt(D_FEAT)
    s_e = 1.0 / np.sqrt(D_EDGE)
    W1 = jax.random.normal(ks[3], (D_FEAT, HIDDEN), dtype=jnp.float32) * s_n
    b1 = jax.random.normal(ks[4], (HIDDEN,), dtype=jnp.float32) * 0.01
    W2 = jax.random.normal(ks[5], (D_FEAT, HIDDEN), dtype=jnp.float32) * s_n
    b2 = jax.random.normal(ks[6], (HIDDEN,), dtype=jnp.float32) * 0.01
    W3 = jax.random.normal(ks[7], (D_FEAT, HIDDEN), dtype=jnp.float32) * s_n
    b3 = jax.random.normal(ks[8], (HIDDEN,), dtype=jnp.float32) * 0.01
    W4 = jax.random.normal(ks[9], (D_FEAT, HIDDEN), dtype=jnp.float32) * s_n
    b4 = jax.random.normal(ks[10], (HIDDEN,), dtype=jnp.float32) * 0.01
    W5 = jax.random.normal(ks[11], (D_EDGE, HIDDEN), dtype=jnp.float32) * s_e
    b5 = jax.random.normal(ks[12], (HIDDEN,), dtype=jnp.float32) * 0.01
    return {"x": x, "edge_index": edge_index, "edge_attr": edge_attr,
            "W1": W1, "b1": b1, "W2": W2, "b2": b2, "W3": W3, "b3": b3,
            "W4": W4, "b4": b4, "W5": W5, "b5": b5}


def reference(x, edge_index, edge_attr, W1, b1, W2, b2, W3, b3, W4, b4, W5, b5):
    # HeteroAttentionLayer forward (single node type AGENT, single edge type),
    # vectorized over edges. Edge (i, j): dst=i (aggregation target), src=j.
    h1 = x @ W1 + b1
    h2 = x @ W2 + b2
    h3 = x @ W3 + b3
    h4 = x @ W4 + b4
    e5 = edge_attr @ W5 + b5
    dst = edge_index[0]
    src = edge_index[1]
    # _numerator = w3f[i].T @ (w4f[j] + w5f[e]) -> per-edge scalar
    num = jnp.sum(h3[dst] * (h4[src] + e5), axis=-1, keepdims=True)
    num = num / jnp.sqrt(jnp.asarray(HEAD_DIM, dtype=jnp.float32))
    # softmax over last dim of a scalar (faithful to original: yields 1.0)
    att = jax.nn.softmax(num, axis=-1)
    msg = att * (h2[src] + e5)
    agg = jax.ops.segment_sum(msg, dst, num_segments=N)
    # final_X[i] = w1f[i] + summation
    return h1 + agg

if __name__ == "__main__":
    import jax
    _d = setup_inputs()
    print(jax.jit(kernel)(*tuple(_d.values())))

</pallas_src>

<mosaic_0001>
#map = affine_map<(d0, d1) -> (0, 0)>
#map1 = affine_map<(d0, d1) -> (0, 0, 0)>
module attributes {stable_mosaic.version = 14 : i64} {
  func.func @_sc_body(%arg0: i32, %arg1: i32, %arg2: memref<10000x128xf32, #tpu.memory_space<hbm>>, %arg3: memref<2x320000xi32, #tpu.memory_space<hbm>>, %arg4: memref<320000x16xf32, #tpu.memory_space<hbm>>, %arg5: memref<2x10000x128xf32, #tpu.memory_space<hbm>>, %arg6: memref<2x10000x32xf32, #tpu.memory_space<hbm>>, %arg7: memref<2x400xi32, #tpu.memory_space<vmem>>, %arg8: memref<2x400xi32, #tpu.memory_space<vmem>>, %arg9: memref<80x128xf32, #tpu.memory_space<vmem>>, %arg10: memref<80x128xf32, #tpu.memory_space<vmem>>, %arg11: memref<80x32xf32, #tpu.memory_space<vmem>>, %arg12: memref<80x32xf32, #tpu.memory_space<vmem>>, %arg13: memref<10000x128xf32, #tpu.memory_space<vmem_shared>>, %arg14: memref<10000x32xf32, #tpu.memory_space<vmem_shared>>, %arg15: memref<!tpu.dma_semaphore, #tpu.memory_space<semaphore_mem>>, %arg16: memref<!tpu.dma_semaphore, #tpu.memory_space<semaphore_mem>>, %arg17: memref<!tpu.dma_semaphore, #tpu.memory_space<semaphore_mem>>, %arg18: memref<!tpu.dma_semaphore, #tpu.memory_space<semaphore_mem>>, %arg19: memref<!tpu.dma_semaphore, #tpu.memory_space<semaphore_mem>>, %arg20: memref<!tpu.dma_semaphore, #tpu.memory_space<semaphore_mem>>) attributes {dimension_semantics = [#tpu.dimension_semantics<core_parallel>, #tpu.dimension_semantics<subcore_parallel>], iteration_bounds = array<i64: 2, 16>, scalar_prefetch = 0 : i64, scratch_operands = 14 : i64, tpu.core_type = #tpu.core_type<sc_vector_subcore>, window_params = [{transform_indices = #map}, {transform_indices = #map}, {transform_indices = #map}, {transform_indices = #map1}, {transform_indices = #map1}]} {
    %mul3A = arith.constant 16 : i32
    %mul3A_0 = arith.muli %arg0, %mul3A : i32
    %add3A = arith.addi %mul3A_0, %arg1 : i32
    %scan3A = arith.constant 0 : i32
    %scan3A_1 = arith.constant 0 : i32
    %scan3A_2 = arith.constant 80 : i32
    %scan3A_3 = arith.addi %scan3A_1, %scan3A_2 : i32
    %scan3A_4 = arith.constant 1 : i32
    %scan3A_5 = scf.for %scan3A_489 = %scan3A_1 to %scan3A_3 step %scan3A_4 iter_args(%scan3A_490 = %scan3A) -> (i32)  : i32 {
      %broadcast_in_dim3A_491 = arith.constant 0.000000e+00 : f32
      %broadcast_in_dim3A_492 = vector.broadcast %broadcast_in_dim3A_491 : f32 to vector<16xf32>
      %swap3A = arith.index_cast %scan3A_489 : i32 to index
      %swap3A_493 = arith.constant 0 : index
      %swap3A_494 = tpu.vector_load %arg9[%swap3A, %swap3A_493] {strides = array<i32>} : memref<80x128xf32, #tpu.memory_space<vmem>>, vector<1x16xf32>,
      %swap3A_495 = vector.shape_cast %swap3A_494 : vector<1x16xf32> to vector<16xf32>
      %swap3A_496 = vector.shape_cast %broadcast_in_dim3A_492 : vector<16xf32> to vector<1x16xf32>
      tpu.vector_store %arg9[%swap3A, %swap3A_493], %swap3A_496 {strides = array<i32>} : memref<80x128xf32, #tpu.memory_space<vmem>>, vector<1x16xf32>,
      %broadcast_in_dim3A_497 = arith.constant 0.000000e+00 : f32
      %broadcast_in_dim3A_498 = vector.broadcast %broadcast_in_dim3A_497 : f32 to vector<16xf32>
      %swap3A_499 = arith.index_cast %scan3A_489 : i32 to index
      %swap3A_500 = arith.constant 16 : index
      %swap3A_501 = tpu.vector_load %arg9[%swap3A_499, %swap3A_500] {strides = array<i32>} : memref<80x128xf32, #tpu.memory_space<vmem>>, vector<1x16xf32>,
      %swap3A_502 = vector.shape_cast %swap3A_501 : vector<1x16xf32> to vector<16xf32>
      %swap3A_503 = vector.shape_cast %broadcast_in_dim3A_498 : vector<16xf32> to vector<1x16xf32>
      tpu.vector_store %arg9[%swap3A_499, %swap3A_500], %swap3A_503 {strides = array<i32>} : memref<80x128xf32, #tpu.memory_space<vmem>>, vector<1x16xf32>,
      %broadcast_in_dim3A_504 = arith.constant 0.000000e+00 : f32
      %broadcast_in_dim3A_505 = vector.broadcast %broadcast_in_dim3A_504 : f32 to vector<16xf32>
      %swap3A_506 = arith.index_cast %scan3A_489 : i32 to index
      %swap3A_507 = arith.constant 32 : index
      %swap3A_508 = tpu.vector_load %arg9[%swap3A_506, %swap3A_507] {strides = array<i32>} : memref<80x128xf32, #tpu.memory_space<vmem>>, vector<1x16xf32>,
      %swap3A_509 = vector.shape_cast %swap3A_508 : vector<1x16xf32> to vector<16xf32>
      %swap3A_510 = vector.shape_cast %broadcast_in_dim3A_505 : vector<16xf32> to vector<1x16xf32>
      tpu.vector_store %arg9[%swap3A_506, %swap3A_507], %swap3A_510 {strides = array<i32>} : memref<80x128xf32, #tpu.memory_space<vmem>>, vector<1x16xf32>,
      %broadcast_in_dim3A_511 = arith.constant 0.000000e+00 : f32
      %broadcast_in_dim3A_512 = vector.broadcast %broadcast_in_dim3A_511 : f32 to vector<16xf32>
      %swap3A_513 = arith.index_cast %scan3A_489 : i32 to index
      %swap3A_514 = arith.constant 48 : index
      %swap3A_515 = tpu.vector_load %arg9[%swap3A_513, %swap3A_514] {strides = array<i32>} : memref<80x128xf32, #tpu.memory_space<vmem>>, vector<1x16xf32>,
      %swap3A_516 = vector.shape_cast %swap3A_515 : vector<1x16xf32> to vector<16xf32>
      %swap3A_517 = vector.shape_cast %broadcast_in_dim3A_512 : vector<16xf32> to vector<1x16xf32>
      tpu.vector_store %arg9[%swap3A_513, %swap3A_514], %swap3A_517 {strides = array<i32>} : memref<80x128xf32, #tpu.memory_space<vmem>>, vector<1x16xf32>,
      %broadcast_in_dim3A_518 = arith.constant 0.000000e+00 : f32
      %broadcast_in_dim3A_519 = vector.broadcast %broadcast_in_dim3A_518 : f32 to vector<16xf32>
      %swap3A_520 = arith.index_cast %scan3A_489 : i32 to index
      %swap3A_521 = arith.constant 64 : index
      %swap3A_522 = tpu.vector_load %arg9[%swap3A_520, %swap3A_521] {strides = array<i32>} : memref<80x128xf32, #tpu.memory_space<vmem>>, vector<1x16xf32>,
      %swap3A_523 = vector.shape_cast %swap3A_522 : vector<1x16xf32> to vector<16xf32>
      %swap3A_524 = vector.shape_cast %broadcast_in_dim3A_519 : vector<16xf32> to vector<1x16xf32>
      tpu.vector_store %arg9[%swap3A_520, %swap3A_521], %swap3A_524 {strides = array<i32>} : memref<80x128xf32, #tpu.memory_space<vmem>>, vector<1x16xf32>,
      %broadcast_in_dim3A_525 = arith.constant 0.000000e+00 : f32
      %broadcast_in_dim3A_526 = vector.broadcast %broadcast_in_dim3A_525 : f32 to vector<16xf32>
      %swap3A_527 = arith.index_cast %scan3A_489 : i32 to index
      %swap3A_528 = arith.constant 80 : index
      %swap3A_529 = tpu.vector_load %arg9[%swap3A_527, %swap3A_528] {strides = array<i32>} : memref<80x128xf32, #tpu.memory_space<vmem>>, vector<1x16xf32>,
      %swap3A_530 = vector.shape_cast %swap3A_529 : vector<1x16xf32> to vector<16xf32>
      %swap3A_531 = vector.shape_cast %broadcast_in_dim3A_526 : vector<16xf32> to vector<1x16xf32>
      tpu.vector_store %arg9[%swap3A_527, %swap3A_528], %swap3A_531 {strides = array<i32>} : memref<80x128xf32, #tpu.memory_space<vmem>>, vector<1x16xf32>,
      %broadcast_in_dim3A_532 = arith.constant 0.000000e+00 : f32
      %broadcast_in_dim3A_533 = vector.broadcast %broadcast_in_dim3A_532 : f32 to vector<16xf32>
      %swap3A_534 = arith.index_cast %scan3A_489 : i32 to index
      %swap3A_535 = arith.constant 96 : index
      %swap3A_536 = tpu.vector_load %arg9[%swap3A_534, %swap3A_535] {strides = array<i32>} : memref<80x128xf32, #tpu.memory_space<vmem>>, vector<1x16xf32>,
      %swap3A_537 = vector.shape_cast %swap3A_536 : vector<1x16xf32> to vector<16xf32>
      %swap3A_538 = vector.shape_cast %broadcast_in_dim3A_533 : vector<16xf32> to vector<1x16xf32>
      tpu.vector_store %arg9[%swap3A_534, %swap3A_535], %swap3A_538 {strides = array<i32>} : memref<80x128xf32, #tpu.memory_space<vmem>>, vector<1x16xf32>,
      %broadcast_in_dim3A_539 = arith.constant 0.000000e+00 : f32
      %broadcast_in_dim3A_540 = vector.broadcast %broadcast_in_dim3A_539 : f32 to vector<16xf32>
      %swap3A_541 = arith.index_cast %scan3A_489 : i32 to index
      %swap3A_542 = arith.constant 112 : index
      %swap3A_543 = tpu.vector_load %arg9[%swap3A_541, %swap3A_542] {strides = array<i32>} : memref<80x128xf32, #tpu.memory_space<vmem>>, vector<1x16xf32>,
      %swap3A_544 = vector.shape_cast %swap3A_543 : vector<1x16xf32> to vector<16xf32>
      %swap3A_545 = vector.shape_cast %broadcast_in_dim3A_540 : vector<16xf32> to vector<1x16xf32>
      tpu.vector_store %arg9[%swap3A_541, %swap3A_542], %swap3A_545 {strides = array<i32>} : memref<80x128xf32, #tpu.memory_space<vmem>>, vector<1x16xf32>,
      %broadcast_in_dim3A_546 = arith.constant 0.000000e+00 : f32
      %broadcast_in_dim3A_547 = vector.broadcast %broadcast_in_dim3A_546 : f32 to vector<16xf32>
      %swap3A_548 = arith.index_cast %scan3A_489 : i32 to index
      %swap3A_549 = arith.constant 0 : index
      %swap3A_550 = tpu.vector_load %arg11[%swap3A_548, %swap3A_549] {strides = array<i32>} : memref<80x32xf32, #tpu.memory_space<vmem>>, vector<1x16xf32>,
      %swap3A_551 = vector.shape_cast %swap3A_550 : vector<1x16xf32> to vector<16xf32>
      %swap3A_552 = vector.shape_cast %broadcast_in_dim3A_547 : vector<16xf32> to vector<1x16xf32>
      tpu.vector_store %arg11[%swap3A_548, %swap3A_549], %swap3A_552 {strides = array<i32>} : memref<80x32xf32, #tpu.memory_space<vmem>>, vector<1x16xf32>,
      %broadcast_in_dim3A_553 = arith.constant 0.000000e+00 : f32
      %broadcast_in_dim3A_554 = vector.broadcast %broadcast_in_dim3A_553 : f32 to vector<16xf32>
      %swap3A_555 = arith.index_cast %scan3A_489 : i32 to index
      %swap3A_556 = arith.constant 16 : index
      %swap3A_557 = tpu.vector_load %arg11[%swap3A_555, %swap3A_556] {strides = array<i32>} : memref<80x32xf32, #tpu.memory_space<vmem>>, vector<1x16xf32>,
      %swap3A_558 = vector.shape_cast %swap3A_557 : vector<1x16xf32> to vector<16xf32>
      %swap3A_559 = vector.shape_cast %broadcast_in_dim3A_554 : vector<16xf32> to vector<1x16xf32>
      tpu.vector_store %arg11[%swap3A_555, %swap3A_556], %swap3A_559 {strides = array<i32>} : memref<80x32xf32, #tpu.memory_space<vmem>>, vector<1x16xf32>,
      %scan3A_560 = arith.constant 0 : i32
      scf.yield %scan3A_560 : i32
    }
    %scan3A_6 = arith.constant 80 : i32
    %mul3A_7 = arith.constant 624 : i32
    %mul3A_8 = arith.muli %arg1, %mul3A_7 : i32
    %add3A_9 = arith.constant 0 : i32
    %add3A_10 = arith.addi %mul3A_8, %add3A_9 : i32
    "tpu.region"() ({
      %run_scoped3A = tpu.sem_alloc : memref<!tpu.dma_semaphore, #tpu.memory_space<semaphore_mem>>
      %dma_start3A_489 = arith.constant 0 : i32
      %dma_start3A_490 = tpu.memref_slice %arg13[%add3A_10, %dma_start3A_489] : memref<10000x128xf32, #tpu.memory_space<vmem_shared>> -> memref<80x128xf32, #tpu.memory_space<vmem_shared>>
      %dma_start3A_491 = arith.constant 0 : i32
      %dma_start3A_492 = tpu.memref_slice %arg13[%add3A_10, %dma_start3A_491] : memref<10000x128xf32, #tpu.memory_space<vmem_shared>> -> memref<80x128xf32, #tpu.memory_space<vmem_shared>>
      tpu.enqueue_dma source(%arg9 : memref<80x128xf32, #tpu.memory_space<vmem>>) target(%dma_start3A_492 : memref<80x128xf32, #tpu.memory_space<vmem_shared>>) target_semaphore(%run_scoped3A : memref<!tpu.dma_semaphore, #tpu.memory_space<semaphore_mem>>)
      %dma_wait3A_493 = arith.constant 0 : i32
      %dma_wait3A_494 = tpu.memref_slice %arg13[%add3A_10, %dma_wait3A_493] : memref<10000x128xf32, #tpu.memory_space<vmem_shared>> -> memref<80x128xf32, #tpu.memory_space<vmem_shared>>
      %dma_wait3A_495 = arith.constant 0 : i32
      %dma_wait3A_496 = tpu.memref_slice %arg13[%add3A_10, %dma_wait3A_495] : memref<10000x128xf32, #tpu.memory_space<vmem_shared>> -> memref<80x128xf32, #tpu.memory_space<vmem_shared>>
      tpu.wait_dma2 semaphore(%run_scoped3A : memref<!tpu.dma_semaphore, #tpu.memory_space<semaphore_mem>>) src(%arg9 : memref<80x128xf32, #tpu.memory_space<vmem>>) dst(%dma_wait3A_496 : memref<80x128xf32, #tpu.memory_space<vmem_shared>>)
      tpu.yield
    }) : () -> ()
    %add3A_11 = arith.constant 0 : i32
    %add3A_12 = arith.addi %mul3A_8, %add3A_11 : i32
    "tpu.region"() ({
      %run_scoped3A = tpu.sem_alloc : memref<!tpu.dma_semaphore, #tpu.memory_space<semaphore_mem>>
      %dma_start3A_489 = arith.constant 0 : i32
      %dma_start3A_490 = tpu.memref_slice %arg14[%add3A_12, %dma_start3A_489] : memref<10000x32xf32, #tpu.memory_space<vmem_shared>> -> memref<80x32xf32, #tpu.memory_space<vmem_shared>>
      %dma_start3A_491 = arith.constant 0 : i32
      %dma_start3A_492 = tpu.memref_slice %arg14[%add3A_12, %dma_start3A_491] : memref<10000x32xf32, #tpu.memory_space<vmem_shared>> -> memref<80x32xf32, #tpu.memory_space<vmem_shared>>
      tpu.enqueue_dma source(%arg11 : memref<80x32xf32, #tpu.memory_space<vmem>>) target(%dma_start3A_492 : memref<80x32xf32, #tpu.memory_space<vmem_shared>>) target_semaphore(%run_scoped3A : memref<!tpu.dma_semaphore, #tpu.memory_space<semaphore_mem>>)
      %dma_wait3A_493 = arith.constant 0 : i32
      %dma_wait3A_494 = tpu.memref_slice %arg14[%add3A_12, %dma_wait3A_493] : memref<10000x32xf32, #tpu.memory_space<vmem_shared>> -> memref<80x32xf32, #tpu.memory_space<vmem_shared>>
      %dma_wait3A_495 = arith.constant 0 : i32
      %dma_wait3A_496 = tpu.memref_slice %arg14[%add3A_12, %dma_wait3A_495] : memref<10000x32xf32, #tpu.memory_space<vmem_shared>> -> memref<80x32xf32, #tpu.memory_space<vmem_shared>>
      tpu.wait_dma2 semaphore(%run_scoped3A : memref<!tpu.dma_semaphore, #tpu.memory_space<semaphore_mem>>) src(%arg11 : memref<80x32xf32, #tpu.memory_space<vmem>>) dst(%dma_wait3A_496 : memref<80x32xf32, #tpu.memory_space<vmem_shared>>)
      tpu.yield
    }) : () -> ()
    %add3A_13 = arith.constant 80 : i32
    %add3A_14 = arith.addi %mul3A_8, %add3A_13 : i32
    "tpu.region"() ({
      %run_scoped3A = tpu.sem_alloc : memref<!tpu.dma_semaphore, #tpu.memory_space<semaphore_mem>>
      %dma_start3A_489 = arith.constant 0 : i32
      %dma_start3A_490 = tpu.memref_slice %arg13[%add3A_14, %dma_start3A_489] : memref<10000x128xf32, #tpu.memory_space<vmem_shared>> -> memref<80x128xf32, #tpu.memory_space<vmem_shared>>
      %dma_start3A_491 = arith.constant 0 : i32
      %dma_start3A_492 = tpu.memref_slice %arg13[%add3A_14, %dma_start3A_491] : memref<10000x128xf32, #tpu.memory_space<vmem_shared>> -> memref<80x128xf32, #tpu.memory_space<vmem_shared>>
      tpu.enqueue_dma source(%arg9 : memref<80x128xf32, #tpu.memory_space<vmem>>) target(%dma_start3A_492 : memref<80x128xf32, #tpu.memory_space<vmem_shared>>) target_semaphore(%run_scoped3A : memref<!tpu.dma_semaphore, #tpu.memory_space<semaphore_mem>>)
      %dma_wait3A_493 = arith.constant 0 : i32
      %dma_wait3A_494 = tpu.memref_slice %arg13[%add3A_14, %dma_wait3A_493] : memref<10000x128xf32, #tpu.memory_space<vmem_shared>> -> memref<80x128xf32, #tpu.memory_space<vmem_shared>>
      %dma_wait3A_495 = arith.constant 0 : i32
      %dma_wait3A_496 = tpu.memref_slice %arg13[%add3A_14, %dma_wait3A_495] : memref<10000x128xf32, #tpu.memory_space<vmem_shared>> -> memref<80x128xf32, #tpu.memory_space<vmem_shared>>
      tpu.wait_dma2 semaphore(%run_scoped3A : memref<!tpu.dma_semaphore, #tpu.memory_space<semaphore_mem>>) src(%arg9 : memref<80x128xf32, #tpu.memory_space<vmem>>) dst(%dma_wait3A_496 : memref<80x128xf32, #tpu.memory_space<vmem_shared>>)
      tpu.yield
    }) : () -> ()
    %add3A_15 = arith.constant 80 : i32
    %add3A_16 = arith.addi %mul3A_8, %add3A_15 : i32
    "tpu.region"() ({
      %run_scoped3A = tpu.sem_alloc : memref<!tpu.dma_semaphore, #tpu.memory_space<semaphore_mem>>
      %dma_start3A_489 = arith.constant 0 : i32
      %dma_start3A_490 = tpu.memref_slice %arg14[%add3A_16, %dma_start3A_489] : memref<10000x32xf32, #tpu.memory_space<vmem_shared>> -> memref<80x32xf32, #tpu.memory_space<vmem_shared>>
      %dma_start3A_491 = arith.constant 0 : i32
      %dma_start3A_492 = tpu.memref_slice %arg14[%add3A_16, %dma_start3A_491] : memref<10000x32xf32, #tpu.memory_space<vmem_shared>> -> memref<80x32xf32, #tpu.memory_space<vmem_shared>>
      tpu.enqueue_dma source(%arg11 : memref<80x32xf32, #tpu.memory_space<vmem>>) target(%dma_start3A_492 : memref<80x32xf32, #tpu.memory_space<vmem_shared>>) target_semaphore(%run_scoped3A : memref<!tpu.dma_semaphore, #tpu.memory_space<semaphore_mem>>)
      %dma_wait3A_493 = arith.constant 0 : i32
      %dma_wait3A_494 = tpu.memref_slice %arg14[%add3A_16, %dma_wait3A_493] : memref<10000x32xf32, #tpu.memory_space<vmem_shared>> -> memref<80x32xf32, #tpu.memory_space<vmem_shared>>
      %dma_wait3A_495 = arith.constant 0 : i32
      %dma_wait3A_496 = tpu.memref_slice %arg14[%add3A_16, %dma_wait3A_495] : memref<10000x32xf32, #tpu.memory_space<vmem_shared>> -> memref<80x32xf32, #tpu.memory_space<vmem_shared>>
      tpu.wait_dma2 semaphore(%run_scoped3A : memref<!tpu.dma_semaphore, #tpu.memory_space<semaphore_mem>>) src(%arg11 : memref<80x32xf32, #tpu.memory_space<vmem>>) dst(%dma_wait3A_496 : memref<80x32xf32, #tpu.memory_space<vmem_shared>>)
      tpu.yield
    }) : () -> ()
    %add3A_17 = arith.constant 160 : i32
    %add3A_18 = arith.addi %mul3A_8, %add3A_17 : i32
    "tpu.region"() ({
      %run_scoped3A = tpu.sem_alloc : memref<!tpu.dma_semaphore, #tpu.memory_space<semaphore_mem>>
      %dma_start3A_489 = arith.constant 0 : i32
      %dma_start3A_490 = tpu.memref_slice %arg13[%add3A_18, %dma_start3A_489] : memref<10000x128xf32, #tpu.memory_space<vmem_shared>> -> memref<80x128xf32, #tpu.memory_space<vmem_shared>>
      %dma_start3A_491 = arith.constant 0 : i32
      %dma_start3A_492 = tpu.memref_slice %arg13[%add3A_18, %dma_start3A_491] : memref<10000x128xf32, #tpu.memory_space<vmem_shared>> -> memref<80x128xf32, #tpu.memory_space<vmem_shared>>
      tpu.enqueue_dma source(%arg9 : memref<80x128xf32, #tpu.memory_space<vmem>>) target(%dma_start3A_492 : memref<80x128xf32, #tpu.memory_space<vmem_shared>>) target_semaphore(%run_scoped3A : memref<!tpu.dma_semaphore, #tpu.memory_space<semaphore_mem>>)
      %dma_wait3A_493 = arith.constant 0 : i32
      %dma_wait3A_494 = tpu.memref_slice %arg13[%add3A_18, %dma_wait3A_493] : memref<10000x128xf32, #tpu.memory_space<vmem_shared>> -> memref<80x128xf32, #tpu.memory_space<vmem_shared>>
      %dma_wait3A_495 = arith.constant 0 : i32
      %dma_wait3A_496 = tpu.memref_slice %arg13[%add3A_18, %dma_wait3A_495] : memref<10000x128xf32, #tpu.memory_space<vmem_shared>> -> memref<80x128xf32, #tpu.memory_space<vmem_shared>>
      tpu.wait_dma2 semaphore(%run_scoped3A : memref<!tpu.dma_semaphore, #tpu.memory_space<semaphore_mem>>) src(%arg9 : memref<80x128xf32, #tpu.memory_space<vmem>>) dst(%dma_wait3A_496 : memref<80x128xf32, #tpu.memory_space<vmem_shared>>)
      tpu.yield
    }) : () -> ()
    %add3A_19 = arith.constant 160 : i32
    %add3A_20 = arith.addi %mul3A_8, %add3A_19 : i32
    "tpu.region"() ({
      %run_scoped3A = tpu.sem_alloc : memref<!tpu.dma_semaphore, #tpu.memory_space<semaphore_mem>>
      %dma_start3A_489 = arith.constant 0 : i32
      %dma_start3A_490 = tpu.memref_slice %arg14[%add3A_20, %dma_start3A_489] : memref<10000x32xf32, #tpu.memory_space<vmem_shared>> -> memref<80x32xf32, #tpu.memory_space<vmem_shared>>
      %dma_start3A_491 = arith.constant 0 : i32
      %dma_start3A_492 = tpu.memref_slice %arg14[%add3A_20, %dma_start3A_491] : memref<10000x32xf32, #tpu.memory_space<vmem_shared>> -> memref<80x32xf32, #tpu.memory_space<vmem_shared>>
      tpu.enqueue_dma source(%arg11 : memref<80x32xf32, #tpu.memory_space<vmem>>) target(%dma_start3A_492 : memref<80x32xf32, #tpu.memory_space<vmem_shared>>) target_semaphore(%run_scoped3A : memref<!tpu.dma_semaphore, #tpu.memory_space<semaphore_mem>>)
      %dma_wait3A_493 = arith.constant 0 : i32
      %dma_wait3A_494 = tpu.memref_slice %arg14[%add3A_20, %dma_wait3A_493] : memref<10000x32xf32, #tpu.memory_space<vmem_shared>> -> memref<80x32xf32, #tpu.memory_space<vmem_shared>>
      %dma_wait3A_495 = arith.constant 0 : i32
      %dma_wait3A_496 = tpu.memref_slice %arg14[%add3A_20, %dma_wait3A_495] : memref<10000x32xf32, #tpu.memory_space<vmem_shared>> -> memref<80x32xf32, #tpu.memory_space<vmem_shared>>
      tpu.wait_dma2 semaphore(%run_scoped3A : memref<!tpu.dma_semaphore, #tpu.memory_space<semaphore_mem>>) src(%arg11 : memref<80x32xf32, #tpu.memory_space<vmem>>) dst(%dma_wait3A_496 : memref<80x32xf32, #tpu.memory_space<vmem_shared>>)
      tpu.yield
    }) : () -> ()
    %add3A_21 = arith.constant 240 : i32
    %add3A_22 = arith.addi %mul3A_8, %add3A_21 : i32
    "tpu.region"() ({
      %run_scoped3A = tpu.sem_alloc : memref<!tpu.dma_semaphore, #tpu.memory_space<semaphore_mem>>
      %dma_start3A_489 = arith.constant 0 : i32
      %dma_start3A_490 = tpu.memref_slice %arg13[%add3A_22, %dma_start3A_489] : memref<10000x128xf32, #tpu.memory_space<vmem_shared>> -> memref<80x128xf32, #tpu.memory_space<vmem_shared>>
      %dma_start3A_491 = arith.constant 0 : i32
      %dma_start3A_492 = tpu.memref_slice %arg13[%add3A_22, %dma_start3A_491] : memref<10000x128xf32, #tpu.memory_space<vmem_shared>> -> memref<80x128xf32, #tpu.memory_space<vmem_shared>>
      tpu.enqueue_dma source(%arg9 : memref<80x128xf32, #tpu.memory_space<vmem>>) target(%dma_start3A_492 : memref<80x128xf32, #tpu.memory_space<vmem_shared>>) target_semaphore(%run_scoped3A : memref<!tpu.dma_semaphore, #tpu.memory_space<semaphore_mem>>)
      %dma_wait3A_493 = arith.constant 0 : i32
      %dma_wait3A_494 = tpu.memref_slice %arg13[%add3A_22, %dma_wait3A_493] : memref<10000x128xf32, #tpu.memory_space<vmem_shared>> -> memref<80x128xf32, #tpu.memory_space<vmem_shared>>
      %dma_wait3A_495 = arith.constant 0 : i32
      %dma_wait3A_496 = tpu.memref_slice %arg13[%add3A_22, %dma_wait3A_495] : memref<10000x128xf32, #tpu.memory_space<vmem_shared>> -> memref<80x128xf32, #tpu.memory_space<vmem_shared>>
      tpu.wait_dma2 semaphore(%run_scoped3A : memref<!tpu.dma_semaphore, #tpu.memory_space<semaphore_mem>>) src(%arg9 : memref<80x128xf32, #tpu.memory_space<vmem>>) dst(%dma_wait3A_496 : memref<80x128xf32, #tpu.memory_space<vmem_shared>>)
      tpu.yield
    }) : () -> ()
    %add3A_23 = arith.constant 240 : i32
    %add3A_24 = arith.addi %mul3A_8, %add3A_23 : i32
    "tpu.region"() ({
      %run_scoped3A = tpu.sem_alloc : memref<!tpu.dma_semaphore, #tpu.memory_space<semaphore_mem>>
      %dma_start3A_489 = arith.constant 0 : i32
      %dma_start3A_490 = tpu.memref_slice %arg14[%add3A_24, %dma_start3A_489] : memref<10000x32xf32, #tpu.memory_space<vmem_shared>> -> memref<80x32xf32, #tpu.memory_space<vmem_shared>>
      %dma_start3A_491 = arith.constant 0 : i32
      %dma_start3A_492 = tpu.memref_slice %arg14[%add3A_24, %dma_start3A_491] : memref<10000x32xf32, #tpu.memory_space<vmem_shared>> -> memref<80x32xf32, #tpu.memory_space<vmem_shared>>
      tpu.enqueue_dma source(%arg11 : memref<80x32xf32, #tpu.memory_space<vmem>>) target(%dma_start3A_492 : memref<80x32xf32, #tpu.memory_space<vmem_shared>>) target_semaphore(%run_scoped3A : memref<!tpu.dma_semaphore, #tpu.memory_space<semaphore_mem>>)
      %dma_wait3A_493 = arith.constant 0 : i32
      %dma_wait3A_494 = tpu.memref_slice %arg14[%add3A_24, %dma_wait3A_493] : memref<10000x32xf32, #tpu.memory_space<vmem_shared>> -> memref<80x32xf32, #tpu.memory_space<vmem_shared>>
      %dma_wait3A_495 = arith.constant 0 : i32
      %dma_wait3A_496 = tpu.memref_slice %arg14[%add3A_24, %dma_wait3A_495] : memref<10000x32xf32, #tpu.memory_space<vmem_shared>> -> memref<80x32xf32, #tpu.memory_space<vmem_shared>>
      tpu.wait_dma2 semaphore(%run_scoped3A : memref<!tpu.dma_semaphore, #tpu.memory_space<semaphore_mem>>) src(%arg11 : memref<80x32xf32, #tpu.memory_space<vmem>>) dst(%dma_wait3A_496 : memref<80x32xf32, #tpu.memory_space<vmem_shared>>)
      tpu.yield
    }) : () -> ()
    %add3A_25 = arith.constant 320 : i32
    %add3A_26 = arith.addi %mul3A_8, %add3A_25 : i32
    "tpu.region"() ({
      %run_scoped3A = tpu.sem_alloc : memref<!tpu.dma_semaphore, #tpu.memory_space<semaphore_mem>>
      %dma_start3A_489 = arith.constant 0 : i32
      %dma_start3A_490 = tpu.memref_slice %arg13[%add3A_26, %dma_start3A_489] : memref<10000x128xf32, #tpu.memory_space<vmem_shared>> -> memref<80x128xf32, #tpu.memory_space<vmem_shared>>
      %dma_start3A_491 = arith.constant 0 : i32
      %dma_start3A_492 = tpu.memref_slice %arg13[%add3A_26, %dma_start3A_491] : memref<10000x128xf32, #tpu.memory_space<vmem_shared>> -> memref<80x128xf32, #tpu.memory_space<vmem_shared>>
      tpu.enqueue_dma source(%arg9 : memref<80x128xf32, #tpu.memory_space<vmem>>) target(%dma_start3A_492 : memref<80x128xf32, #tpu.memory_space<vmem_shared>>) target_semaphore(%run_scoped3A : memref<!tpu.dma_semaphore, #tpu.memory_space<semaphore_mem>>)
      %dma_wait3A_493 = arith.constant 0 : i32
      %dma_wait3A_494 = tpu.memref_slice %arg13[%add3A_26, %dma_wait3A_493] : memref<10000x128xf32, #tpu.memory_space<vmem_shared>> -> memref<80x128xf32, #tpu.memory_space<vmem_shared>>
      %dma_wait3A_495 = arith.constant 0 : i32
      %dma_wait3A_496 = tpu.memref_slice %arg13[%add3A_26, %dma_wait3A_495] : memref<10000x128xf32, #tpu.memory_space<vmem_shared>> -> memref<80x128xf32, #tpu.memory_space<vmem_shared>>
      tpu.wait_dma2 semaphore(%run_scoped3A : memref<!tpu.dma_semaphore, #tpu.memory_space<semaphore_mem>>) src(%arg9 : memref<80x128xf32, #tpu.memory_space<vmem>>) dst(%dma_wait3A_496 : memref<80x128xf32, #tpu.memory_space<vmem_shared>>)
      tpu.yield
    }) : () -> ()
    %add3A_27 = arith.constant 320 : i32
    %add3A_28 = arith.addi %mul3A_8, %add3A_27 : i32
    "tpu.region"() ({
      %run_scoped3A = tpu.sem_alloc : memref<!tpu.dma_semaphore, #tpu.memory_space<semaphore_mem>>
      %dma_start3A_489 = arith.constant 0 : i32
      %dma_start3A_490 = tpu.memref_slice %arg14[%add3A_28, %dma_start3A_489] : memref<10000x32xf32, #tpu.memory_space<vmem_shared>> -> memref<80x32xf32, #tpu.memory_space<vmem_shared>>
      %dma_start3A_491 = arith.constant 0 : i32
      %dma_start3A_492 = tpu.memref_slice %arg14[%add3A_28, %dma_start3A_491] : memref<10000x32xf32, #tpu.memory_space<vmem_shared>> -> memref<80x32xf32, #tpu.memory_space<vmem_shared>>
      tpu.enqueue_dma source(%arg11 : memref<80x32xf32, #tpu.memory_space<vmem>>) target(%dma_start3A_492 : memref<80x32xf32, #tpu.memory_space<vmem_shared>>) target_semaphore(%run_scoped3A : memref<!tpu.dma_semaphore, #tpu.memory_space<semaphore_mem>>)
      %dma_wait3A_493 = arith.constant 0 : i32
      %dma_wait3A_494 = tpu.memref_slice %arg14[%add3A_28, %dma_wait3A_493] : memref<10000x32xf32, #tpu.memory_space<vmem_shared>> -> memref<80x32xf32, #tpu.memory_space<vmem_shared>>
      %dma_wait3A_495 = arith.constant 0 : i32
      %dma_wait3A_496 = tpu.memref_slice %arg14[%add3A_28, %dma_wait3A_495] : memref<10000x32xf32, #tpu.memory_space<vmem_shared>> -> memref<80x32xf32, #tpu.memory_space<vmem_shared>>
      tpu.wait_dma2 semaphore(%run_scoped3A : memref<!tpu.dma_semaphore, #tpu.memory_space<semaphore_mem>>) src(%arg11 : memref<80x32xf32, #tpu.memory_space<vmem>>) dst(%dma_wait3A_496 : memref<80x32xf32, #tpu.memory_space<vmem_shared>>)
      tpu.yield
    }) : () -> ()
    %add3A_29 = arith.constant 400 : i32
    %add3A_30 = arith.addi %mul3A_8, %add3A_29 : i32
    "tpu.region"() ({
      %run_scoped3A = tpu.sem_alloc : memref<!tpu.dma_semaphore, #tpu.memory_space<semaphore_mem>>
      %dma_start3A_489 = arith.constant 0 : i32
      %dma_start3A_490 = tpu.memref_slice %arg13[%add3A_30, %dma_start3A_489] : memref<10000x128xf32, #tpu.memory_space<vmem_shared>> -> memref<80x128xf32, #tpu.memory_space<vmem_shared>>
      %dma_start3A_491 = arith.constant 0 : i32
      %dma_start3A_492 = tpu.memref_slice %arg13[%add3A_30, %dma_start3A_491] : memref<10000x128xf32, #tpu.memory_space<vmem_shared>> -> memref<80x128xf32, #tpu.memory_space<vmem_shared>>
      tpu.enqueue_dma source(%arg9 : memref<80x128xf32, #tpu.memory_space<vmem>>) target(%dma_start3A_492 : memref<80x128xf32, #tpu.memory_space<vmem_shared>>) target_semaphore(%run_scoped3A : memref<!tpu.dma_semaphore, #tpu.memory_space<semaphore_mem>>)
      %dma_wait3A_493 = arith.constant 0 : i32
      %dma_wait3A_494 = tpu.memref_slice %arg13[%add3A_30, %dma_wait3A_493] : memref<10000x128xf32, #tpu.memory_space<vmem_shared>> -> memref<80x128xf32, #tpu.memory_space<vmem_shared>>
      %dma_wait3A_495 = arith.constant 0 : i32
      %dma_wait3A_496 = tpu.memref_slice %arg13[%add3A_30, %dma_wait3A_495] : memref<10000x128xf32, #tpu.memory_space<vmem_shared>> -> memref<80x128xf32, #tpu.memory_space<vmem_shared>>
      tpu.wait_dma2 semaphore(%run_scoped3A : memref<!tpu.dma_semaphore, #tpu.memory_space<semaphore_mem>>) src(%arg9 : memref<80x128xf32, #tpu.memory_space<vmem>>) dst(%dma_wait3A_496 : memref<80x128xf32, #tpu.memory_space<vmem_shared>>)
      tpu.yield
    }) : () -> ()
    %add3A_31 = arith.constant 400 : i32
    %add3A_32 = arith.addi %mul3A_8, %add3A_31 : i32
    "tpu.region"() ({
      %run_scoped3A = tpu.sem_alloc : memref<!tpu.dma_semaphore, #tpu.memory_space<semaphore_mem>>
      %dma_start3A_489 = arith.constant 0 : i32
      %dma_start3A_490 = tpu.memref_slice %arg14[%add3A_32, %dma_start3A_489] : memref<10000x32xf32, #tpu.memory_space<vmem_shared>> -> memref<80x32xf32, #tpu.memory_space<vmem_shared>>
      %dma_start3A_491 = arith.constant 0 : i32
      %dma_start3A_492 = tpu.memref_slice %arg14[%add3A_32, %dma_start3A_491] : memref<10000x32xf32, #tpu.memory_space<vmem_shared>> -> memref<80x32xf32, #tpu.memory_space<vmem_shared>>
      tpu.enqueue_dma source(%arg11 : memref<80x32xf32, #tpu.memory_space<vmem>>) target(%dma_start3A_492 : memref<80x32xf32, #tpu.memory_space<vmem_shared>>) target_semaphore(%run_scoped3A : memref<!tpu.dma_semaphore, #tpu.memory_space<semaphore_mem>>)
      %dma_wait3A_493 = arith.constant 0 : i32
      %dma_wait3A_494 = tpu.memref_slice %arg14[%add3A_32, %dma_wait3A_493] : memref<10000x32xf32, #tpu.memory_space<vmem_shared>> -> memref<80x32xf32, #tpu.memory_space<vmem_shared>>
      %dma_wait3A_495 = arith.constant 0 : i32
      %dma_wait3A_496 = tpu.memref_slice %arg14[%add3A_32, %dma_wait3A_495] : memref<10000x32xf32, #tpu.memory_space<vmem_shared>> -> memref<80x32xf32, #tpu.memory_space<vmem_shared>>
      tpu.wait_dma2 semaphore(%run_scoped3A : memref<!tpu.dma_semaphore, #tpu.memory_space<semaphore_mem>>) src(%arg11 : memref<80x32xf32, #tpu.memory_space<vmem>>) dst(%dma_wait3A_496 : memref<80x32xf32, #tpu.memory_space<vmem_shared>>)
      tpu.yield
    }) : () -> ()
    %add3A_33 = arith.constant 480 : i32
    %add3A_34 = arith.addi %mul3A_8, %add3A_33 : i32
    "tpu.region"() ({
      %run_scoped3A = tpu.sem_alloc : memref<!tpu.dma_semaphore, #tpu.memory_space<semaphore_mem>>
      %dma_start3A_489 = arith.constant 0 : i32
      %dma_start3A_490 = tpu.memref_slice %arg13[%add3A_34, %dma_start3A_489] : memref<10000x128xf32, #tpu.memory_space<vmem_shared>> -> memref<80x128xf32, #tpu.memory_space<vmem_shared>>
      %dma_start3A_491 = arith.constant 0 : i32
      %dma_start3A_492 = tpu.memref_slice %arg13[%add3A_34, %dma_start3A_491] : memref<10000x128xf32, #tpu.memory_space<vmem_shared>> -> memref<80x128xf32, #tpu.memory_space<vmem_shared>>
      tpu.enqueue_dma source(%arg9 : memref<80x128xf32, #tpu.memory_space<vmem>>) target(%dma_start3A_492 : memref<80x128xf32, #tpu.memory_space<vmem_shared>>) target_semaphore(%run_scoped3A : memref<!tpu.dma_semaphore, #tpu.memory_space<semaphore_mem>>)
      %dma_wait3A_493 = arith.constant 0 : i32
      %dma_wait3A_494 = tpu.memref_slice %arg13[%add3A_34, %dma_wait3A_493] : memref<10000x128xf32, #tpu.memory_space<vmem_shared>> -> memref<80x128xf32, #tpu.memory_space<vmem_shared>>
      %dma_wait3A_495 = arith.constant 0 : i32
      %dma_wait3A_496 = tpu.memref_slice %arg13[%add3A_34, %dma_wait3A_495] : memref<10000x128xf32, #tpu.memory_space<vmem_shared>> -> memref<80x128xf32, #tpu.memory_space<vmem_shared>>
      tpu.wait_dma2 semaphore(%run_scoped3A : memref<!tpu.dma_semaphore, #tpu.memory_space<semaphore_mem>>) src(%arg9 : memref<80x128xf32, #tpu.memory_space<vmem>>) dst(%dma_wait3A_496 : memref<80x128xf32, #tpu.memory_space<vmem_shared>>)
      tpu.yield
    }) : () -> ()
    %add3A_35 = arith.constant 480 : i32
    %add3A_36 = arith.addi %mul3A_8, %add3A_35 : i32
    "tpu.region"() ({
      %run_scoped3A = tpu.sem_alloc : memref<!tpu.dma_semaphore, #tpu.memory_space<semaphore_mem>>
      %dma_start3A_489 = arith.constant 0 : i32
      %dma_start3A_490 = tpu.memref_slice %arg14[%add3A_36, %dma_start3A_489] : memref<10000x32xf32, #tpu.memory_space<vmem_shared>> -> memref<80x32xf32, #tpu.memory_space<vmem_shared>>
      %dma_start3A_491 = arith.constant 0 : i32
      %dma_start3A_492 = tpu.memref_slice %arg14[%add3A_36, %dma_start3A_491] : memref<10000x32xf32, #tpu.memory_space<vmem_shared>> -> memref<80x32xf32, #tpu.memory_space<vmem_shared>>
      tpu.enqueue_dma source(%arg11 : memref<80x32xf32, #tpu.memory_space<vmem>>) target(%dma_start3A_492 : memref<80x32xf32, #tpu.memory_space<vmem_shared>>) target_semaphore(%run_scoped3A : memref<!tpu.dma_semaphore, #tpu.memory_space<semaphore_mem>>)
      %dma_wait3A_493 = arith.constant 0 : i32
      %dma_wait3A_494 = tpu.memref_slice %arg14[%add3A_36, %dma_wait3A_493] : memref<10000x32xf32, #tpu.memory_space<vmem_shared>> -> memref<80x32xf32, #tpu.memory_space<vmem_shared>>
      %dma_wait3A_495 = arith.constant 0 : i32
      %dma_wait3A_496 = tpu.memref_slice %arg14[%add3A_36, %dma_wait3A_495] : memref<10000x32xf32, #tpu.memory_space<vmem_shared>> -> memref<80x32xf32, #tpu.memory_space<vmem_shared>>
      tpu.wait_dma2 semaphore(%run_scoped3A : memref<!tpu.dma_semaphore, #tpu.memory_space<semaphore_mem>>) src(%arg11 : memref<80x32xf32, #tpu.memory_space<vmem>>) dst(%dma_wait3A_496 : memref<80x32xf32, #tpu.memory_space<vmem_shared>>)
      tpu.yield
    }) : () -> ()
    %add3A_37 = arith.constant 624 : i32
    %add3A_38 = arith.addi %mul3A_8, %add3A_37 : i32
    %sub3A = arith.constant 64 : i32
    %sub3A_39 = arith.subi %add3A_38, %sub3A : i32
    "tpu.region"() ({
      %run_scoped3A = tpu.sem_alloc : memref<!tpu.dma_semaphore, #tpu.memory_space<semaphore_mem>>
      %dma_start3A_489 = arith.constant 0 : i32
      %dma_start3A_490 = arith.constant 0 : i32
      %dma_start3A_491 = tpu.memref_slice %arg9[%dma_start3A_489, %dma_start3A_490] : memref<80x128xf32, #tpu.memory_space<vmem>> -> memref<64x128xf32, #tpu.memory_space<vmem>>
      %dma_start3A_492 = arith.constant 0 : i32
      %dma_start3A_493 = tpu.memref_slice %arg13[%sub3A_39, %dma_start3A_492] : memref<10000x128xf32, #tpu.memory_space<vmem_shared>> -> memref<64x128xf32, #tpu.memory_space<vmem_shared>>
      %dma_start3A_494 = arith.constant 0 : i32
      %dma_start3A_495 = tpu.memref_slice %arg13[%sub3A_39, %dma_start3A_494] : memref<10000x128xf32, #tpu.memory_space<vmem_shared>> -> memref<64x128xf32, #tpu.memory_space<vmem_shared>>
      %dma_start3A_496 = arith.constant 0 : i32
      %dma_start3A_497 = arith.constant 0 : i32
      %dma_start3A_498 = tpu.memref_slice %arg9[%dma_start3A_496, %dma_start3A_497] : memref<80x128xf32, #tpu.memory_space<vmem>> -> memref<64x128xf32, #tpu.memory_space<vmem>>
      tpu.enqueue_dma source(%dma_start3A_498 : memref<64x128xf32, #tpu.memory_space<vmem>>) target(%dma_start3A_495 : memref<64x128xf32, #tpu.memory_space<vmem_shared>>) target_semaphore(%run_scoped3A : memref<!tpu.dma_semaphore, #tpu.memory_space<semaphore_mem>>)
      %dma_wait3A_499 = arith.constant 0 : i32
      %dma_wait3A_500 = arith.constant 0 : i32
      %dma_wait3A_501 = tpu.memref_slice %arg9[%dma_wait3A_499, %dma_wait3A_500] : memref<80x128xf32, #tpu.memory_space<vmem>> -> memref<64x128xf32, #tpu.memory_space<vmem>>
      %dma_wait3A_502 = arith.constant 0 : i32
      %dma_wait3A_503 = tpu.memref_slice %arg13[%sub3A_39, %dma_wait3A_502] : memref<10000x128xf32, #tpu.memory_space<vmem_shared>> -> memref<64x128xf32, #tpu.memory_space<vmem_shared>>
      %dma_wait3A_504 = arith.constant 0 : i32
      %dma_wait3A_505 = tpu.memref_slice %arg13[%sub3A_39, %dma_wait3A_504] : memref<10000x128xf32, #tpu.memory_space<vmem_shared>> -> memref<64x128xf32, #tpu.memory_space<vmem_shared>>
      %dma_wait3A_506 = arith.constant 0 : i32
      %dma_wait3A_507 = arith.constant 0 : i32
      %dma_wait3A_508 = tpu.memref_slice %arg9[%dma_wait3A_506, %dma_wait3A_507] : memref<80x128xf32, #tpu.memory_space<vmem>> -> memref<64x128xf32, #tpu.memory_space<vmem>>
      tpu.wait_dma2 semaphore(%run_scoped3A : memref<!tpu.dma_semaphore, #tpu.memory_space<semaphore_mem>>) src(%dma_wait3A_508 : memref<64x128xf32, #tpu.memory_space<vmem>>) dst(%dma_wait3A_505 : memref<64x128xf32, #tpu.memory_space<vmem_shared>>)
      tpu.yield
    }) : () -> ()
    %add3A_40 = arith.constant 624 : i32
    %add3A_41 = arith.addi %mul3A_8, %add3A_40 : i32
    %sub3A_42 = arith.constant 64 : i32
    %sub3A_43 = arith.subi %add3A_41, %sub3A_42 : i32
    "tpu.region"() ({
      %run_scoped3A = tpu.sem_alloc : memref<!tpu.dma_semaphore, #tpu.memory_space<semaphore_mem>>
      %dma_start3A_489 = arith.constant 0 : i32
      %dma_start3A_490 = arith.constant 0 : i32
      %dma_start3A_491 = tpu.memref_slice %arg11[%dma_start3A_489, %dma_start3A_490] : memref<80x32xf32, #tpu.memory_space<vmem>> -> memref<64x32xf32, #tpu.memory_space<vmem>>
      %dma_start3A_492 = arith.constant 0 : i32
      %dma_start3A_493 = tpu.memref_slice %arg14[%sub3A_43, %dma_start3A_492] : memref<10000x32xf32, #tpu.memory_space<vmem_shared>> -> memref<64x32xf32, #tpu.memory_space<vmem_shared>>
      %dma_start3A_494 = arith.constant 0 : i32
      %dma_start3A_495 = tpu.memref_slice %arg14[%sub3A_43, %dma_start3A_494] : memref<10000x32xf32, #tpu.memory_space<vmem_shared>> -> memref<64x32xf32, #tpu.memory_space<vmem_shared>>
      %dma_start3A_496 = arith.constant 0 : i32
      %dma_start3A_497 = arith.constant 0 : i32
      %dma_start3A_498 = tpu.memref_slice %arg11[%dma_start3A_496, %dma_start3A_497] : memref<80x32xf32, #tpu.memory_space<vmem>> -> memref<64x32xf32, #tpu.memory_space<vmem>>
      tpu.enqueue_dma source(%dma_start3A_498 : memref<64x32xf32, #tpu.memory_space<vmem>>) target(%dma_start3A_495 : memref<64x32xf32, #tpu.memory_space<vmem_shared>>) target_semaphore(%run_scoped3A : memref<!tpu.dma_semaphore, #tpu.memory_space<semaphore_mem>>)
      %dma_wait3A_499 = arith.constant 0 : i32
      %dma_wait3A_500 = arith.constant 0 : i32
      %dma_wait3A_501 = tpu.memref_slice %arg11[%dma_wait3A_499, %dma_wait3A_500] : memref<80x32xf32, #tpu.memory_space<vmem>> -> memref<64x32xf32, #tpu.memory_space<vmem>>
      %dma_wait3A_502 = arith.constant 0 : i32
      %dma_wait3A_503 = tpu.memref_slice %arg14[%sub3A_43, %dma_wait3A_502] : memref<10000x32xf32, #tpu.memory_space<vmem_shared>> -> memref<64x32xf32, #tpu.memory_space<vmem_shared>>
      %dma_wait3A_504 = arith.constant 0 : i32
      %dma_wait3A_505 = tpu.memref_slice %arg14[%sub3A_43, %dma_wait3A_504] : memref<10000x32xf32, #tpu.memory_space<vmem_shared>> -> memref<64x32xf32, #tpu.memory_space<vmem_shared>>
      %dma_wait3A_506 = arith.constant 0 : i32
      %dma_wait3A_507 = arith.constant 0 : i32
      %dma_wait3A_508 = tpu.memref_slice %arg11[%dma_wait3A_506, %dma_wait3A_507] : memref<80x32xf32, #tpu.memory_space<vmem>> -> memref<64x32xf32, #tpu.memory_space<vmem>>
      tpu.wait_dma2 semaphore(%run_scoped3A : memref<!tpu.dma_semaphore, #tpu.memory_space<semaphore_mem>>) src(%dma_wait3A_508 : memref<64x32xf32, #tpu.memory_space<vmem>>) dst(%dma_wait3A_505 : memref<64x32xf32, #tpu.memory_space<vmem_shared>>)
      tpu.yield
    }) : () -> ()
    %eq3A = arith.constant 15 : i32
    %eq3A_44 = arith.cmpi eq, %arg1, %eq3A : i32
    %convert_element_type3A = arith.extui %eq3A_44 : i1 to i32
    %cond3A = arith.constant 0 : i32
    %cond3A_45 = arith.cmpi ne, %convert_element_type3A, %cond3A : i32
    scf.if %cond3A_45 {
      "tpu.region"() ({
        %run_scoped3A = tpu.sem_alloc : memref<!tpu.dma_semaphore, #tpu.memory_space<semaphore_mem>>
        %dma_start3A_489 = arith.constant 0 : i32
        %dma_start3A_490 = arith.constant 0 : i32
        %dma_start3A_491 = tpu.memref_slice %arg9[%dma_start3A_489, %dma_start3A_490] : memref<80x128xf32, #tpu.memory_space<vmem>> -> memref<16x128xf32, #tpu.memory_space<vmem>>
        %dma_start3A_492 = arith.constant 9984 : i32
        %dma_start3A_493 = arith.constant 0 : i32
        %dma_start3A_494 = tpu.memref_slice %arg13[%dma_start3A_492, %dma_start3A_493] : memref<10000x128xf32, #tpu.memory_space<vmem_shared>> -> memref<16x128xf32, #tpu.memory_space<vmem_shared>>
        %dma_start3A_495 = arith.constant 9984 : i32
        %dma_start3A_496 = arith.constant 0 : i32
        %dma_start3A_497 = tpu.memref_slice %arg13[%dma_start3A_495, %dma_start3A_496] : memref<10000x128xf32, #tpu.memory_space<vmem_shared>> -> memref<16x128xf32, #tpu.memory_space<vmem_shared>>
        %dma_start3A_498 = arith.constant 0 : i32
        %dma_start3A_499 = arith.constant 0 : i32
        %dma_start3A_500 = tpu.memref_slice %arg9[%dma_start3A_498, %dma_start3A_499] : memref<80x128xf32, #tpu.memory_space<vmem>> -> memref<16x128xf32, #tpu.memory_space<vmem>>
        tpu.enqueue_dma source(%dma_start3A_500 : memref<16x128xf32, #tpu.memory_space<vmem>>) target(%dma_start3A_497 : memref<16x128xf32, #tpu.memory_space<vmem_shared>>) target_semaphore(%run_scoped3A : memref<!tpu.dma_semaphore, #tpu.memory_space<semaphore_mem>>)
        %dma_wait3A_501 = arith.constant 0 : i32
        %dma_wait3A_502 = arith.constant 0 : i32
        %dma_wait3A_503 = tpu.memref_slice %arg9[%dma_wait3A_501, %dma_wait3A_502] : memref<80x128xf32, #tpu.memory_space<vmem>> -> memref<16x128xf32, #tpu.memory_space<vmem>>
        %dma_wait3A_504 = arith.constant 9984 : i32
        %dma_wait3A_505 = arith.constant 0 : i32
        %dma_wait3A_506 = tpu.memref_slice %arg13[%dma_wait3A_504, %dma_wait3A_505] : memref<10000x128xf32, #tpu.memory_space<vmem_shared>> -> memref<16x128xf32, #tpu.memory_space<vmem_shared>>
        %dma_wait3A_507 = arith.constant 9984 : i32
        %dma_wait3A_508 = arith.constant 0 : i32
        %dma_wait3A_509 = tpu.memref_slice %arg13[%dma_wait3A_507, %dma_wait3A_508] : memref<10000x128xf32, #tpu.memory_space<vmem_shared>> -> memref<16x128xf32, #tpu.memory_space<vmem_shared>>
        %dma_wait3A_510 = arith.constant 0 : i32
        %dma_wait3A_511 = arith.constant 0 : i32
        %dma_wait3A_512 = tpu.memref_slice %arg9[%dma_wait3A_510, %dma_wait3A_511] : memref<80x128xf32, #tpu.memory_space<vmem>> -> memref<16x128xf32, #tpu.memory_space<vmem>>
        tpu.wait_dma2 semaphore(%run_scoped3A : memref<!tpu.dma_semaphore, #tpu.memory_space<semaphore_mem>>) src(%dma_wait3A_512 : memref<16x128xf32, #tpu.memory_space<vmem>>) dst(%dma_wait3A_509 : memref<16x128xf32, #tpu.memory_space<vmem_shared>>)
        tpu.yield
      }) : () -> ()
      "tpu.region"() ({
        %run_scoped3A = tpu.sem_alloc : memref<!tpu.dma_semaphore, #tpu.memory_space<semaphore_mem>>
        %dma_start3A_489 = arith.constant 0 : i32
        %dma_start3A_490 = arith.constant 0 : i32
        %dma_start3A_491 = tpu.memref_slice %arg11[%dma_start3A_489, %dma_start3A_490] : memref<80x32xf32, #tpu.memory_space<vmem>> -> memref<16x32xf32, #tpu.memory_space<vmem>>
        %dma_start3A_492 = arith.constant 9984 : i32
        %dma_start3A_493 = arith.constant 0 : i32
        %dma_start3A_494 = tpu.memref_slice %arg14[%dma_start3A_492, %dma_start3A_493] : memref<10000x32xf32, #tpu.memory_space<vmem_shared>> -> memref<16x32xf32, #tpu.memory_space<vmem_shared>>
        %dma_start3A_495 = arith.constant 9984 : i32
        %dma_start3A_496 = arith.constant 0 : i32
        %dma_start3A_497 = tpu.memref_slice %arg14[%dma_start3A_495, %dma_start3A_496] : memref<10000x32xf32, #tpu.memory_space<vmem_shared>> -> memref<16x32xf32, #tpu.memory_space<vmem_shared>>
        %dma_start3A_498 = arith.constant 0 : i32
        %dma_start3A_499 = arith.constant 0 : i32
        %dma_start3A_500 = tpu.memref_slice %arg11[%dma_start3A_498, %dma_start3A_499] : memref<80x32xf32, #tpu.memory_space<vmem>> -> memref<16x32xf32, #tpu.memory_space<vmem>>
        tpu.enqueue_dma source(%dma_start3A_500 : memref<16x32xf32, #tpu.memory_space<vmem>>) target(%dma_start3A_497 : memref<16x32xf32, #tpu.memory_space<vmem_shared>>) target_semaphore(%run_scoped3A : memref<!tpu.dma_semaphore, #tpu.memory_space<semaphore_mem>>)
        %dma_wait3A_501 = arith.constant 0 : i32
        %dma_wait3A_502 = arith.constant 0 : i32
        %dma_wait3A_503 = tpu.memref_slice %arg11[%dma_wait3A_501, %dma_wait3A_502] : memref<80x32xf32, #tpu.memory_space<vmem>> -> memref<16x32xf32, #tpu.memory_space<vmem>>
        %dma_wait3A_504 = arith.constant 9984 : i32
        %dma_wait3A_505 = arith.constant 0 : i32
        %dma_wait3A_506 = tpu.memref_slice %arg14[%dma_wait3A_504, %dma_wait3A_505] : memref<10000x32xf32, #tpu.memory_space<vmem_shared>> -> memref<16x32xf32, #tpu.memory_space<vmem_shared>>
        %dma_wait3A_507 = arith.constant 9984 : i32
        %dma_wait3A_508 = arith.constant 0 : i32
        %dma_wait3A_509 = tpu.memref_slice %arg14[%dma_wait3A_507, %dma_wait3A_508] : memref<10000x32xf32, #tpu.memory_space<vmem_shared>> -> memref<16x32xf32, #tpu.memory_space<vmem_shared>>
        %dma_wait3A_510 = arith.constant 0 : i32
        %dma_wait3A_511 = arith.constant 0 : i32
        %dma_wait3A_512 = tpu.memref_slice %arg11[%dma_wait3A_510, %dma_wait3A_511] : memref<80x32xf32, #tpu.memory_space<vmem>> -> memref<16x32xf32, #tpu.memory_space<vmem>>
        tpu.wait_dma2 semaphore(%run_scoped3A : memref<!tpu.dma_semaphore, #tpu.memory_space<semaphore_mem>>) src(%dma_wait3A_512 : memref<16x32xf32, #tpu.memory_space<vmem>>) dst(%dma_wait3A_509 : memref<16x32xf32, #tpu.memory_space<vmem_shared>>)
        tpu.yield
      }) : () -> ()
    } else {
    }
    %iota3A = tpu.iota {dimensions = array<i32: 0>} : vector<16xi32>
    %eq3A_46 = arith.constant 0 : i32
    %eq3A_47 = vector.broadcast %eq3A_46 : i32 to vector<16xi32>
    %eq3A_48 = arith.cmpi eq, %iota3A, %eq3A_47 : vector<16xi32>
    %jit3A = arith.constant 1.000000e+00 : f32
    %jit3A_49 = arith.constant 0.000000e+00 : f32
    %broadcast_in_dim3A = vector.broadcast %jit3A : f32 to vector<16xf32>
    %broadcast_in_dim3A_50 = vector.broadcast %jit3A_49 : f32 to vector<16xf32>
    %select_n3A = arith.select %eq3A_48, %broadcast_in_dim3A, %broadcast_in_dim3A_50 : vector<16xi1>, vector<16xf32>
    %scan3A_51 = arith.constant 0 : i32
    %scan3A_52 = arith.constant 0 : i32
    %scan3A_53 = arith.constant 80 : i32
    %scan3A_54 = arith.addi %scan3A_52, %scan3A_53 : i32
    %scan3A_55 = arith.constant 1 : i32
    %scan3A_56 = scf.for %scan3A_489 = %scan3A_52 to %scan3A_54 step %scan3A_55 iter_args(%scan3A_490 = %scan3A_51) -> (i32)  : i32 {
      %swap3A = arith.index_cast %scan3A_489 : i32 to index
      %swap3A_491 = arith.constant 16 : index
      %swap3A_492 = tpu.vector_load %arg11[%swap3A, %swap3A_491] {strides = array<i32>} : memref<80x32xf32, #tpu.memory_space<vmem>>, vector<1x16xf32>,
      %swap3A_493 = vector.shape_cast %swap3A_492 : vector<1x16xf32> to vector<16xf32>
      %swap3A_494 = vector.shape_cast %select_n3A : vector<16xf32> to vector<1x16xf32>
      tpu.vector_store %arg11[%swap3A, %swap3A_491], %swap3A_494 {strides = array<i32>} : memref<80x32xf32, #tpu.memory_space<vmem>>, vector<1x16xf32>,
      %swap3A_495 = arith.index_cast %scan3A_489 : i32 to index
      %swap3A_496 = arith.constant 16 : index
      %swap3A_497 = tpu.vector_load %arg12[%swap3A_495, %swap3A_496] {strides = array<i32>} : memref<80x32xf32, #tpu.memory_space<vmem>>, vector<1x16xf32>,
      %swap3A_498 = vector.shape_cast %swap3A_497 : vector<1x16xf32> to vector<16xf32>
      %swap3A_499 = vector.shape_cast %select_n3A : vector<16xf32> to vector<1x16xf32>
      tpu.vector_store %arg12[%swap3A_495, %swap3A_496], %swap3A_499 {strides = array<i32>} : memref<80x32xf32, #tpu.memory_space<vmem>>, vector<1x16xf32>,
      %scan3A_500 = arith.constant 0 : i32
      scf.yield %scan3A_500 : i32
    }
    %scan3A_57 = arith.constant 80 : i32
    %barrier3A = arith.constant 0 : index
    tpu.barrier barrier_id(%barrier3A)
    %mul3A_58 = arith.constant 10000 : i32
    %mul3A_59 = arith.muli %add3A, %mul3A_58 : i32
    %add3A_60 = arith.constant 0 : i32
    %add3A_61 = arith.addi %mul3A_59, %add3A_60 : i32
    %dma_start3A = arith.constant 0 : i32
    %dma_start3A_62 = arith.constant 0 : i32
    %dma_start3A_63 = arith.constant 0 : i32
    %dma_start3A_64 = tpu.memref_slice %arg7[%dma_start3A_62, %dma_start3A_63] : memref<2x400xi32, #tpu.memory_space<vmem>> -> memref<1x400xi32, #tpu.memory_space<vmem>>
    %dma_start3A_65 = tpu.memref_squeeze %dma_start3A_64 : memref<1x400xi32, #tpu.memory_space<vmem>> -> memref<400xi32, #tpu.memory_space<vmem>>
    %dma_start3A_66 = tpu.memref_slice %arg3[%dma_start3A, %add3A_61] : memref<2x320000xi32, #tpu.memory_space<hbm>> -> memref<1x400xi32, #tpu.memory_space<hbm>>
    %dma_start3A_67 = tpu.memref_squeeze %dma_start3A_66 : memref<1x400xi32, #tpu.memory_space<hbm>> -> memref<400xi32, #tpu.memory_space<hbm>>
    %dma_start3A_68 = arith.constant 0 : i32
    %dma_start3A_69 = tpu.memref_slice %arg7[%dma_start3A_62, %dma_start3A_68] : memref<2x400xi32, #tpu.memory_space<vmem>> -> memref<1x400xi32, #tpu.memory_space<vmem>>
    %dma_start3A_70 = tpu.memref_squeeze %dma_start3A_69 : memref<1x400xi32, #tpu.memory_space<vmem>> -> memref<400xi32, #tpu.memory_space<vmem>>
    %dma_start3A_71 = tpu.memref_slice %arg3[%dma_start3A, %add3A_61] : memref<2x320000xi32, #tpu.memory_space<hbm>> -> memref<1x400xi32, #tpu.memory_space<hbm>>
    %dma_start3A_72 = tpu.memref_squeeze %dma_start3A_71 : memref<1x400xi32, #tpu.memory_space<hbm>> -> memref<400xi32, #tpu.memory_space<hbm>>
    tpu.enqueue_dma source(%dma_start3A_72 : memref<400xi32, #tpu.memory_space<hbm>>) target(%dma_start3A_70 : memref<400xi32, #tpu.memory_space<vmem>>) target_semaphore(%arg19 : memref<!tpu.dma_semaphore, #tpu.memory_space<semaphore_mem>>)
    %dma_start3A_73 = arith.constant 1 : i32
    %dma_start3A_74 = arith.constant 1 : i32
    %dma_start3A_75 = arith.constant 0 : i32
    %dma_start3A_76 = tpu.memref_slice %arg7[%dma_start3A_74, %dma_start3A_75] : memref<2x400xi32, #tpu.memory_space<vmem>> -> memref<1x400xi32, #tpu.memory_space<vmem>>
    %dma_start3A_77 = tpu.memref_squeeze %dma_start3A_76 : memref<1x400xi32, #tpu.memory_space<vmem>> -> memref<400xi32, #tpu.memory_space<vmem>>
    %dma_start3A_78 = tpu.memref_slice %arg3[%dma_start3A_73, %add3A_61] : memref<2x320000xi32, #tpu.memory_space<hbm>> -> memref<1x400xi32, #tpu.memory_space<hbm>>
    %dma_start3A_79 = tpu.memref_squeeze %dma_start3A_78 : memref<1x400xi32, #tpu.memory_space<hbm>> -> memref<400xi32, #tpu.memory_space<hbm>>
    %dma_start3A_80 = arith.constant 0 : i32
    %dma_start3A_81 = tpu.memref_slice %arg7[%dma_start3A_74, %dma_start3A_80] : memref<2x400xi32, #tpu.memory_space<vmem>> -> memref<1x400xi32, #tpu.memory_space<vmem>>
    %dma_start3A_82 = tpu.memref_squeeze %dma_start3A_81 : memref<1x400xi32, #tpu.memory_space<vmem>> -> memref<400xi32, #tpu.memory_space<vmem>>
    %dma_start3A_83 = tpu.memref_slice %arg3[%dma_start3A_73, %add3A_61] : memref<2x320000xi32, #tpu.memory_space<hbm>> -> memref<1x400xi32, #tpu.memory_space<hbm>>
    %dma_start3A_84 = tpu.memref_squeeze %dma_start3A_83 : memref<1x400xi32, #tpu.memory_space<hbm>> -> memref<400xi32, #tpu.memory_space<hbm>>
    tpu.enqueue_dma source(%dma_start3A_84 : memref<400xi32, #tpu.memory_space<hbm>>) target(%dma_start3A_82 : memref<400xi32, #tpu.memory_space<vmem>>) target_semaphore(%arg19 : memref<!tpu.dma_semaphore, #tpu.memory_space<semaphore_mem>>)
    %mul3A_85 = arith.constant 10000 : i32
    %mul3A_86 = arith.muli %add3A, %mul3A_85 : i32
    %add3A_87 = arith.constant 0 : i32
    %add3A_88 = arith.addi %mul3A_86, %add3A_87 : i32
    %dma_wait3A = arith.constant 0 : i32
    %dma_wait3A_89 = arith.constant 0 : i32
    %dma_wait3A_90 = arith.constant 0 : i32
    %dma_wait3A_91 = tpu.memref_slice %arg7[%dma_wait3A_89, %dma_wait3A_90] : memref<2x400xi32, #tpu.memory_space<vmem>> -> memref<1x400xi32, #tpu.memory_space<vmem>>
    %dma_wait3A_92 = tpu.memref_squeeze %dma_wait3A_91 : memref<1x400xi32, #tpu.memory_space<vmem>> -> memref<400xi32, #tpu.memory_space<vmem>>
    %dma_wait3A_93 = tpu.memref_slice %arg3[%dma_wait3A, %add3A_88] : memref<2x320000xi32, #tpu.memory_space<hbm>> -> memref<1x400xi32, #tpu.memory_space<hbm>>
    %dma_wait3A_94 = tpu.memref_squeeze %dma_wait3A_93 : memref<1x400xi32, #tpu.memory_space<hbm>> -> memref<400xi32, #tpu.memory_space<hbm>>
    %dma_wait3A_95 = arith.constant 0 : i32
    %dma_wait3A_96 = tpu.memref_slice %arg7[%dma_wait3A_89, %dma_wait3A_95] : memref<2x400xi32, #tpu.memory_space<vmem>> -> memref<1x400xi32, #tpu.memory_space<vmem>>
    %dma_wait3A_97 = tpu.memref_squeeze %dma_wait3A_96 : memref<1x400xi32, #tpu.memory_space<vmem>> -> memref<400xi32, #tpu.memory_space<vmem>>
    %dma_wait3A_98 = tpu.memref_slice %arg3[%dma_wait3A, %add3A_88] : memref<2x320000xi32, #tpu.memory_space<hbm>> -> memref<1x400xi32, #tpu.memory_space<hbm>>
    %dma_wait3A_99 = tpu.memref_squeeze %dma_wait3A_98 : memref<1x400xi32, #tpu.memory_space<hbm>> -> memref<400xi32, #tpu.memory_space<hbm>>
    tpu.wait_dma2 semaphore(%arg19 : memref<!tpu.dma_semaphore, #tpu.memory_space<semaphore_mem>>) src(%dma_wait3A_99 : memref<400xi32, #tpu.memory_space<hbm>>) dst(%dma_wait3A_97 : memref<400xi32, #tpu.memory_space<vmem>>)
    %dma_wait3A_100 = arith.constant 1 : i32
    %dma_wait3A_101 = arith.constant 1 : i32
    %dma_wait3A_102 = arith.constant 0 : i32
    %dma_wait3A_103 = tpu.memref_slice %arg7[%dma_wait3A_101, %dma_wait3A_102] : memref<2x400xi32, #tpu.memory_space<vmem>> -> memref<1x400xi32, #tpu.memory_space<vmem>>
    %dma_wait3A_104 = tpu.memref_squeeze %dma_wait3A_103 : memref<1x400xi32, #tpu.memory_space<vmem>> -> memref<400xi32, #tpu.memory_space<vmem>>
    %dma_wait3A_105 = tpu.memref_slice %arg3[%dma_wait3A_100, %add3A_88] : memref<2x320000xi32, #tpu.memory_space<hbm>> -> memref<1x400xi32, #tpu.memory_space<hbm>>
    %dma_wait3A_106 = tpu.memref_squeeze %dma_wait3A_105 : memref<1x400xi32, #tpu.memory_space<hbm>> -> memref<400xi32, #tpu.memory_space<hbm>>
    %dma_wait3A_107 = arith.constant 0 : i32
    %dma_wait3A_108 = tpu.memref_slice %arg7[%dma_wait3A_101, %dma_wait3A_107] : memref<2x400xi32, #tpu.memory_space<vmem>> -> memref<1x400xi32, #tpu.memory_space<vmem>>
    %dma_wait3A_109 = tpu.memref_squeeze %dma_wait3A_108 : memref<1x400xi32, #tpu.memory_space<vmem>> -> memref<400xi32, #tpu.memory_space<vmem>>
    %dma_wait3A_110 = tpu.memref_slice %arg3[%dma_wait3A_100, %add3A_88] : memref<2x320000xi32, #tpu.memory_space<hbm>> -> memref<1x400xi32, #tpu.memory_space<hbm>>
    %dma_wait3A_111 = tpu.memref_squeeze %dma_wait3A_110 : memref<1x400xi32, #tpu.memory_space<hbm>> -> memref<400xi32, #tpu.memory_space<hbm>>
    tpu.wait_dma2 semaphore(%arg19 : memref<!tpu.dma_semaphore, #tpu.memory_space<semaphore_mem>>) src(%dma_wait3A_111 : memref<400xi32, #tpu.memory_space<hbm>>) dst(%dma_wait3A_109 : memref<400xi32, #tpu.memory_space<vmem>>)
    %dma_start3A_112 = arith.constant 1 : i32
    %dma_start3A_113 = arith.constant 0 : i32
    %dma_start3A_114 = tpu.memref_slice %arg7[%dma_start3A_112, %dma_start3A_113] : memref<2x400xi32, #tpu.memory_space<vmem>> -> memref<1x80xi32, #tpu.memory_space<vmem>>
    %dma_start3A_115 = tpu.memref_squeeze %dma_start3A_114 : memref<1x80xi32, #tpu.memory_space<vmem>> -> memref<80xi32, #tpu.memory_space<vmem>>
    %dma_start3A_116 = arith.constant 0 : i32
    %dma_start3A_117 = arith.constant 0 : i32
    %dma_start3A_118 = tpu.memref_slice %arg2[%dma_start3A_116, %dma_start3A_117] : memref<10000x128xf32, #tpu.memory_space<hbm>> -> memref<10000x128xf32, #tpu.memory_space<hbm>>
    tpu.enqueue_indirect_dma source(%dma_start3A_118 : memref<10000x128xf32, #tpu.memory_space<hbm>>) target(%arg9 : memref<80x128xf32, #tpu.memory_space<vmem>>) offsets(%dma_start3A_115 : memref<80xi32, #tpu.memory_space<vmem>>) semaphore(%arg15 : memref<!tpu.dma_semaphore, #tpu.memory_space<semaphore_mem>>)
    %mul3A_119 = arith.constant 10000 : i32
    %mul3A_120 = arith.muli %add3A, %mul3A_119 : i32
    %add3A_121 = arith.constant 0 : i32
    %add3A_122 = arith.addi %mul3A_120, %add3A_121 : i32
    %dma_start3A_123 = arith.constant 0 : i32
    %dma_start3A_124 = arith.constant 0 : i32
    %dma_start3A_125 = tpu.memref_slice %arg11[%dma_start3A_123, %dma_start3A_124] : memref<80x32xf32, #tpu.memory_space<vmem>> -> memref<80x16xf32, #tpu.memory_space<vmem>>
    %dma_start3A_126 = arith.constant 0 : i32
    %dma_start3A_127 = tpu.memref_slice %arg4[%add3A_122, %dma_start3A_126] : memref<320000x16xf32, #tpu.memory_space<hbm>> -> memref<80x16xf32, #tpu.memory_space<hbm>>
    %dma_start3A_128 = arith.constant 0 : i32
    %dma_start3A_129 = arith.constant 0 : i32
    %dma_start3A_130 = tpu.memref_slice %arg11[%dma_start3A_128, %dma_start3A_129] : memref<80x32xf32, #tpu.memory_space<vmem>> -> memref<80x16xf32, #tpu.memory_space<vmem>>
    %dma_start3A_131 = arith.constant 0 : i32
    %dma_start3A_132 = tpu.memref_slice %arg4[%add3A_122, %dma_start3A_131] : memref<320000x16xf32, #tpu.memory_space<hbm>> -> memref<80x16xf32, #tpu.memory_space<hbm>>
    tpu.enqueue_dma source(%dma_start3A_132 : memref<80x16xf32, #tpu.memory_space<hbm>>) target(%dma_start3A_130 : memref<80x16xf32, #tpu.memory_space<vmem>>) target_semaphore(%arg15 : memref<!tpu.dma_semaphore, #tpu.memory_space<semaphore_mem>>)
    %scan3A_133 = arith.constant 0 : i32
    %scan3A_134 = arith.constant 0 : i32
    %scan3A_135 = arith.constant 12 : i32
    %scan3A_136 = arith.addi %scan3A_134, %scan3A_135 : i32
    %scan3A_137 = arith.constant 1 : i32
    %scan3A_138 = scf.for %scan3A_489 = %scan3A_134 to %scan3A_136 step %scan3A_137 iter_args(%scan3A_490 = %scan3A_133) -> (i32)  : i32 {
      %mul3A_491 = arith.constant 10 : i32
      %mul3A_492 = arith.muli %mul3A_491, %scan3A_489 : i32
      %add3A_493 = arith.constant 0 : i32
      %add3A_494 = arith.addi %mul3A_492, %add3A_493 : i32
      %add3A_495 = arith.constant 0 : i32
      %add3A_496 = arith.addi %add3A_494, %add3A_495 : i32
      %dma_wait3A_497 = arith.constant 1 : i32
      %dma_wait3A_498 = arith.constant 0 : i32
      %dma_wait3A_499 = tpu.memref_slice %arg7[%dma_wait3A_497, %dma_wait3A_498] : memref<2x400xi32, #tpu.memory_space<vmem>> -> memref<1x80xi32, #tpu.memory_space<vmem>>
      %dma_wait3A_500 = tpu.memref_squeeze %dma_wait3A_499 : memref<1x80xi32, #tpu.memory_space<vmem>> -> memref<80xi32, #tpu.memory_space<vmem>>
      %dma_wait3A_501 = arith.constant 0 : i32
      %dma_wait3A_502 = arith.constant 0 : i32
      %dma_wait3A_503 = tpu.memref_slice %arg2[%dma_wait3A_501, %dma_wait3A_502] : memref<10000x128xf32, #tpu.memory_space<hbm>> -> memref<10000x128xf32, #tpu.memory_space<hbm>>
      tpu.wait_indirect_dma semaphore(%arg15 : memref<!tpu.dma_semaphore, #tpu.memory_space<semaphore_mem>>) src(%dma_wait3A_503 : memref<10000x128xf32, #tpu.memory_space<hbm>>) dst(%arg9 : memref<80x128xf32, #tpu.memory_space<vmem>>)
      %mul3A_504 = arith.constant 10000 : i32
      %mul3A_505 = arith.muli %add3A, %mul3A_504 : i32
      %mul3A_506 = arith.constant 80 : i32
      %mul3A_507 = arith.muli %add3A_496, %mul3A_506 : i32
      %add3A_508 = arith.addi %mul3A_505, %mul3A_507 : i32
      %dma_wait3A_509 = arith.constant 0 : i32
      %dma_wait3A_510 = arith.constant 0 : i32
      %dma_wait3A_511 = tpu.memref_slice %arg11[%dma_wait3A_509, %dma_wait3A_510] : memref<80x32xf32, #tpu.memory_space<vmem>> -> memref<80x16xf32, #tpu.memory_space<vmem>>
      %dma_wait3A_512 = arith.constant 0 : i32
      %dma_wait3A_513 = tpu.memref_slice %arg4[%add3A_508, %dma_wait3A_512] : memref<320000x16xf32, #tpu.memory_space<hbm>> -> memref<80x16xf32, #tpu.memory_space<hbm>>
      %dma_wait3A_514 = arith.constant 0 : i32
      %dma_wait3A_515 = arith.constant 0 : i32
      %dma_wait3A_516 = tpu.memref_slice %arg11[%dma_wait3A_514, %dma_wait3A_515] : memref<80x32xf32, #tpu.memory_space<vmem>> -> memref<80x16xf32, #tpu.memory_space<vmem>>
      %dma_wait3A_517 = arith.constant 0 : i32
      %dma_wait3A_518 = tpu.memref_slice %arg4[%add3A_508, %dma_wait3A_517] : memref<320000x16xf32, #tpu.memory_space<hbm>> -> memref<80x16xf32, #tpu.memory_space<hbm>>
      tpu.wait_dma2 semaphore(%arg15 : memref<!tpu.dma_semaphore, #tpu.memory_space<semaphore_mem>>) src(%dma_wait3A_518 : memref<80x16xf32, #tpu.memory_space<hbm>>) dst(%dma_wait3A_516 : memref<80x16xf32, #tpu.memory_space<vmem>>)
      %dma_start3A_519 = arith.constant 0 : i32
      %dma_start3A_520 = arith.constant 0 : i32
      %dma_start3A_521 = tpu.memref_slice %arg7[%dma_start3A_519, %dma_start3A_520] : memref<2x400xi32, #tpu.memory_space<vmem>> -> memref<1x80xi32, #tpu.memory_space<vmem>>
      %dma_start3A_522 = tpu.memref_squeeze %dma_start3A_521 : memref<1x80xi32, #tpu.memory_space<vmem>> -> memref<80xi32, #tpu.memory_space<vmem>>
      %dma_start3A_523 = arith.constant 0 : i32
      %dma_start3A_524 = arith.constant 0 : i32
      %dma_start3A_525 = tpu.memref_slice %arg13[%dma_start3A_523, %dma_start3A_524] : memref<10000x128xf32, #tpu.memory_space<vmem_shared>> -> memref<10000x128xf32, #tpu.memory_space<vmem_shared>>
      tpu.enqueue_indirect_dma source(%arg9 : memref<80x128xf32, #tpu.memory_space<vmem>>) target(%dma_start3A_525 : memref<10000x128xf32, #tpu.memory_space<vmem_shared>>) offsets(%dma_start3A_522 : memref<80xi32, #tpu.memory_space<vmem>>) semaphore(%arg17 : memref<!tpu.dma_semaphore, #tpu.memory_space<semaphore_mem>>) {add = true}
      %dma_start3A_526 = arith.constant 0 : i32
      %dma_start3A_527 = arith.constant 0 : i32
      %dma_start3A_528 = tpu.memref_slice %arg7[%dma_start3A_526, %dma_start3A_527] : memref<2x400xi32, #tpu.memory_space<vmem>> -> memref<1x80xi32, #tpu.memory_space<vmem>>
      %dma_start3A_529 = tpu.memref_squeeze %dma_start3A_528 : memref<1x80xi32, #tpu.memory_space<vmem>> -> memref<80xi32, #tpu.memory_space<vmem>>
      %dma_start3A_530 = arith.constant 0 : i32
      %dma_start3A_531 = arith.constant 0 : i32
      %dma_start3A_532 = tpu.memref_slice %arg14[%dma_start3A_530, %dma_start3A_531] : memref<10000x32xf32, #tpu.memory_space<vmem_shared>> -> memref<10000x32xf32, #tpu.memory_space<vmem_shared>>
      tpu.enqueue_indirect_dma source(%arg11 : memref<80x32xf32, #tpu.memory_space<vmem>>) target(%dma_start3A_532 : memref<10000x32xf32, #tpu.memory_space<vmem_shared>>) offsets(%dma_start3A_529 : memref<80xi32, #tpu.memory_space<vmem>>) semaphore(%arg17 : memref<!tpu.dma_semaphore, #tpu.memory_space<semaphore_mem>>) {add = true}
      %gt3A = arith.constant 0 : i32
      %gt3A_533 = arith.cmpi sgt, %scan3A_489, %gt3A : i32
      %convert_element_type3A_534 = arith.extui %gt3A_533 : i1 to i32
      %cond3A_535 = arith.constant 0 : i32
      %cond3A_536 = arith.cmpi ne, %convert_element_type3A_534, %cond3A_535 : i32
      scf.if %cond3A_536 {
        %dma_wait3A_1414 = arith.constant 0 : i32
        %dma_wait3A_1415 = arith.constant 0 : i32
        %dma_wait3A_1416 = tpu.memref_slice %arg7[%dma_wait3A_1414, %dma_wait3A_1415] : memref<2x400xi32, #tpu.memory_space<vmem>> -> memref<1x80xi32, #tpu.memory_space<vmem>>
        %dma_wait3A_1417 = tpu.memref_squeeze %dma_wait3A_1416 : memref<1x80xi32, #tpu.memory_space<vmem>> -> memref<80xi32, #tpu.memory_space<vmem>>
        %dma_wait3A_1418 = arith.constant 0 : i32
        %dma_wait3A_1419 = arith.constant 0 : i32
        %dma_wait3A_1420 = tpu.memref_slice %arg13[%dma_wait3A_1418, %dma_wait3A_1419] : memref<10000x128xf32, #tpu.memory_space<vmem_shared>> -> memref<10000x128xf32, #tpu.memory_space<vmem_shared>>
        tpu.wait_indirect_dma semaphore(%arg18 : memref<!tpu.dma_semaphore, #tpu.memory_space<semaphore_mem>>) src(%arg10 : memref<80x128xf32, #tpu.memory_space<vmem>>) dst(%dma_wait3A_1420 : memref<10000x128xf32, #tpu.memory_space<vmem_shared>>)
        %dma_wait3A_1421 = arith.constant 0 : i32
        %dma_wait3A_1422 = arith.constant 0 : i32
        %dma_wait3A_1423 = tpu.memref_slice %arg7[%dma_wait3A_1421, %dma_wait3A_1422] : memref<2x400xi32, #tpu.memory_space<vmem>> -> memref<1x80xi32, #tpu.memory_space<vmem>>
        %dma_wait3A_1424 = tpu.memref_squeeze %dma_wait3A_1423 : memref<1x80xi32, #tpu.memory_space<vmem>> -> memref<80xi32, #tpu.memory_space<vmem>>
        %dma_wait3A_1425 = arith.constant 0 : i32
        %dma_wait3A_1426 = arith.constant 0 : i32
        %dma_wait3A_1427 = tpu.memref_slice %arg14[%dma_wait3A_1425, %dma_wait3A_1426] : memref<10000x32xf32, #tpu.memory_space<vmem_shared>> -> memref<10000x32xf32, #tpu.memory_space<vmem_shared>>
        tpu.wait_indirect_dma semaphore(%arg18 : memref<!tpu.dma_semaphore, #tpu.memory_space<semaphore_mem>>) src(%arg12 : memref<80x32xf32, #tpu.memory_space<vmem>>) dst(%dma_wait3A_1427 : memref<10000x32xf32, #tpu.memory_space<vmem_shared>>)
      } else {
      }
      %add3A_537 = arith.constant 1 : i32
      %add3A_538 = arith.addi %add3A_496, %add3A_537 : i32
      %dma_start3A_539 = arith.constant 1 : i32
      %dma_start3A_540 = arith.constant 80 : i32
      %dma_start3A_541 = tpu.memref_slice %arg7[%dma_start3A_539, %dma_start3A_540] : memref<2x400xi32, #tpu.memory_space<vmem>> -> memref<1x80xi32, #tpu.memory_space<vmem>>
      %dma_start3A_542 = tpu.memref_squeeze %dma_start3A_541 : memref<1x80xi32, #tpu.memory_space<vmem>> -> memref<80xi32, #tpu.memory_space<vmem>>
      %dma_start3A_543 = arith.constant 0 : i32
      %dma_start3A_544 = arith.constant 0 : i32
      %dma_start3A_545 = tpu.memref_slice %arg2[%dma_start3A_543, %dma_start3A_544] : memref<10000x128xf32, #tpu.memory_space<hbm>> -> memref<10000x128xf32, #tpu.memory_space<hbm>>
      tpu.enqueue_indirect_dma source(%dma_start3A_545 : memref<10000x128xf32, #tpu.memory_space<hbm>>) target(%arg10 : memref<80x128xf32, #tpu.memory_space<vmem>>) offsets(%dma_start3A_542 : memref<80xi32, #tpu.memory_space<vmem>>) semaphore(%arg16 : memref<!tpu.dma_semaphore, #tpu.memory_space<semaphore_mem>>)
      %mul3A_546 = arith.constant 10000 : i32
      %mul3A_547 = arith.muli %add3A, %mul3A_546 : i32
      %mul3A_548 = arith.constant 80 : i32
      %mul3A_549 = arith.muli %add3A_538, %mul3A_548 : i32
      %add3A_550 = arith.addi %mul3A_547, %mul3A_549 : i32
      %dma_start3A_551 = arith.constant 0 : i32
      %dma_start3A_552 = arith.constant 0 : i32
      %dma_start3A_553 = tpu.memref_slice %arg12[%dma_start3A_551, %dma_start3A_552] : memref<80x32xf32, #tpu.memory_space<vmem>> -> memref<80x16xf32, #tpu.memory_space<vmem>>
      %dma_start3A_554 = arith.constant 0 : i32
      %dma_start3A_555 = tpu.memref_slice %arg4[%add3A_550, %dma_start3A_554] : memref<320000x16xf32, #tpu.memory_space<hbm>> -> memref<80x16xf32, #tpu.memory_space<hbm>>
      %dma_start3A_556 = arith.constant 0 : i32
      %dma_start3A_557 = arith.constant 0 : i32
      %dma_start3A_558 = tpu.memref_slice %arg12[%dma_start3A_556, %dma_start3A_557] : memref<80x32xf32, #tpu.memory_space<vmem>> -> memref<80x16xf32, #tpu.memory_space<vmem>>
      %dma_start3A_559 = arith.constant 0 : i32
      %dma_start3A_560 = tpu.memref_slice %arg4[%add3A_550, %dma_start3A_559] : memref<320000x16xf32, #tpu.memory_space<hbm>> -> memref<80x16xf32, #tpu.memory_space<hbm>>
      tpu.enqueue_dma source(%dma_start3A_560 : memref<80x16xf32, #tpu.memory_space<hbm>>) target(%dma_start3A_558 : memref<80x16xf32, #tpu.memory_space<vmem>>) target_semaphore(%arg16 : memref<!tpu.dma_semaphore, #tpu.memory_space<semaphore_mem>>)
      %mul3A_561 = arith.constant 10 : i32
      %mul3A_562 = arith.muli %mul3A_561, %scan3A_489 : i32
      %add3A_563 = arith.constant 0 : i32
      %add3A_564 = arith.addi %mul3A_562, %add3A_563 : i32
      %add3A_565 = arith.constant 1 : i32
      %add3A_566 = arith.addi %add3A_564, %add3A_565 : i32
      %dma_wait3A_567 = arith.constant 1 : i32
      %dma_wait3A_568 = arith.constant 80 : i32
      %dma_wait3A_569 = tpu.memref_slice %arg7[%dma_wait3A_567, %dma_wait3A_568] : memref<2x400xi32, #tpu.memory_space<vmem>> -> memref<1x80xi32, #tpu.memory_space<vmem>>
      %dma_wait3A_570 = tpu.memref_squeeze %dma_wait3A_569 : memref<1x80xi32, #tpu.memory_space<vmem>> -> memref<80xi32, #tpu.memory_space<vmem>>
      %dma_wait3A_571 = arith.constant 0 : i32
      %dma_wait3A_572 = arith.constant 0 : i32
      %dma_wait3A_573 = tpu.memref_slice %arg2[%dma_wait3A_571, %dma_wait3A_572] : memref<10000x128xf32, #tpu.memory_space<hbm>> -> memref<10000x128xf32, #tpu.memory_space<hbm>>
      tpu.wait_indirect_dma semaphore(%arg16 : memref<!tpu.dma_semaphore, #tpu.memory_space<semaphore_mem>>) src(%dma_wait3A_573 : memref<10000x128xf32, #tpu.memory_space<hbm>>) dst(%arg10 : memref<80x128xf32, #tpu.memory_space<vmem>>)
      %mul3A_574 = arith.constant 10000 : i32
      %mul3A_575 = arith.muli %add3A, %mul3A_574 : i32
      %mul3A_576 = arith.constant 80 : i32
      %mul3A_577 = arith.muli %add3A_566, %mul3A_576 : i32
      %add3A_578 = arith.addi %mul3A_575, %mul3A_577 : i32
      %dma_wait3A_579 = arith.constant 0 : i32
      %dma_wait3A_580 = arith.constant 0 : i32
      %dma_wait3A_581 = tpu.memref_slice %arg12[%dma_wait3A_579, %dma_wait3A_580] : memref<80x32xf32, #tpu.memory_space<vmem>> -> memref<80x16xf32, #tpu.memory_space<vmem>>
      %dma_wait3A_582 = arith.constant 0 : i32
      %dma_wait3A_583 = tpu.memref_slice %arg4[%add3A_578, %dma_wait3A_582] : memref<320000x16xf32, #tpu.memory_space<hbm>> -> memref<80x16xf32, #tpu.memory_space<hbm>>
      %dma_wait3A_584 = arith.constant 0 : i32
      %dma_wait3A_585 = arith.constant 0 : i32
      %dma_wait3A_586 = tpu.memref_slice %arg12[%dma_wait3A_584, %dma_wait3A_585] : memref<80x32xf32, #tpu.memory_space<vmem>> -> memref<80x16xf32, #tpu.memory_space<vmem>>
      %dma_wait3A_587 = arith.constant 0 : i32
      %dma_wait3A_588 = tpu.memref_slice %arg4[%add3A_578, %dma_wait3A_587] : memref<320000x16xf32, #tpu.memory_space<hbm>> -> memref<80x16xf32, #tpu.memory_space<hbm>>
      tpu.wait_dma2 semaphore(%arg16 : memref<!tpu.dma_semaphore, #tpu.memory_space<semaphore_mem>>) src(%dma_wait3A_588 : memref<80x16xf32, #tpu.memory_space<hbm>>) dst(%dma_wait3A_586 : memref<80x16xf32, #tpu.memory_space<vmem>>)
      %dma_start3A_589 = arith.constant 0 : i32
      %dma_start3A_590 = arith.constant 80 : i32
      %dma_start3A_591 = tpu.memref_slice %arg7[%dma_start3A_589, %dma_start3A_590] : memref<2x400xi32, #tpu.memory_space<vmem>> -> memref<1x80xi32, #tpu.memory_space<vmem>>
      %dma_start3A_592 = tpu.memref_squeeze %dma_start3A_591 : memref<1x80xi32, #tpu.memory_space<vmem>> -> memref<80xi32, #tpu.memory_space<vmem>>
      %dma_start3A_593 = arith.constant 0 : i32
      %dma_start3A_594 = arith.constant 0 : i32
      %dma_start3A_595 = tpu.memref_slice %arg13[%dma_start3A_593, %dma_start3A_594] : memref<10000x128xf32, #tpu.memory_space<vmem_shared>> -> memref<10000x128xf32, #tpu.memory_space<vmem_shared>>
      tpu.enqueue_indirect_dma source(%arg10 : memref<80x128xf32, #tpu.memory_space<vmem>>) target(%dma_start3A_595 : memref<10000x128xf32, #tpu.memory_space<vmem_shared>>) offsets(%dma_start3A_592 : memref<80xi32, #tpu.memory_space<vmem>>) semaphore(%arg18 : memref<!tpu.dma_semaphore, #tpu.memory_space<semaphore_mem>>) {add = true}
      %dma_start3A_596 = arith.constant 0 : i32
      %dma_start3A_597 = arith.constant 80 : i32
      %dma_start3A_598 = tpu.memref_slice %arg7[%dma_start3A_596, %dma_start3A_597] : memref<2x400xi32, #tpu.memory_space<vmem>> -> memref<1x80xi32, #tpu.memory_space<vmem>>
      %dma_start3A_599 = tpu.memref_squeeze %dma_start3A_598 : memref<1x80xi32, #tpu.memory_space<vmem>> -> memref<80xi32, #tpu.memory_space<vmem>>
      %dma_start3A_600 = arith.constant 0 : i32
      %dma_start3A_601 = arith.constant 0 : i32
      %dma_start3A_602 = tpu.memref_slice %arg14[%dma_start3A_600, %dma_start3A_601] : memref<10000x32xf32, #tpu.memory_space<vmem_shared>> -> memref<10000x32xf32, #tpu.memory_space<vmem_shared>>
      tpu.enqueue_indirect_dma source(%arg12 : memref<80x32xf32, #tpu.memory_space<vmem>>) target(%dma_start3A_602 : memref<10000x32xf32, #tpu.memory_space<vmem_shared>>) offsets(%dma_start3A_599 : memref<80xi32, #tpu.memory_space<vmem>>) semaphore(%arg18 : memref<!tpu.dma_semaphore, #tpu.memory_space<semaphore_mem>>) {add = true}
      %dma_wait3A_603 = arith.constant 0 : i32
      %dma_wait3A_604 = arith.constant 0 : i32
      %dma_wait3A_605 = tpu.memref_slice %arg7[%dma_wait3A_603, %dma_wait3A_604] : memref<2x400xi32, #tpu.memory_space<vmem>> -> memref<1x80xi32, #tpu.memory_space<vmem>>
      %dma_wait3A_606 = tpu.memref_squeeze %dma_wait3A_605 : memref<1x80xi32, #tpu.memory_space<vmem>> -> memref<80xi32, #tpu.memory_space<vmem>>
      %dma_wait3A_607 = arith.constant 0 : i32
      %dma_wait3A_608 = arith.constant 0 : i32
      %dma_wait3A_609 = tpu.memref_slice %arg13[%dma_wait3A_607, %dma_wait3A_608] : memref<10000x128xf32, #tpu.memory_space<vmem_shared>> -> memref<10000x128xf32, #tpu.memory_space<vmem_shared>>
      tpu.wait_indirect_dma semaphore(%arg17 : memref<!tpu.dma_semaphore, #tpu.memory_space<semaphore_mem>>) src(%arg9 : memref<80x128xf32, #tpu.memory_space<vmem>>) dst(%dma_wait3A_609 : memref<10000x128xf32, #tpu.memory_space<vmem_shared>>)
      %dma_wait3A_610 = arith.constant 0 : i32
      %dma_wait3A_611 = arith.constant 0 : i32
      %dma_wait3A_612 = tpu.memref_slice %arg7[%dma_wait3A_610, %dma_wait3A_611] : memref<2x400xi32, #tpu.memory_space<vmem>> -> memref<1x80xi32, #tpu.memory_space<vmem>>
      %dma_wait3A_613 = tpu.memref_squeeze %dma_wait3A_612 : memref<1x80xi32, #tpu.memory_space<vmem>> -> memref<80xi32, #tpu.memory_space<vmem>>
      %dma_wait3A_614 = arith.constant 0 : i32
      %dma_wait3A_615 = arith.constant 0 : i32
      %dma_wait3A_616 = tpu.memref_slice %arg14[%dma_wait3A_614, %dma_wait3A_615] : memref<10000x32xf32, #tpu.memory_space<vmem_shared>> -> memref<10000x32xf32, #tpu.memory_space<vmem_shared>>
      tpu.wait_indirect_dma semaphore(%arg17 : memref<!tpu.dma_semaphore, #tpu.memory_space<semaphore_mem>>) src(%arg11 : memref<80x32xf32, #tpu.memory_space<vmem>>) dst(%dma_wait3A_616 : memref<10000x32xf32, #tpu.memory_space<vmem_shared>>)
      %mul3A_617 = arith.constant 2 : i32
      %mul3A_618 = arith.muli %mul3A_617, %scan3A_489 : i32
      %add3A_619 = arith.constant 1 : i32
      %add3A_620 = arith.addi %mul3A_618, %add3A_619 : i32
      %mul3A_621 = arith.constant 10000 : i32
      %mul3A_622 = arith.muli %add3A, %mul3A_621 : i32
      %mul3A_623 = arith.constant 400 : i32
      %mul3A_624 = arith.muli %add3A_620, %mul3A_623 : i32
      %add3A_625 = arith.addi %mul3A_622, %mul3A_624 : i32
      %dma_start3A_626 = arith.constant 0 : i32
      %dma_start3A_627 = arith.constant 0 : i32
      %dma_start3A_628 = arith.constant 0 : i32
      %dma_start3A_629 = tpu.memref_slice %arg8[%dma_start3A_627, %dma_start3A_628] : memref<2x400xi32, #tpu.memory_space<vmem>> -> memref<1x400xi32, #tpu.memory_space<vmem>>
      %dma_start3A_630 = tpu.memref_squeeze %dma_start3A_629 : memref<1x400xi32, #tpu.memory_space<vmem>> -> memref<400xi32, #tpu.memory_space<vmem>>
      %dma_start3A_631 = tpu.memref_slice %arg3[%dma_start3A_626, %add3A_625] : memref<2x320000xi32, #tpu.memory_space<hbm>> -> memref<1x400xi32, #tpu.memory_space<hbm>>
      %dma_start3A_632 = tpu.memref_squeeze %dma_start3A_631 : memref<1x400xi32, #tpu.memory_space<hbm>> -> memref<400xi32, #tpu.memory_space<hbm>>
      %dma_start3A_633 = arith.constant 0 : i32
      %dma_start3A_634 = tpu.memref_slice %arg8[%dma_start3A_627, %dma_start3A_633] : memref<2x400xi32, #tpu.memory_space<vmem>> -> memref<1x400xi32, #tpu.memory_space<vmem>>
      %dma_start3A_635 = tpu.memref_squeeze %dma_start3A_634 : memref<1x400xi32, #tpu.memory_space<vmem>> -> memref<400xi32, #tpu.memory_space<vmem>>
      %dma_start3A_636 = tpu.memref_slice %arg3[%dma_start3A_626, %add3A_625] : memref<2x320000xi32, #tpu.memory_space<hbm>> -> memref<1x400xi32, #tpu.memory_space<hbm>>
      %dma_start3A_637 = tpu.memref_squeeze %dma_start3A_636 : memref<1x400xi32, #tpu.memory_space<hbm>> -> memref<400xi32, #tpu.memory_space<hbm>>
      tpu.enqueue_dma source(%dma_start3A_637 : memref<400xi32, #tpu.memory_space<hbm>>) target(%dma_start3A_635 : memref<400xi32, #tpu.memory_space<vmem>>) target_semaphore(%arg20 : memref<!tpu.dma_semaphore, #tpu.memory_space<semaphore_mem>>)
      %dma_start3A_638 = arith.constant 1 : i32
      %dma_start3A_639 = arith.constant 1 : i32
      %dma_start3A_640 = arith.constant 0 : i32
      %dma_start3A_641 = tpu.memref_slice %arg8[%dma_start3A_639, %dma_start3A_640] : memref<2x400xi32, #tpu.memory_space<vmem>> -> memref<1x400xi32, #tpu.memory_space<vmem>>
      %dma_start3A_642 = tpu.memref_squeeze %dma_start3A_641 : memref<1x400xi32, #tpu.memory_space<vmem>> -> memref<400xi32, #tpu.memory_space<vmem>>
      %dma_start3A_643 = tpu.memref_slice %arg3[%dma_start3A_638, %add3A_625] : memref<2x320000xi32, #tpu.memory_space<hbm>> -> memref<1x400xi32, #tpu.memory_space<hbm>>
      %dma_start3A_644 = tpu.memref_squeeze %dma_start3A_643 : memref<1x400xi32, #tpu.memory_space<hbm>> -> memref<400xi32, #tpu.memory_space<hbm>>
      %dma_start3A_645 = arith.constant 0 : i32
      %dma_start3A_646 = tpu.memref_slice %arg8[%dma_start3A_639, %dma_start3A_645] : memref<2x400xi32, #tpu.memory_space<vmem>> -> memref<1x400xi32, #tpu.memory_space<vmem>>
      %dma_start3A_647 = tpu.memref_squeeze %dma_start3A_646 : memref<1x400xi32, #tpu.memory_space<vmem>> -> memref<400xi32, #tpu.memory_space<vmem>>
      %dma_start3A_648 = tpu.memref_slice %arg3[%dma_start3A_638, %add3A_625] : memref<2x320000xi32, #tpu.memory_space<hbm>> -> memref<1x400xi32, #tpu.memory_space<hbm>>
      %dma_start3A_649 = tpu.memref_squeeze %dma_start3A_648 : memref<1x400xi32, #tpu.memory_space<hbm>> -> memref<400xi32, #tpu.memory_space<hbm>>
      tpu.enqueue_dma source(%dma_start3A_649 : memref<400xi32, #tpu.memory_space<hbm>>) target(%dma_start3A_647 : memref<400xi32, #tpu.memory_space<vmem>>) target_semaphore(%arg20 : memref<!tpu.dma_semaphore, #tpu.memory_space<semaphore_mem>>)
      %add3A_650 = arith.constant 1 : i32
      %add3A_651 = arith.addi %add3A_566, %add3A_650 : i32
      %dma_start3A_652 = arith.constant 1 : i32
      %dma_start3A_653 = arith.constant 160 : i32
      %dma_start3A_654 = tpu.memref_slice %arg7[%dma_start3A_652, %dma_start3A_653] : memref<2x400xi32, #tpu.memory_space<vmem>> -> memref<1x80xi32, #tpu.memory_space<vmem>>
      %dma_start3A_655 = tpu.memref_squeeze %dma_start3A_654 : memref<1x80xi32, #tpu.memory_space<vmem>> -> memref<80xi32, #tpu.memory_space<vmem>>
      %dma_start3A_656 = arith.constant 0 : i32
      %dma_start3A_657 = arith.constant 0 : i32
      %dma_start3A_658 = tpu.memref_slice %arg2[%dma_start3A_656, %dma_start3A_657] : memref<10000x128xf32, #tpu.memory_space<hbm>> -> memref<10000x128xf32, #tpu.memory_space<hbm>>
      tpu.enqueue_indirect_dma source(%dma_start3A_658 : memref<10000x128xf32, #tpu.memory_space<hbm>>) target(%arg9 : memref<80x128xf32, #tpu.memory_space<vmem>>) offsets(%dma_start3A_655 : memref<80xi32, #tpu.memory_space<vmem>>) semaphore(%arg15 : memref<!tpu.dma_semaphore, #tpu.memory_space<semaphore_mem>>)
      %mul3A_659 = arith.constant 10000 : i32
      %mul3A_660 = arith.muli %add3A, %mul3A_659 : i32
      %mul3A_661 = arith.constant 80 : i32
      %mul3A_662 = arith.muli %add3A_651, %mul3A_661 : i32
      %add3A_663 = arith.addi %mul3A_660, %mul3A_662 : i32
      %dma_start3A_664 = arith.constant 0 : i32
      %dma_start3A_665 = arith.constant 0 : i32
      %dma_start3A_666 = tpu.memref_slice %arg11[%dma_start3A_664, %dma_start3A_665] : memref<80x32xf32, #tpu.memory_space<vmem>> -> memref<80x16xf32, #tpu.memory_space<vmem>>
      %dma_start3A_667 = arith.constant 0 : i32
      %dma_start3A_668 = tpu.memref_slice %arg4[%add3A_663, %dma_start3A_667] : memref<320000x16xf32, #tpu.memory_space<hbm>> -> memref<80x16xf32, #tpu.memory_space<hbm>>
      %dma_start3A_669 = arith.constant 0 : i32
      %dma_start3A_670 = arith.constant 0 : i32
      %dma_start3A_671 = tpu.memref_slice %arg11[%dma_start3A_669, %dma_start3A_670] : memref<80x32xf32, #tpu.memory_space<vmem>> -> memref<80x16xf32, #tpu.memory_space<vmem>>
      %dma_start3A_672 = arith.constant 0 : i32
      %dma_start3A_673 = tpu.memref_slice %arg4[%add3A_663, %dma_start3A_672] : memref<320000x16xf32, #tpu.memory_space<hbm>> -> memref<80x16xf32, #tpu.memory_space<hbm>>
      tpu.enqueue_dma source(%dma_start3A_673 : memref<80x16xf32, #tpu.memory_space<hbm>>) target(%dma_start3A_671 : memref<80x16xf32, #tpu.memory_space<vmem>>) target_semaphore(%arg15 : memref<!tpu.dma_semaphore, #tpu.memory_space<semaphore_mem>>)
      %mul3A_674 = arith.constant 10 : i32
      %mul3A_675 = arith.muli %mul3A_674, %scan3A_489 : i32
      %add3A_676 = arith.constant 0 : i32
      %add3A_677 = arith.addi %mul3A_675, %add3A_676 : i32
      %add3A_678 = arith.constant 2 : i32
      %add3A_679 = arith.addi %add3A_677, %add3A_678 : i32
      %dma_wait3A_680 = arith.constant 1 : i32
      %dma_wait3A_681 = arith.constant 160 : i32
      %dma_wait3A_682 = tpu.memref_slice %arg7[%dma_wait3A_680, %dma_wait3A_681] : memref<2x400xi32, #tpu.memory_space<vmem>> -> memref<1x80xi32, #tpu.memory_space<vmem>>
      %dma_wait3A_683 = tpu.memref_squeeze %dma_wait3A_682 : memref<1x80xi32, #tpu.memory_space<vmem>> -> memref<80xi32, #tpu.memory_space<vmem>>
      %dma_wait3A_684 = arith.constant 0 : i32
      %dma_wait3A_685 = arith.constant 0 : i32
      %dma_wait3A_686 = tpu.memref_slice %arg2[%dma_wait3A_684, %dma_wait3A_685] : memref<10000x128xf32, #tpu.memory_space<hbm>> -> memref<10000x128xf32, #tpu.memory_space<hbm>>
      tpu.wait_indirect_dma semaphore(%arg15 : memref<!tpu.dma_semaphore, #tpu.memory_space<semaphore_mem>>) src(%dma_wait3A_686 : memref<10000x128xf32, #tpu.memory_space<hbm>>) dst(%arg9 : memref<80x128xf32, #tpu.memory_space<vmem>>)
      %mul3A_687 = arith.constant 10000 : i32
      %mul3A_688 = arith.muli %add3A, %mul3A_687 : i32
      %mul3A_689 = arith.constant 80 : i32
      %mul3A_690 = arith.muli %add3A_679, %mul3A_689 : i32
      %add3A_691 = arith.addi %mul3A_688, %mul3A_690 : i32
      %dma_wait3A_692 = arith.constant 0 : i32
      %dma_wait3A_693 = arith.constant 0 : i32
      %dma_wait3A_694 = tpu.memref_slice %arg11[%dma_wait3A_692, %dma_wait3A_693] : memref<80x32xf32, #tpu.memory_space<vmem>> -> memref<80x16xf32, #tpu.memory_space<vmem>>
      %dma_wait3A_695 = arith.constant 0 : i32
      %dma_wait3A_696 = tpu.memref_slice %arg4[%add3A_691, %dma_wait3A_695] : memref<320000x16xf32, #tpu.memory_space<hbm>> -> memref<80x16xf32, #tpu.memory_space<hbm>>
      %dma_wait3A_697 = arith.constant 0 : i32
      %dma_wait3A_698 = arith.constant 0 : i32
      %dma_wait3A_699 = tpu.memref_slice %arg11[%dma_wait3A_697, %dma_wait3A_698] : memref<80x32xf32, #tpu.memory_space<vmem>> -> memref<80x16xf32, #tpu.memory_space<vmem>>
      %dma_wait3A_700 = arith.constant 0 : i32
      %dma_wait3A_701 = tpu.memref_slice %arg4[%add3A_691, %dma_wait3A_700] : memref<320000x16xf32, #tpu.memory_space<hbm>> -> memref<80x16xf32, #tpu.memory_space<hbm>>
      tpu.wait_dma2 semaphore(%arg15 : memref<!tpu.dma_semaphore, #tpu.memory_space<semaphore_mem>>) src(%dma_wait3A_701 : memref<80x16xf32, #tpu.memory_space<hbm>>) dst(%dma_wait3A_699 : memref<80x16xf32, #tpu.memory_space<vmem>>)
      %dma_start3A_702 = arith.constant 0 : i32
      %dma_start3A_703 = arith.constant 160 : i32
      %dma_start3A_704 = tpu.memref_slice %arg7[%dma_start3A_702, %dma_start3A_703] : memref<2x400xi32, #tpu.memory_space<vmem>> -> memref<1x80xi32, #tpu.memory_space<vmem>>
      %dma_start3A_705 = tpu.memref_squeeze %dma_start3A_704 : memref<1x80xi32, #tpu.memory_space<vmem>> -> memref<80xi32, #tpu.memory_space<vmem>>
      %dma_start3A_706 = arith.constant 0 : i32
      %dma_start3A_707 = arith.constant 0 : i32
      %dma_start3A_708 = tpu.memref_slice %arg13[%dma_start3A_706, %dma_start3A_707] : memref<10000x128xf32, #tpu.memory_space<vmem_shared>> -> memref<10000x128xf32, #tpu.memory_space<vmem_shared>>
      tpu.enqueue_indirect_dma source(%arg9 : memref<80x128xf32, #tpu.memory_space<vmem>>) target(%dma_start3A_708 : memref<10000x128xf32, #tpu.memory_space<vmem_shared>>) offsets(%dma_start3A_705 : memref<80xi32, #tpu.memory_space<vmem>>) semaphore(%arg17 : memref<!tpu.dma_semaphore, #tpu.memory_space<semaphore_mem>>) {add = true}
      %dma_start3A_709 = arith.constant 0 : i32
      %dma_start3A_710 = arith.constant 160 : i32
      %dma_start3A_711 = tpu.memref_slice %arg7[%dma_start3A_709, %dma_start3A_710] : memref<2x400xi32, #tpu.memory_space<vmem>> -> memref<1x80xi32, #tpu.memory_space<vmem>>
      %dma_start3A_712 = tpu.memref_squeeze %dma_start3A_711 : memref<1x80xi32, #tpu.memory_space<vmem>> -> memref<80xi32, #tpu.memory_space<vmem>>
      %dma_start3A_713 = arith.constant 0 : i32
      %dma_start3A_714 = arith.constant 0 : i32
      %dma_start3A_715 = tpu.memref_slice %arg14[%dma_start3A_713, %dma_start3A_714] : memref<10000x32xf32, #tpu.memory_space<vmem_shared>> -> memref<10000x32xf32, #tpu.memory_space<vmem_shared>>
      tpu.enqueue_indirect_dma source(%arg11 : memref<80x32xf32, #tpu.memory_space<vmem>>) target(%dma_start3A_715 : memref<10000x32xf32, #tpu.memory_space<vmem_shared>>) offsets(%dma_start3A_712 : memref<80xi32, #tpu.memory_space<vmem>>) semaphore(%arg17 : memref<!tpu.dma_semaphore, #tpu.memory_space<semaphore_mem>>) {add = true}
      %dma_wait3A_716 = arith.constant 0 : i32
      %dma_wait3A_717 = arith.constant 0 : i32
      %dma_wait3A_718 = tpu.memref_slice %arg7[%dma_wait3A_716, %dma_wait3A_717] : memref<2x400xi32, #tpu.memory_space<vmem>> -> memref<1x80xi32, #tpu.memory_space<vmem>>
      %dma_wait3A_719 = tpu.memref_squeeze %dma_wait3A_718 : memref<1x80xi32, #tpu.memory_space<vmem>> -> memref<80xi32, #tpu.memory_space<vmem>>
      %dma_wait3A_720 = arith.constant 0 : i32
      %dma_wait3A_721 = arith.constant 0 : i32
      %dma_wait3A_722 = tpu.memref_slice %arg13[%dma_wait3A_720, %dma_wait3A_721] : memref<10000x128xf32, #tpu.memory_space<vmem_shared>> -> memref<10000x128xf32, #tpu.memory_space<vmem_shared>>
      tpu.wait_indirect_dma semaphore(%arg18 : memref<!tpu.dma_semaphore, #tpu.memory_space<semaphore_mem>>) src(%arg10 : memref<80x128xf32, #tpu.memory_space<vmem>>) dst(%dma_wait3A_722 : memref<10000x128xf32, #tpu.memory_space<vmem_shared>>)
      %dma_wait3A_723 = arith.constant 0 : i32
      %dma_wait3A_724 = arith.constant 0 : i32
      %dma_wait3A_725 = tpu.memref_slice %arg7[%dma_wait3A_723, %dma_wait3A_724] : memref<2x400xi32, #tpu.memory_space<vmem>> -> memref<1x80xi32, #tpu.memory_space<vmem>>
      %dma_wait3A_726 = tpu.memref_squeeze %dma_wait3A_725 : memref<1x80xi32, #tpu.memory_space<vmem>> -> memref<80xi32, #tpu.memory_space<vmem>>
      %dma_wait3A_727 = arith.constant 0 : i32
      %dma_wait3A_728 = arith.constant 0 : i32
      %dma_wait3A_729 = tpu.memref_slice %arg14[%dma_wait3A_727, %dma_wait3A_728] : memref<10000x32xf32, #tpu.memory_space<vmem_shared>> -> memref<10000x32xf32, #tpu.memory_space<vmem_shared>>
      tpu.wait_indirect_dma semaphore(%arg18 : memref<!tpu.dma_semaphore, #tpu.memory_space<semaphore_mem>>) src(%arg12 : memref<80x32xf32, #tpu.memory_space<vmem>>) dst(%dma_wait3A_729 : memref<10000x32xf32, #tpu.memory_space<vmem_shared>>)
      %add3A_730 = arith.constant 1 : i32
      %add3A_731 = arith.addi %add3A_679, %add3A_730 : i32
      %dma_start3A_732 = arith.constant 1 : i32
      %dma_start3A_733 = arith.constant 240 : i32
      %dma_start3A_734 = tpu.memref_slice %arg7[%dma_start3A_732, %dma_start3A_733] : memref<2x400xi32, #tpu.memory_space<vmem>> -> memref<1x80xi32, #tpu.memory_space<vmem>>
      %dma_start3A_735 = tpu.memref_squeeze %dma_start3A_734 : memref<1x80xi32, #tpu.memory_space<vmem>> -> memref<80xi32, #tpu.memory_space<vmem>>
      %dma_start3A_736 = arith.constant 0 : i32
      %dma_start3A_737 = arith.constant 0 : i32
      %dma_start3A_738 = tpu.memref_slice %arg2[%dma_start3A_736, %dma_start3A_737] : memref<10000x128xf32, #tpu.memory_space<hbm>> -> memref<10000x128xf32, #tpu.memory_space<hbm>>
      tpu.enqueue_indirect_dma source(%dma_start3A_738 : memref<10000x128xf32, #tpu.memory_space<hbm>>) target(%arg10 : memref<80x128xf32, #tpu.memory_space<vmem>>) offsets(%dma_start3A_735 : memref<80xi32, #tpu.memory_space<vmem>>) semaphore(%arg16 : memref<!tpu.dma_semaphore, #tpu.memory_space<semaphore_mem>>)
      %mul3A_739 = arith.constant 10000 : i32
      %mul3A_740 = arith.muli %add3A, %mul3A_739 : i32
      %mul3A_741 = arith.constant 80 : i32
      %mul3A_742 = arith.muli %add3A_731, %mul3A_741 : i32
      %add3A_743 = arith.addi %mul3A_740, %mul3A_742 : i32
      %dma_start3A_744 = arith.constant 0 : i32
      %dma_start3A_745 = arith.constant 0 : i32
      %dma_start3A_746 = tpu.memref_slice %arg12[%dma_start3A_744, %dma_start3A_745] : memref<80x32xf32, #tpu.memory_space<vmem>> -> memref<80x16xf32, #tpu.memory_space<vmem>>
      %dma_start3A_747 = arith.constant 0 : i32
      %dma_start3A_748 = tpu.memref_slice %arg4[%add3A_743, %dma_start3A_747] : memref<320000x16xf32, #tpu.memory_space<hbm>> -> memref<80x16xf32, #tpu.memory_space<hbm>>
      %dma_start3A_749 = arith.constant 0 : i32
      %dma_start3A_750 = arith.constant 0 : i32
      %dma_start3A_751 = tpu.memref_slice %arg12[%dma_start3A_749, %dma_start3A_750] : memref<80x32xf32, #tpu.memory_space<vmem>> -> memref<80x16xf32, #tpu.memory_space<vmem>>
      %dma_start3A_752 = arith.constant 0 : i32
      %dma_start3A_753 = tpu.memref_slice %arg4[%add3A_743, %dma_start3A_752] : memref<320000x16xf32, #tpu.memory_space<hbm>> -> memref<80x16xf32, #tpu.memory_space<hbm>>
      tpu.enqueue_dma source(%dma_start3A_753 : memref<80x16xf32, #tpu.memory_space<hbm>>) target(%dma_start3A_751 : memref<80x16xf32, #tpu.memory_space<vmem>>) target_semaphore(%arg16 : memref<!tpu.dma_semaphore, #tpu.memory_space<semaphore_mem>>)
      %mul3A_754 = arith.constant 10 : i32
      %mul3A_755 = arith.muli %mul3A_754, %scan3A_489 : i32
      %add3A_756 = arith.constant 0 : i32
      %add3A_757 = arith.addi %mul3A_755, %add3A_756 : i32
      %add3A_758 = arith.constant 3 : i32
      %add3A_759 = arith.addi %add3A_757, %add3A_758 : i32
      %dma_wait3A_760 = arith.constant 1 : i32
      %dma_wait3A_761 = arith.constant 240 : i32
      %dma_wait3A_762 = tpu.memref_slice %arg7[%dma_wait3A_760, %dma_wait3A_761] : memref<2x400xi32, #tpu.memory_space<vmem>> -> memref<1x80xi32, #tpu.memory_space<vmem>>
      %dma_wait3A_763 = tpu.memref_squeeze %dma_wait3A_762 : memref<1x80xi32, #tpu.memory_space<vmem>> -> memref<80xi32, #tpu.memory_space<vmem>>
      %dma_wait3A_764 = arith.constant 0 : i32
      %dma_wait3A_765 = arith.constant 0 : i32
      %dma_wait3A_766 = tpu.memref_slice %arg2[%dma_wait3A_764, %dma_wait3A_765] : memref<10000x128xf32, #tpu.memory_space<hbm>> -> memref<10000x128xf32, #tpu.memory_space<hbm>>
      tpu.wait_indirect_dma semaphore(%arg16 : memref<!tpu.dma_semaphore, #tpu.memory_space<semaphore_mem>>) src(%dma_wait3A_766 : memref<10000x128xf32, #tpu.memory_space<hbm>>) dst(%arg10 : memref<80x128xf32, #tpu.memory_space<vmem>>)
      %mul3A_767 = arith.constant 10000 : i32
      %mul3A_768 = arith.muli %add3A, %mul3A_767 : i32
      %mul3A_769 = arith.constant 80 : i32
      %mul3A_770 = arith.muli %add3A_759, %mul3A_769 : i32
      %add3A_771 = arith.addi %mul3A_768, %mul3A_770 : i32
      %dma_wait3A_772 = arith.constant 0 : i32
      %dma_wait3A_773 = arith.constant 0 : i32
      %dma_wait3A_774 = tpu.memref_slice %arg12[%dma_wait3A_772, %dma_wait3A_773] : memref<80x32xf32, #tpu.memory_space<vmem>> -> memref<80x16xf32, #tpu.memory_space<vmem>>
      %dma_wait3A_775 = arith.constant 0 : i32
      %dma_wait3A_776 = tpu.memref_slice %arg4[%add3A_771, %dma_wait3A_775] : memref<320000x16xf32, #tpu.memory_space<hbm>> -> memref<80x16xf32, #tpu.memory_space<hbm>>
      %dma_wait3A_777 = arith.constant 0 : i32
      %dma_wait3A_778 = arith.constant 0 : i32
      %dma_wait3A_779 = tpu.memref_slice %arg12[%dma_wait3A_777, %dma_wait3A_778] : memref<80x32xf32, #tpu.memory_space<vmem>> -> memref<80x16xf32, #tpu.memory_space<vmem>>
      %dma_wait3A_780 = arith.constant 0 : i32
      %dma_wait3A_781 = tpu.memref_slice %arg4[%add3A_771, %dma_wait3A_780] : memref<320000x16xf32, #tpu.memory_space<hbm>> -> memref<80x16xf32, #tpu.memory_space<hbm>>
      tpu.wait_dma2 semaphore(%arg16 : memref<!tpu.dma_semaphore, #tpu.memory_space<semaphore_mem>>) src(%dma_wait3A_781 : memref<80x16xf32, #tpu.memory_space<hbm>>) dst(%dma_wait3A_779 : memref<80x16xf32, #tpu.memory_space<vmem>>)
      %dma_start3A_782 = arith.constant 0 : i32
      %dma_start3A_783 = arith.constant 240 : i32
      %dma_start3A_784 = tpu.memref_slice %arg7[%dma_start3A_782, %dma_start3A_783] : memref<2x400xi32, #tpu.memory_space<vmem>> -> memref<1x80xi32, #tpu.memory_space<vmem>>
      %dma_start3A_785 = tpu.memref_squeeze %dma_start3A_784 : memref<1x80xi32, #tpu.memory_space<vmem>> -> memref<80xi32, #tpu.memory_space<vmem>>
      %dma_start3A_786 = arith.constant 0 : i32
      %dma_start3A_787 = arith.constant 0 : i32
      %dma_start3A_788 = tpu.memref_slice %arg13[%dma_start3A_786, %dma_start3A_787] : memref<10000x128xf32, #tpu.memory_space<vmem_shared>> -> memref<10000x128xf32, #tpu.memory_space<vmem_shared>>
      tpu.enqueue_indirect_dma source(%arg10 : memref<80x128xf32, #tpu.memory_space<vmem>>) target(%dma_start3A_788 : memref<10000x128xf32, #tpu.memory_space<vmem_shared>>) offsets(%dma_start3A_785 : memref<80xi32, #tpu.memory_space<vmem>>) semaphore(%arg18 : memref<!tpu.dma_semaphore, #tpu.memory_space<semaphore_mem>>) {add = true}
      %dma_start3A_789 = arith.constant 0 : i32
      %dma_start3A_790 = arith.constant 240 : i32
      %dma_start3A_791 = tpu.memref_slice %arg7[%dma_start3A_789, %dma_start3A_790] : memref<2x400xi32, #tpu.memory_space<vmem>> -> memref<1x80xi32, #tpu.memory_space<vmem>>
      %dma_start3A_792 = tpu.memref_squeeze %dma_start3A_791 : memref<1x80xi32, #tpu.memory_space<vmem>> -> memref<80xi32, #tpu.memory_space<vmem>>
      %dma_start3A_793 = arith.constant 0 : i32
      %dma_start3A_794 = arith.constant 0 : i32
      %dma_start3A_795 = tpu.memref_slice %arg14[%dma_start3A_793, %dma_start3A_794] : memref<10000x32xf32, #tpu.memory_space<vmem_shared>> -> memref<10000x32xf32, #tpu.memory_space<vmem_shared>>
      tpu.enqueue_indirect_dma source(%arg12 : memref<80x32xf32, #tpu.memory_space<vmem>>) target(%dma_start3A_795 : memref<10000x32xf32, #tpu.memory_space<vmem_shared>>) offsets(%dma_start3A_792 : memref<80xi32, #tpu.memory_space<vmem>>) semaphore(%arg18 : memref<!tpu.dma_semaphore, #tpu.memory_space<semaphore_mem>>) {add = true}
      %dma_wait3A_796 = arith.constant 0 : i32
      %dma_wait3A_797 = arith.constant 0 : i32
      %dma_wait3A_798 = tpu.memref_slice %arg7[%dma_wait3A_796, %dma_wait3A_797] : memref<2x400xi32, #tpu.memory_space<vmem>> -> memref<1x80xi32, #tpu.memory_space<vmem>>
      %dma_wait3A_799 = tpu.memref_squeeze %dma_wait3A_798 : memref<1x80xi32, #tpu.memory_space<vmem>> -> memref<80xi32, #tpu.memory_space<vmem>>
      %dma_wait3A_800 = arith.constant 0 : i32
      %dma_wait3A_801 = arith.constant 0 : i32
      %dma_wait3A_802 = tpu.memref_slice %arg13[%dma_wait3A_800, %dma_wait3A_801] : memref<10000x128xf32, #tpu.memory_space<vmem_shared>> -> memref<10000x128xf32, #tpu.memory_space<vmem_shared>>
      tpu.wait_indirect_dma semaphore(%arg17 : memref<!tpu.dma_semaphore, #tpu.memory_space<semaphore_mem>>) src(%arg9 : memref<80x128xf32, #tpu.memory_space<vmem>>) dst(%dma_wait3A_802 : memref<10000x128xf32, #tpu.memory_space<vmem_shared>>)
      %dma_wait3A_803 = arith.constant 0 : i32
      %dma_wait3A_804 = arith.constant 0 : i32
      %dma_wait3A_805 = tpu.memref_slice %arg7[%dma_wait3A_803, %dma_wait3A_804] : memref<2x400xi32, #tpu.memory_space<vmem>> -> memref<1x80xi32, #tpu.memory_space<vmem>>
      %dma_wait3A_806 = tpu.memref_squeeze %dma_wait3A_805 : memref<1x80xi32, #tpu.memory_space<vmem>> -> memref<80xi32, #tpu.memory_space<vmem>>
      %dma_wait3A_807 = arith.constant 0 : i32
      %dma_wait3A_808 = arith.constant 0 : i32
      %dma_wait3A_809 = tpu.memref_slice %arg14[%dma_wait3A_807, %dma_wait3A_808] : memref<10000x32xf32, #tpu.memory_space<vmem_shared>> -> memref<10000x32xf32, #tpu.memory_space<vmem_shared>>
      tpu.wait_indirect_dma semaphore(%arg17 : memref<!tpu.dma_semaphore, #tpu.memory_space<semaphore_mem>>) src(%arg11 : memref<80x32xf32, #tpu.memory_space<vmem>>) dst(%dma_wait3A_809 : memref<10000x32xf32, #tpu.memory_space<vmem_shared>>)
      %add3A_810 = arith.constant 1 : i32
      %add3A_811 = arith.addi %add3A_759, %add3A_810 : i32
      %dma_start3A_812 = arith.constant 1 : i32
      %dma_start3A_813 = arith.constant 320 : i32
      %dma_start3A_814 = tpu.memref_slice %arg7[%dma_start3A_812, %dma_start3A_813] : memref<2x400xi32, #tpu.memory_space<vmem>> -> memref<1x80xi32, #tpu.memory_space<vmem>>
      %dma_start3A_815 = tpu.memref_squeeze %dma_start3A_814 : memref<1x80xi32, #tpu.memory_space<vmem>> -> memref<80xi32, #tpu.memory_space<vmem>>
      %dma_start3A_816 = arith.constant 0 : i32
      %dma_start3A_817 = arith.constant 0 : i32
      %dma_start3A_818 = tpu.memref_slice %arg2[%dma_start3A_816, %dma_start3A_817] : memref<10000x128xf32, #tpu.memory_space<hbm>> -> memref<10000x128xf32, #tpu.memory_space<hbm>>
      tpu.enqueue_indirect_dma source(%dma_start3A_818 : memref<10000x128xf32, #tpu.memory_space<hbm>>) target(%arg9 : memref<80x128xf32, #tpu.memory_space<vmem>>) offsets(%dma_start3A_815 : memref<80xi32, #tpu.memory_space<vmem>>) semaphore(%arg15 : memref<!tpu.dma_semaphore, #tpu.memory_space<semaphore_mem>>)
      %mul3A_819 = arith.constant 10000 : i32
      %mul3A_820 = arith.muli %add3A, %mul3A_819 : i32
      %mul3A_821 = arith.constant 80 : i32
      %mul3A_822 = arith.muli %add3A_811, %mul3A_821 : i32
      %add3A_823 = arith.addi %mul3A_820, %mul3A_822 : i32
      %dma_start3A_824 = arith.constant 0 : i32
      %dma_start3A_825 = arith.constant 0 : i32
      %dma_start3A_826 = tpu.memref_slice %arg11[%dma_start3A_824, %dma_start3A_825] : memref<80x32xf32, #tpu.memory_space<vmem>> -> memref<80x16xf32, #tpu.memory_space<vmem>>
      %dma_start3A_827 = arith.constant 0 : i32
      %dma_start3A_828 = tpu.memref_slice %arg4[%add3A_823, %dma_start3A_827] : memref<320000x16xf32, #tpu.memory_space<hbm>> -> memref<80x16xf32, #tpu.memory_space<hbm>>
      %dma_start3A_829 = arith.constant 0 : i32
      %dma_start3A_830 = arith.constant 0 : i32
      %dma_start3A_831 = tpu.memref_slice %arg11[%dma_start3A_829, %dma_start3A_830] : memref<80x32xf32, #tpu.memory_space<vmem>> -> memref<80x16xf32, #tpu.memory_space<vmem>>
      %dma_start3A_832 = arith.constant 0 : i32
      %dma_start3A_833 = tpu.memref_slice %arg4[%add3A_823, %dma_start3A_832] : memref<320000x16xf32, #tpu.memory_space<hbm>> -> memref<80x16xf32, #tpu.memory_space<hbm>>
      tpu.enqueue_dma source(%dma_start3A_833 : memref<80x16xf32, #tpu.memory_space<hbm>>) target(%dma_start3A_831 : memref<80x16xf32, #tpu.memory_space<vmem>>) target_semaphore(%arg15 : memref<!tpu.dma_semaphore, #tpu.memory_space<semaphore_mem>>)
      %mul3A_834 = arith.constant 10 : i32
      %mul3A_835 = arith.muli %mul3A_834, %scan3A_489 : i32
      %add3A_836 = arith.constant 0 : i32
      %add3A_837 = arith.addi %mul3A_835, %add3A_836 : i32
      %add3A_838 = arith.constant 4 : i32
      %add3A_839 = arith.addi %add3A_837, %add3A_838 : i32
      %dma_wait3A_840 = arith.constant 1 : i32
      %dma_wait3A_841 = arith.constant 320 : i32
      %dma_wait3A_842 = tpu.memref_slice %arg7[%dma_wait3A_840, %dma_wait3A_841] : memref<2x400xi32, #tpu.memory_space<vmem>> -> memref<1x80xi32, #tpu.memory_space<vmem>>
      %dma_wait3A_843 = tpu.memref_squeeze %dma_wait3A_842 : memref<1x80xi32, #tpu.memory_space<vmem>> -> memref<80xi32, #tpu.memory_space<vmem>>
      %dma_wait3A_844 = arith.constant 0 : i32
      %dma_wait3A_845 = arith.constant 0 : i32
      %dma_wait3A_846 = tpu.memref_slice %arg2[%dma_wait3A_844, %dma_wait3A_845] : memref<10000x128xf32, #tpu.memory_space<hbm>> -> memref<10000x128xf32, #tpu.memory_space<hbm>>
      tpu.wait_indirect_dma semaphore(%arg15 : memref<!tpu.dma_semaphore, #tpu.memory_space<semaphore_mem>>) src(%dma_wait3A_846 : memref<10000x128xf32, #tpu.memory_space<hbm>>) dst(%arg9 : memref<80x128xf32, #tpu.memory_space<vmem>>)
      %mul3A_847 = arith.constant 10000 : i32
      %mul3A_848 = arith.muli %add3A, %mul3A_847 : i32
      %mul3A_849 = arith.constant 80 : i32
      %mul3A_850 = arith.muli %add3A_839, %mul3A_849 : i32
      %add3A_851 = arith.addi %mul3A_848, %mul3A_850 : i32
      %dma_wait3A_852 = arith.constant 0 : i32
      %dma_wait3A_853 = arith.constant 0 : i32
      %dma_wait3A_854 = tpu.memref_slice %arg11[%dma_wait3A_852, %dma_wait3A_853] : memref<80x32xf32, #tpu.memory_space<vmem>> -> memref<80x16xf32, #tpu.memory_space<vmem>>
      %dma_wait3A_855 = arith.constant 0 : i32
      %dma_wait3A_856 = tpu.memref_slice %arg4[%add3A_851, %dma_wait3A_855] : memref<320000x16xf32, #tpu.memory_space<hbm>> -> memref<80x16xf32, #tpu.memory_space<hbm>>
      %dma_wait3A_857 = arith.constant 0 : i32
      %dma_wait3A_858 = arith.constant 0 : i32
      %dma_wait3A_859 = tpu.memref_slice %arg11[%dma_wait3A_857, %dma_wait3A_858] : memref<80x32xf32, #tpu.memory_space<vmem>> -> memref<80x16xf32, #tpu.memory_space<vmem>>
      %dma_wait3A_860 = arith.constant 0 : i32
      %dma_wait3A_861 = tpu.memref_slice %arg4[%add3A_851, %dma_wait3A_860] : memref<320000x16xf32, #tpu.memory_space<hbm>> -> memref<80x16xf32, #tpu.memory_space<hbm>>
      tpu.wait_dma2 semaphore(%arg15 : memref<!tpu.dma_semaphore, #tpu.memory_space<semaphore_mem>>) src(%dma_wait3A_861 : memref<80x16xf32, #tpu.memory_space<hbm>>) dst(%dma_wait3A_859 : memref<80x16xf32, #tpu.memory_space<vmem>>)
      %dma_start3A_862 = arith.constant 0 : i32
      %dma_start3A_863 = arith.constant 320 : i32
      %dma_start3A_864 = tpu.memref_slice %arg7[%dma_start3A_862, %dma_start3A_863] : memref<2x400xi32, #tpu.memory_space<vmem>> -> memref<1x80xi32, #tpu.memory_space<vmem>>
      %dma_start3A_865 = tpu.memref_squeeze %dma_start3A_864 : memref<1x80xi32, #tpu.memory_space<vmem>> -> memref<80xi32, #tpu.memory_space<vmem>>
      %dma_start3A_866 = arith.constant 0 : i32
      %dma_start3A_867 = arith.constant 0 : i32
      %dma_start3A_868 = tpu.memref_slice %arg13[%dma_start3A_866, %dma_start3A_867] : memref<10000x128xf32, #tpu.memory_space<vmem_shared>> -> memref<10000x128xf32, #tpu.memory_space<vmem_shared>>
      tpu.enqueue_indirect_dma source(%arg9 : memref<80x128xf32, #tpu.memory_space<vmem>>) target(%dma_start3A_868 : memref<10000x128xf32, #tpu.memory_space<vmem_shared>>) offsets(%dma_start3A_865 : memref<80xi32, #tpu.memory_space<vmem>>) semaphore(%arg17 : memref<!tpu.dma_semaphore, #tpu.memory_space<semaphore_mem>>) {add = true}
      %dma_start3A_869 = arith.constant 0 : i32
      %dma_start3A_870 = arith.constant 320 : i32
      %dma_start3A_871 = tpu.memref_slice %arg7[%dma_start3A_869, %dma_start3A_870] : memref<2x400xi32, #tpu.memory_space<vmem>> -> memref<1x80xi32, #tpu.memory_space<vmem>>
      %dma_start3A_872 = tpu.memref_squeeze %dma_start3A_871 : memref<1x80xi32, #tpu.memory_space<vmem>> -> memref<80xi32, #tpu.memory_space<vmem>>
      %dma_start3A_873 = arith.constant 0 : i32
      %dma_start3A_874 = arith.constant 0 : i32
      %dma_start3A_875 = tpu.memref_slice %arg14[%dma_start3A_873, %dma_start3A_874] : memref<10000x32xf32, #tpu.memory_space<vmem_shared>> -> memref<10000x32xf32, #tpu.memory_space<vmem_shared>>
      tpu.enqueue_indirect_dma source(%arg11 : memref<80x32xf32, #tpu.memory_space<vmem>>) target(%dma_start3A_875 : memref<10000x32xf32, #tpu.memory_space<vmem_shared>>) offsets(%dma_start3A_872 : memref<80xi32, #tpu.memory_space<vmem>>) semaphore(%arg17 : memref<!tpu.dma_semaphore, #tpu.memory_space<semaphore_mem>>) {add = true}
      %dma_wait3A_876 = arith.constant 0 : i32
      %dma_wait3A_877 = arith.constant 0 : i32
      %dma_wait3A_878 = tpu.memref_slice %arg7[%dma_wait3A_876, %dma_wait3A_877] : memref<2x400xi32, #tpu.memory_space<vmem>> -> memref<1x80xi32, #tpu.memory_space<vmem>>
      %dma_wait3A_879 = tpu.memref_squeeze %dma_wait3A_878 : memref<1x80xi32, #tpu.memory_space<vmem>> -> memref<80xi32, #tpu.memory_space<vmem>>
      %dma_wait3A_880 = arith.constant 0 : i32
      %dma_wait3A_881 = arith.constant 0 : i32
      %dma_wait3A_882 = tpu.memref_slice %arg13[%dma_wait3A_880, %dma_wait3A_881] : memref<10000x128xf32, #tpu.memory_space<vmem_shared>> -> memref<10000x128xf32, #tpu.memory_space<vmem_shared>>
      tpu.wait_indirect_dma semaphore(%arg18 : memref<!tpu.dma_semaphore, #tpu.memory_space<semaphore_mem>>) src(%arg10 : memref<80x128xf32, #tpu.memory_space<vmem>>) dst(%dma_wait3A_882 : memref<10000x128xf32, #tpu.memory_space<vmem_shared>>)
      %dma_wait3A_883 = arith.constant 0 : i32
      %dma_wait3A_884 = arith.constant 0 : i32
      %dma_wait3A_885 = tpu.memref_slice %arg7[%dma_wait3A_883, %dma_wait3A_884] : memref<2x400xi32, #tpu.memory_space<vmem>> -> memref<1x80xi32, #tpu.memory_space<vmem>>
      %dma_wait3A_886 = tpu.memref_squeeze %dma_wait3A_885 : memref<1x80xi32, #tpu.memory_space<vmem>> -> memref<80xi32, #tpu.memory_space<vmem>>
      %dma_wait3A_887 = arith.constant 0 : i32
      %dma_wait3A_888 = arith.constant 0 : i32
      %dma_wait3A_889 = tpu.memref_slice %arg14[%dma_wait3A_887, %dma_wait3A_888] : memref<10000x32xf32, #tpu.memory_space<vmem_shared>> -> memref<10000x32xf32, #tpu.memory_space<vmem_shared>>
      tpu.wait_indirect_dma semaphore(%arg18 : memref<!tpu.dma_semaphore, #tpu.memory_space<semaphore_mem>>) src(%arg12 : memref<80x32xf32, #tpu.memory_space<vmem>>) dst(%dma_wait3A_889 : memref<10000x32xf32, #tpu.memory_space<vmem_shared>>)
      %mul3A_890 = arith.constant 2 : i32
      %mul3A_891 = arith.muli %mul3A_890, %scan3A_489 : i32
      %add3A_892 = arith.constant 1 : i32
      %add3A_893 = arith.addi %mul3A_891, %add3A_892 : i32
      %mul3A_894 = arith.constant 10000 : i32
      %mul3A_895 = arith.muli %add3A, %mul3A_894 : i32
      %mul3A_896 = arith.constant 400 : i32
      %mul3A_897 = arith.muli %add3A_893, %mul3A_896 : i32
      %add3A_898 = arith.addi %mul3A_895, %mul3A_897 : i32
      %dma_wait3A_899 = arith.constant 0 : i32
      %dma_wait3A_900 = arith.constant 0 : i32
      %dma_wait3A_901 = arith.constant 0 : i32
      %dma_wait3A_902 = tpu.memref_slice %arg8[%dma_wait3A_900, %dma_wait3A_901] : memref<2x400xi32, #tpu.memory_space<vmem>> -> memref<1x400xi32, #tpu.memory_space<vmem>>
      %dma_wait3A_903 = tpu.memref_squeeze %dma_wait3A_902 : memref<1x400xi32, #tpu.memory_space<vmem>> -> memref<400xi32, #tpu.memory_space<vmem>>
      %dma_wait3A_904 = tpu.memref_slice %arg3[%dma_wait3A_899, %add3A_898] : memref<2x320000xi32, #tpu.memory_space<hbm>> -> memref<1x400xi32, #tpu.memory_space<hbm>>
      %dma_wait3A_905 = tpu.memref_squeeze %dma_wait3A_904 : memref<1x400xi32, #tpu.memory_space<hbm>> -> memref<400xi32, #tpu.memory_space<hbm>>
      %dma_wait3A_906 = arith.constant 0 : i32
      %dma_wait3A_907 = tpu.memref_slice %arg8[%dma_wait3A_900, %dma_wait3A_906] : memref<2x400xi32, #tpu.memory_space<vmem>> -> memref<1x400xi32, #tpu.memory_space<vmem>>
      %dma_wait3A_908 = tpu.memref_squeeze %dma_wait3A_907 : memref<1x400xi32, #tpu.memory_space<vmem>> -> memref<400xi32, #tpu.memory_space<vmem>>
      %dma_wait3A_909 = tpu.memref_slice %arg3[%dma_wait3A_899, %add3A_898] : memref<2x320000xi32, #tpu.memory_space<hbm>> -> memref<1x400xi32, #tpu.memory_space<hbm>>
      %dma_wait3A_910 = tpu.memref_squeeze %dma_wait3A_909 : memref<1x400xi32, #tpu.memory_space<hbm>> -> memref<400xi32, #tpu.memory_space<hbm>>
      tpu.wait_dma2 semaphore(%arg20 : memref<!tpu.dma_semaphore, #tpu.memory_space<semaphore_mem>>) src(%dma_wait3A_910 : memref<400xi32, #tpu.memory_space<hbm>>) dst(%dma_wait3A_908 : memref<400xi32, #tpu.memory_space<vmem>>)
      %dma_wait3A_911 = arith.constant 1 : i32
      %dma_wait3A_912 = arith.constant 1 : i32
      %dma_wait3A_913 = arith.constant 0 : i32
      %dma_wait3A_914 = tpu.memref_slice %arg8[%dma_wait3A_912, %dma_wait3A_913] : memref<2x400xi32, #tpu.memory_space<vmem>> -> memref<1x400xi32, #tpu.memory_space<vmem>>
      %dma_wait3A_915 = tpu.memref_squeeze %dma_wait3A_914 : memref<1x400xi32, #tpu.memory_space<vmem>> -> memref<400xi32, #tpu.memory_space<vmem>>
      %dma_wait3A_916 = tpu.memref_slice %arg3[%dma_wait3A_911, %add3A_898] : memref<2x320000xi32, #tpu.memory_space<hbm>> -> memref<1x400xi32, #tpu.memory_space<hbm>>
      %dma_wait3A_917 = tpu.memref_squeeze %dma_wait3A_916 : memref<1x400xi32, #tpu.memory_space<hbm>> -> memref<400xi32, #tpu.memory_space<hbm>>
      %dma_wait3A_918 = arith.constant 0 : i32
      %dma_wait3A_919 = tpu.memref_slice %arg8[%dma_wait3A_912, %dma_wait3A_918] : memref<2x400xi32, #tpu.memory_space<vmem>> -> memref<1x400xi32, #tpu.memory_space<vmem>>
      %dma_wait3A_920 = tpu.memref_squeeze %dma_wait3A_919 : memref<1x400xi32, #tpu.memory_space<vmem>> -> memref<400xi32, #tpu.memory_space<vmem>>
      %dma_wait3A_921 = tpu.memref_slice %arg3[%dma_wait3A_911, %add3A_898] : memref<2x320000xi32, #tpu.memory_space<hbm>> -> memref<1x400xi32, #tpu.memory_space<hbm>>
      %dma_wait3A_922 = tpu.memref_squeeze %dma_wait3A_921 : memref<1x400xi32, #tpu.memory_space<hbm>> -> memref<400xi32, #tpu.memory_space<hbm>>
      tpu.wait_dma2 semaphore(%arg20 : memref<!tpu.dma_semaphore, #tpu.memory_space<semaphore_mem>>) src(%dma_wait3A_922 : memref<400xi32, #tpu.memory_space<hbm>>) dst(%dma_wait3A_920 : memref<400xi32, #tpu.memory_space<vmem>>)
      %add3A_923 = arith.constant 1 : i32
      %add3A_924 = arith.addi %add3A_839, %add3A_923 : i32
      %dma_start3A_925 = arith.constant 1 : i32
      %dma_start3A_926 = arith.constant 0 : i32
      %dma_start3A_927 = tpu.memref_slice %arg8[%dma_start3A_925, %dma_start3A_926] : memref<2x400xi32, #tpu.memory_space<vmem>> -> memref<1x80xi32, #tpu.memory_space<vmem>>
      %dma_start3A_928 = tpu.memref_squeeze %dma_start3A_927 : memref<1x80xi32, #tpu.memory_space<vmem>> -> memref<80xi32, #tpu.memory_space<vmem>>
      %dma_start3A_929 = arith.constant 0 : i32
      %dma_start3A_930 = arith.constant 0 : i32
      %dma_start3A_931 = tpu.memref_slice %arg2[%dma_start3A_929, %dma_start3A_930] : memref<10000x128xf32, #tpu.memory_space<hbm>> -> memref<10000x128xf32, #tpu.memory_space<hbm>>
      tpu.enqueue_indirect_dma source(%dma_start3A_931 : memref<10000x128xf32, #tpu.memory_space<hbm>>) target(%arg10 : memref<80x128xf32, #tpu.memory_space<vmem>>) offsets(%dma_start3A_928 : memref<80xi32, #tpu.memory_space<vmem>>) semaphore(%arg16 : memref<!tpu.dma_semaphore, #tpu.memory_space<semaphore_mem>>)
      %mul3A_932 = arith.constant 10000 : i32
      %mul3A_933 = arith.muli %add3A, %mul3A_932 : i32
      %mul3A_934 = arith.constant 80 : i32
      %mul3A_935 = arith.muli %add3A_924, %mul3A_934 : i32
      %add3A_936 = arith.addi %mul3A_933, %mul3A_935 : i32
      %dma_start3A_937 = arith.constant 0 : i32
      %dma_start3A_938 = arith.constant 0 : i32
      %dma_start3A_939 = tpu.memref_slice %arg12[%dma_start3A_937, %dma_start3A_938] : memref<80x32xf32, #tpu.memory_space<vmem>> -> memref<80x16xf32, #tpu.memory_space<vmem>>
      %dma_start3A_940 = arith.constant 0 : i32
      %dma_start3A_941 = tpu.memref_slice %arg4[%add3A_936, %dma_start3A_940] : memref<320000x16xf32, #tpu.memory_space<hbm>> -> memref<80x16xf32, #tpu.memory_space<hbm>>
      %dma_start3A_942 = arith.constant 0 : i32
      %dma_start3A_943 = arith.constant 0 : i32
      %dma_start3A_944 = tpu.memref_slice %arg12[%dma_start3A_942, %dma_start3A_943] : memref<80x32xf32, #tpu.memory_space<vmem>> -> memref<80x16xf32, #tpu.memory_space<vmem>>
      %dma_start3A_945 = arith.constant 0 : i32
      %dma_start3A_946 = tpu.memref_slice %arg4[%add3A_936, %dma_start3A_945] : memref<320000x16xf32, #tpu.memory_space<hbm>> -> memref<80x16xf32, #tpu.memory_space<hbm>>
      tpu.enqueue_dma source(%dma_start3A_946 : memref<80x16xf32, #tpu.memory_space<hbm>>) target(%dma_start3A_944 : memref<80x16xf32, #tpu.memory_space<vmem>>) target_semaphore(%arg16 : memref<!tpu.dma_semaphore, #tpu.memory_space<semaphore_mem>>)
      %mul3A_947 = arith.constant 10 : i32
      %mul3A_948 = arith.muli %mul3A_947, %scan3A_489 : i32
      %add3A_949 = arith.constant 5 : i32
      %add3A_950 = arith.addi %mul3A_948, %add3A_949 : i32
      %add3A_951 = arith.constant 0 : i32
      %add3A_952 = arith.addi %add3A_950, %add3A_951 : i32
      %dma_wait3A_953 = arith.constant 1 : i32
      %dma_wait3A_954 = arith.constant 0 : i32
      %dma_wait3A_955 = tpu.memref_slice %arg8[%dma_wait3A_953, %dma_wait3A_954] : memref<2x400xi32, #tpu.memory_space<vmem>> -> memref<1x80xi32, #tpu.memory_space<vmem>>
      %dma_wait3A_956 = tpu.memref_squeeze %dma_wait3A_955 : memref<1x80xi32, #tpu.memory_space<vmem>> -> memref<80xi32, #tpu.memory_space<vmem>>
      %dma_wait3A_957 = arith.constant 0 : i32
      %dma_wait3A_958 = arith.constant 0 : i32
      %dma_wait3A_959 = tpu.memref_slice %arg2[%dma_wait3A_957, %dma_wait3A_958] : memref<10000x128xf32, #tpu.memory_space<hbm>> -> memref<10000x128xf32, #tpu.memory_space<hbm>>
      tpu.wait_indirect_dma semaphore(%arg16 : memref<!tpu.dma_semaphore, #tpu.memory_space<semaphore_mem>>) src(%dma_wait3A_959 : memref<10000x128xf32, #tpu.memory_space<hbm>>) dst(%arg10 : memref<80x128xf32, #tpu.memory_space<vmem>>)
      %mul3A_960 = arith.constant 10000 : i32
      %mul3A_961 = arith.muli %add3A, %mul3A_960 : i32
      %mul3A_962 = arith.constant 80 : i32
      %mul3A_963 = arith.muli %add3A_952, %mul3A_962 : i32
      %add3A_964 = arith.addi %mul3A_961, %mul3A_963 : i32
      %dma_wait3A_965 = arith.constant 0 : i32
      %dma_wait3A_966 = arith.constant 0 : i32
      %dma_wait3A_967 = tpu.memref_slice %arg12[%dma_wait3A_965, %dma_wait3A_966] : memref<80x32xf32, #tpu.memory_space<vmem>> -> memref<80x16xf32, #tpu.memory_space<vmem>>
      %dma_wait3A_968 = arith.constant 0 : i32
      %dma_wait3A_969 = tpu.memref_slice %arg4[%add3A_964, %dma_wait3A_968] : memref<320000x16xf32, #tpu.memory_space<hbm>> -> memref<80x16xf32, #tpu.memory_space<hbm>>
      %dma_wait3A_970 = arith.constant 0 : i32
      %dma_wait3A_971 = arith.constant 0 : i32
      %dma_wait3A_972 = tpu.memref_slice %arg12[%dma_wait3A_970, %dma_wait3A_971] : memref<80x32xf32, #tpu.memory_space<vmem>> -> memref<80x16xf32, #tpu.memory_space<vmem>>
      %dma_wait3A_973 = arith.constant 0 : i32
      %dma_wait3A_974 = tpu.memref_slice %arg4[%add3A_964, %dma_wait3A_973] : memref<320000x16xf32, #tpu.memory_space<hbm>> -> memref<80x16xf32, #tpu.memory_space<hbm>>
      tpu.wait_dma2 semaphore(%arg16 : memref<!tpu.dma_semaphore, #tpu.memory_space<semaphore_mem>>) src(%dma_wait3A_974 : memref<80x16xf32, #tpu.memory_space<hbm>>) dst(%dma_wait3A_972 : memref<80x16xf32, #tpu.memory_space<vmem>>)
      %dma_start3A_975 = arith.constant 0 : i32
      %dma_start3A_976 = arith.constant 0 : i32
      %dma_start3A_977 = tpu.memref_slice %arg8[%dma_start3A_975, %dma_start3A_976] : memref<2x400xi32, #tpu.memory_space<vmem>> -> memref<1x80xi32, #tpu.memory_space<vmem>>
      %dma_start3A_978 = tpu.memref_squeeze %dma_start3A_977 : memref<1x80xi32, #tpu.memory_space<vmem>> -> memref<80xi32, #tpu.memory_space<vmem>>
      %dma_start3A_979 = arith.constant 0 : i32
      %dma_start3A_980 = arith.constant 0 : i32
      %dma_start3A_981 = tpu.memref_slice %arg13[%dma_start3A_979, %dma_start3A_980] : memref<10000x128xf32, #tpu.memory_space<vmem_shared>> -> memref<10000x128xf32, #tpu.memory_space<vmem_shared>>
      tpu.enqueue_indirect_dma source(%arg10 : memref<80x128xf32, #tpu.memory_space<vmem>>) target(%dma_start3A_981 : memref<10000x128xf32, #tpu.memory_space<vmem_shared>>) offsets(%dma_start3A_978 : memref<80xi32, #tpu.memory_space<vmem>>) semaphore(%arg18 : memref<!tpu.dma_semaphore, #tpu.memory_space<semaphore_mem>>) {add = true}
      %dma_start3A_982 = arith.constant 0 : i32
      %dma_start3A_983 = arith.constant 0 : i32
      %dma_start3A_984 = tpu.memref_slice %arg8[%dma_start3A_982, %dma_start3A_983] : memref<2x400xi32, #tpu.memory_space<vmem>> -> memref<1x80xi32, #tpu.memory_space<vmem>>
      %dma_start3A_985 = tpu.memref_squeeze %dma_start3A_984 : memref<1x80xi32, #tpu.memory_space<vmem>> -> memref<80xi32, #tpu.memory_space<vmem>>
      %dma_start3A_986 = arith.constant 0 : i32
      %dma_start3A_987 = arith.constant 0 : i32
      %dma_start3A_988 = tpu.memref_slice %arg14[%dma_start3A_986, %dma_start3A_987] : memref<10000x32xf32, #tpu.memory_space<vmem_shared>> -> memref<10000x32xf32, #tpu.memory_space<vmem_shared>>
      tpu.enqueue_indirect_dma source(%arg12 : memref<80x32xf32, #tpu.memory_space<vmem>>) target(%dma_start3A_988 : memref<10000x32xf32, #tpu.memory_space<vmem_shared>>) offsets(%dma_start3A_985 : memref<80xi32, #tpu.memory_space<vmem>>) semaphore(%arg18 : memref<!tpu.dma_semaphore, #tpu.memory_space<semaphore_mem>>) {add = true}
      %dma_wait3A_989 = arith.constant 0 : i32
      %dma_wait3A_990 = arith.constant 0 : i32
      %dma_wait3A_991 = tpu.memref_slice %arg7[%dma_wait3A_989, %dma_wait3A_990] : memref<2x400xi32, #tpu.memory_space<vmem>> -> memref<1x80xi32, #tpu.memory_space<vmem>>
      %dma_wait3A_992 = tpu.memref_squeeze %dma_wait3A_991 : memref<1x80xi32, #tpu.memory_space<vmem>> -> memref<80xi32, #tpu.memory_space<vmem>>
      %dma_wait3A_993 = arith.constant 0 : i32
      %dma_wait3A_994 = arith.constant 0 : i32
      %dma_wait3A_995 = tpu.memref_slice %arg13[%dma_wait3A_993, %dma_wait3A_994] : memref<10000x128xf32, #tpu.memory_space<vmem_shared>> -> memref<10000x128xf32, #tpu.memory_space<vmem_shared>>
      tpu.wait_indirect_dma semaphore(%arg17 : memref<!tpu.dma_semaphore, #tpu.memory_space<semaphore_mem>>) src(%arg9 : memref<80x128xf32, #tpu.memory_space<vmem>>) dst(%dma_wait3A_995 : memref<10000x128xf32, #tpu.memory_space<vmem_shared>>)
      %dma_wait3A_996 = arith.constant 0 : i32
      %dma_wait3A_997 = arith.constant 0 : i32
      %dma_wait3A_998 = tpu.memref_slice %arg7[%dma_wait3A_996, %dma_wait3A_997] : memref<2x400xi32, #tpu.memory_space<vmem>> -> memref<1x80xi32, #tpu.memory_space<vmem>>
      %dma_wait3A_999 = tpu.memref_squeeze %dma_wait3A_998 : memref<1x80xi32, #tpu.memory_space<vmem>> -> memref<80xi32, #tpu.memory_space<vmem>>
      %dma_wait3A_1000 = arith.constant 0 : i32
      %dma_wait3A_1001 = arith.constant 0 : i32
      %dma_wait3A_1002 = tpu.memref_slice %arg14[%dma_wait3A_1000, %dma_wait3A_1001] : memref<10000x32xf32, #tpu.memory_space<vmem_shared>> -> memref<10000x32xf32, #tpu.memory_space<vmem_shared>>
      tpu.wait_indirect_dma semaphore(%arg17 : memref<!tpu.dma_semaphore, #tpu.memory_space<semaphore_mem>>) src(%arg11 : memref<80x32xf32, #tpu.memory_space<vmem>>) dst(%dma_wait3A_1002 : memref<10000x32xf32, #tpu.memory_space<vmem_shared>>)
      %add3A_1003 = arith.constant 1 : i32
      %add3A_1004 = arith.addi %add3A_952, %add3A_1003 : i32
      %dma_start3A_1005 = arith.constant 1 : i32
      %dma_start3A_1006 = arith.constant 80 : i32
      %dma_start3A_1007 = tpu.memref_slice %arg8[%dma_start3A_1005, %dma_start3A_1006] : memref<2x400xi32, #tpu.memory_space<vmem>> -> memref<1x80xi32, #tpu.memory_space<vmem>>
      %dma_start3A_1008 = tpu.memref_squeeze %dma_start3A_1007 : memref<1x80xi32, #tpu.memory_space<vmem>> -> memref<80xi32, #tpu.memory_space<vmem>>
      %dma_start3A_1009 = arith.constant 0 : i32
      %dma_start3A_1010 = arith.constant 0 : i32
      %dma_start3A_1011 = tpu.memref_slice %arg2[%dma_start3A_1009, %dma_start3A_1010] : memref<10000x128xf32, #tpu.memory_space<hbm>> -> memref<10000x128xf32, #tpu.memory_space<hbm>>
      tpu.enqueue_indirect_dma source(%dma_start3A_1011 : memref<10000x128xf32, #tpu.memory_space<hbm>>) target(%arg9 : memref<80x128xf32, #tpu.memory_space<vmem>>) offsets(%dma_start3A_1008 : memref<80xi32, #tpu.memory_space<vmem>>) semaphore(%arg15 : memref<!tpu.dma_semaphore, #tpu.memory_space<semaphore_mem>>)
      %mul3A_1012 = arith.constant 10000 : i32
      %mul3A_1013 = arith.muli %add3A, %mul3A_1012 : i32
      %mul3A_1014 = arith.constant 80 : i32
      %mul3A_1015 = arith.muli %add3A_1004, %mul3A_1014 : i32
      %add3A_1016 = arith.addi %mul3A_1013, %mul3A_1015 : i32
      %dma_start3A_1017 = arith.constant 0 : i32
      %dma_start3A_1018 = arith.constant 0 : i32
      %dma_start3A_1019 = tpu.memref_slice %arg11[%dma_start3A_1017, %dma_start3A_1018] : memref<80x32xf32, #tpu.memory_space<vmem>> -> memref<80x16xf32, #tpu.memory_space<vmem>>
      %dma_start3A_1020 = arith.constant 0 : i32
      %dma_start3A_1021 = tpu.memref_slice %arg4[%add3A_1016, %dma_start3A_1020] : memref<320000x16xf32, #tpu.memory_space<hbm>> -> memref<80x16xf32, #tpu.memory_space<hbm>>
      %dma_start3A_1022 = arith.constant 0 : i32
      %dma_start3A_1023 = arith.constant 0 : i32
      %dma_start3A_1024 = tpu.memref_slice %arg11[%dma_start3A_1022, %dma_start3A_1023] : memref<80x32xf32, #tpu.memory_space<vmem>> -> memref<80x16xf32, #tpu.memory_space<vmem>>
      %dma_start3A_1025 = arith.constant 0 : i32
      %dma_start3A_1026 = tpu.memref_slice %arg4[%add3A_1016, %dma_start3A_1025] : memref<320000x16xf32, #tpu.memory_space<hbm>> -> memref<80x16xf32, #tpu.memory_space<hbm>>
      tpu.enqueue_dma source(%dma_start3A_1026 : memref<80x16xf32, #tpu.memory_space<hbm>>) target(%dma_start3A_1024 : memref<80x16xf32, #tpu.memory_space<vmem>>) target_semaphore(%arg15 : memref<!tpu.dma_semaphore, #tpu.memory_space<semaphore_mem>>)
      %mul3A_1027 = arith.constant 10 : i32
      %mul3A_1028 = arith.muli %mul3A_1027, %scan3A_489 : i32
      %add3A_1029 = arith.constant 5 : i32
      %add3A_1030 = arith.addi %mul3A_1028, %add3A_1029 : i32
      %add3A_1031 = arith.constant 1 : i32
      %add3A_1032 = arith.addi %add3A_1030, %add3A_1031 : i32
      %dma_wait3A_1033 = arith.constant 1 : i32
      %dma_wait3A_1034 = arith.constant 80 : i32
      %dma_wait3A_1035 = tpu.memref_slice %arg8[%dma_wait3A_1033, %dma_wait3A_1034] : memref<2x400xi32, #tpu.memory_space<vmem>> -> memref<1x80xi32, #tpu.memory_space<vmem>>
      %dma_wait3A_1036 = tpu.memref_squeeze %dma_wait3A_1035 : memref<1x80xi32, #tpu.memory_space<vmem>> -> memref<80xi32, #tpu.memory_space<vmem>>
      %dma_wait3A_1037 = arith.constant 0 : i32
      %dma_wait3A_1038 = arith.constant 0 : i32
      %dma_wait3A_1039 = tpu.memref_slice %arg2[%dma_wait3A_1037, %dma_wait3A_1038] : memref<10000x128xf32, #tpu.memory_space<hbm>> -> memref<10000x128xf32, #tpu.memory_space<hbm>>
      tpu.wait_indirect_dma semaphore(%arg15 : memref<!tpu.dma_semaphore, #tpu.memory_space<semaphore_mem>>) src(%dma_wait3A_1039 : memref<10000x128xf32, #tpu.memory_space<hbm>>) dst(%arg9 : memref<80x128xf32, #tpu.memory_space<vmem>>)
      %mul3A_1040 = arith.constant 10000 : i32
      %mul3A_1041 = arith.muli %add3A, %mul3A_1040 : i32
      %mul3A_1042 = arith.constant 80 : i32
      %mul3A_1043 = arith.muli %add3A_1032, %mul3A_1042 : i32
      %add3A_1044 = arith.addi %mul3A_1041, %mul3A_1043 : i32
      %dma_wait3A_1045 = arith.constant 0 : i32
      %dma_wait3A_1046 = arith.constant 0 : i32
      %dma_wait3A_1047 = tpu.memref_slice %arg11[%dma_wait3A_1045, %dma_wait3A_1046] : memref<80x32xf32, #tpu.memory_space<vmem>> -> memref<80x16xf32, #tpu.memory_space<vmem>>
      %dma_wait3A_1048 = arith.constant 0 : i32
      %dma_wait3A_1049 = tpu.memref_slice %arg4[%add3A_1044, %dma_wait3A_1048] : memref<320000x16xf32, #tpu.memory_space<hbm>> -> memref<80x16xf32, #tpu.memory_space<hbm>>
      %dma_wait3A_1050 = arith.constant 0 : i32
      %dma_wait3A_1051 = arith.constant 0 : i32
      %dma_wait3A_1052 = tpu.memref_slice %arg11[%dma_wait3A_1050, %dma_wait3A_1051] : memref<80x32xf32, #tpu.memory_space<vmem>> -> memref<80x16xf32, #tpu.memory_space<vmem>>
      %dma_wait3A_1053 = arith.constant 0 : i32
      %dma_wait3A_1054 = tpu.memref_slice %arg4[%add3A_1044, %dma_wait3A_1053] : memref<320000x16xf32, #tpu.memory_space<hbm>> -> memref<80x16xf32, #tpu.memory_space<hbm>>
      tpu.wait_dma2 semaphore(%arg15 : memref<!tpu.dma_semaphore, #tpu.memory_space<semaphore_mem>>) src(%dma_wait3A_1054 : memref<80x16xf32, #tpu.memory_space<hbm>>) dst(%dma_wait3A_1052 : memref<80x16xf32, #tpu.memory_space<vmem>>)
      %dma_start3A_1055 = arith.constant 0 : i32
      %dma_start3A_1056 = arith.constant 80 : i32
      %dma_start3A_1057 = tpu.memref_slice %arg8[%dma_start3A_1055, %dma_start3A_1056] : memref<2x400xi32, #tpu.memory_space<vmem>> -> memref<1x80xi32, #tpu.memory_space<vmem>>
      %dma_start3A_1058 = tpu.memref_squeeze %dma_start3A_1057 : memref<1x80xi32, #tpu.memory_space<vmem>> -> memref<80xi32, #tpu.memory_space<vmem>>
      %dma_start3A_1059 = arith.constant 0 : i32
      %dma_start3A_1060 = arith.constant 0 : i32
      %dma_start3A_1061 = tpu.memref_slice %arg13[%dma_start3A_1059, %dma_start3A_1060] : memref<10000x128xf32, #tpu.memory_space<vmem_shared>> -> memref<10000x128xf32, #tpu.memory_space<vmem_shared>>
      tpu.enqueue_indirect_dma source(%arg9 : memref<80x128xf32, #tpu.memory_space<vmem>>) target(%dma_start3A_1061 : memref<10000x128xf32, #tpu.memory_space<vmem_shared>>) offsets(%dma_start3A_1058 : memref<80xi32, #tpu.memory_space<vmem>>) semaphore(%arg17 : memref<!tpu.dma_semaphore, #tpu.memory_space<semaphore_mem>>) {add = true}
      %dma_start3A_1062 = arith.constant 0 : i32
      %dma_start3A_1063 = arith.constant 80 : i32
      %dma_start3A_1064 = tpu.memref_slice %arg8[%dma_start3A_1062, %dma_start3A_1063] : memref<2x400xi32, #tpu.memory_space<vmem>> -> memref<1x80xi32, #tpu.memory_space<vmem>>
      %dma_start3A_1065 = tpu.memref_squeeze %dma_start3A_1064 : memref<1x80xi32, #tpu.memory_space<vmem>> -> memref<80xi32, #tpu.memory_space<vmem>>
      %dma_start3A_1066 = arith.constant 0 : i32
      %dma_start3A_1067 = arith.constant 0 : i32
      %dma_start3A_1068 = tpu.memref_slice %arg14[%dma_start3A_1066, %dma_start3A_1067] : memref<10000x32xf32, #tpu.memory_space<vmem_shared>> -> memref<10000x32xf32, #tpu.memory_space<vmem_shared>>
      tpu.enqueue_indirect_dma source(%arg11 : memref<80x32xf32, #tpu.memory_space<vmem>>) target(%dma_start3A_1068 : memref<10000x32xf32, #tpu.memory_space<vmem_shared>>) offsets(%dma_start3A_1065 : memref<80xi32, #tpu.memory_space<vmem>>) semaphore(%arg17 : memref<!tpu.dma_semaphore, #tpu.memory_space<semaphore_mem>>) {add = true}
      %dma_wait3A_1069 = arith.constant 0 : i32
      %dma_wait3A_1070 = arith.constant 0 : i32
      %dma_wait3A_1071 = tpu.memref_slice %arg7[%dma_wait3A_1069, %dma_wait3A_1070] : memref<2x400xi32, #tpu.memory_space<vmem>> -> memref<1x80xi32, #tpu.memory_space<vmem>>
      %dma_wait3A_1072 = tpu.memref_squeeze %dma_wait3A_1071 : memref<1x80xi32, #tpu.memory_space<vmem>> -> memref<80xi32, #tpu.memory_space<vmem>>
      %dma_wait3A_1073 = arith.constant 0 : i32
      %dma_wait3A_1074 = arith.constant 0 : i32
      %dma_wait3A_1075 = tpu.memref_slice %arg13[%dma_wait3A_1073, %dma_wait3A_1074] : memref<10000x128xf32, #tpu.memory_space<vmem_shared>> -> memref<10000x128xf32, #tpu.memory_space<vmem_shared>>
      tpu.wait_indirect_dma semaphore(%arg18 : memref<!tpu.dma_semaphore, #tpu.memory_space<semaphore_mem>>) src(%arg10 : memref<80x128xf32, #tpu.memory_space<vmem>>) dst(%dma_wait3A_1075 : memref<10000x128xf32, #tpu.memory_space<vmem_shared>>)
      %dma_wait3A_1076 = arith.constant 0 : i32
      %dma_wait3A_1077 = arith.constant 0 : i32
      %dma_wait3A_1078 = tpu.memref_slice %arg7[%dma_wait3A_1076, %dma_wait3A_1077] : memref<2x400xi32, #tpu.memory_space<vmem>> -> memref<1x80xi32, #tpu.memory_space<vmem>>
      %dma_wait3A_1079 = tpu.memref_squeeze %dma_wait3A_1078 : memref<1x80xi32, #tpu.memory_space<vmem>> -> memref<80xi32, #tpu.memory_space<vmem>>
      %dma_wait3A_1080 = arith.constant 0 : i32
      %dma_wait3A_1081 = arith.constant 0 : i32
      %dma_wait3A_1082 = tpu.memref_slice %arg14[%dma_wait3A_1080, %dma_wait3A_1081] : memref<10000x32xf32, #tpu.memory_space<vmem_shared>> -> memref<10000x32xf32, #tpu.memory_space<vmem_shared>>
      tpu.wait_indirect_dma semaphore(%arg18 : memref<!tpu.dma_semaphore, #tpu.memory_space<semaphore_mem>>) src(%arg12 : memref<80x32xf32, #tpu.memory_space<vmem>>) dst(%dma_wait3A_1082 : memref<10000x32xf32, #tpu.memory_space<vmem_shared>>)
      %mul3A_1083 = arith.constant 2 : i32
      %mul3A_1084 = arith.muli %mul3A_1083, %scan3A_489 : i32
      %add3A_1085 = arith.constant 2 : i32
      %add3A_1086 = arith.addi %mul3A_1084, %add3A_1085 : i32
      %mul3A_1087 = arith.constant 10000 : i32
      %mul3A_1088 = arith.muli %add3A, %mul3A_1087 : i32
      %mul3A_1089 = arith.constant 400 : i32
      %mul3A_1090 = arith.muli %add3A_1086, %mul3A_1089 : i32
      %add3A_1091 = arith.addi %mul3A_1088, %mul3A_1090 : i32
      %dma_start3A_1092 = arith.constant 0 : i32
      %dma_start3A_1093 = arith.constant 0 : i32
      %dma_start3A_1094 = arith.constant 0 : i32
      %dma_start3A_1095 = tpu.memref_slice %arg7[%dma_start3A_1093, %dma_start3A_1094] : memref<2x400xi32, #tpu.memory_space<vmem>> -> memref<1x400xi32, #tpu.memory_space<vmem>>
      %dma_start3A_1096 = tpu.memref_squeeze %dma_start3A_1095 : memref<1x400xi32, #tpu.memory_space<vmem>> -> memref<400xi32, #tpu.memory_space<vmem>>
      %dma_start3A_1097 = tpu.memref_slice %arg3[%dma_start3A_1092, %add3A_1091] : memref<2x320000xi32, #tpu.memory_space<hbm>> -> memref<1x400xi32, #tpu.memory_space<hbm>>
      %dma_start3A_1098 = tpu.memref_squeeze %dma_start3A_1097 : memref<1x400xi32, #tpu.memory_space<hbm>> -> memref<400xi32, #tpu.memory_space<hbm>>
      %dma_start3A_1099 = arith.constant 0 : i32
      %dma_start3A_1100 = tpu.memref_slice %arg7[%dma_start3A_1093, %dma_start3A_1099] : memref<2x400xi32, #tpu.memory_space<vmem>> -> memref<1x400xi32, #tpu.memory_space<vmem>>
      %dma_start3A_1101 = tpu.memref_squeeze %dma_start3A_1100 : memref<1x400xi32, #tpu.memory_space<vmem>> -> memref<400xi32, #tpu.memory_space<vmem>>
      %dma_start3A_1102 = tpu.memref_slice %arg3[%dma_start3A_1092, %add3A_1091] : memref<2x320000xi32, #tpu.memory_space<hbm>> -> memref<1x400xi32, #tpu.memory_space<hbm>>
      %dma_start3A_1103 = tpu.memref_squeeze %dma_start3A_1102 : memref<1x400xi32, #tpu.memory_space<hbm>> -> memref<400xi32, #tpu.memory_space<hbm>>
      tpu.enqueue_dma source(%dma_start3A_1103 : memref<400xi32, #tpu.memory_space<hbm>>) target(%dma_start3A_1101 : memref<400xi32, #tpu.memory_space<vmem>>) target_semaphore(%arg19 : memref<!tpu.dma_semaphore, #tpu.memory_space<semaphore_mem>>)
      %dma_start3A_1104 = arith.constant 1 : i32
      %dma_start3A_1105 = arith.constant 1 : i32
      %dma_start3A_1106 = arith.constant 0 : i32
      %dma_start3A_1107 = tpu.memref_slice %arg7[%dma_start3A_1105, %dma_start3A_1106] : memref<2x400xi32, #tpu.memory_space<vmem>> -> memref<1x400xi32, #tpu.memory_space<vmem>>
      %dma_start3A_1108 = tpu.memref_squeeze %dma_start3A_1107 : memref<1x400xi32, #tpu.memory_space<vmem>> -> memref<400xi32, #tpu.memory_space<vmem>>
      %dma_start3A_1109 = tpu.memref_slice %arg3[%dma_start3A_1104, %add3A_1091] : memref<2x320000xi32, #tpu.memory_space<hbm>> -> memref<1x400xi32, #tpu.memory_space<hbm>>
      %dma_start3A_1110 = tpu.memref_squeeze %dma_start3A_1109 : memref<1x400xi32, #tpu.memory_space<hbm>> -> memref<400xi32, #tpu.memory_space<hbm>>
      %dma_start3A_1111 = arith.constant 0 : i32
      %dma_start3A_1112 = tpu.memref_slice %arg7[%dma_start3A_1105, %dma_start3A_1111] : memref<2x400xi32, #tpu.memory_space<vmem>> -> memref<1x400xi32, #tpu.memory_space<vmem>>
      %dma_start3A_1113 = tpu.memref_squeeze %dma_start3A_1112 : memref<1x400xi32, #tpu.memory_space<vmem>> -> memref<400xi32, #tpu.memory_space<vmem>>
      %dma_start3A_1114 = tpu.memref_slice %arg3[%dma_start3A_1104, %add3A_1091] : memref<2x320000xi32, #tpu.memory_space<hbm>> -> memref<1x400xi32, #tpu.memory_space<hbm>>
      %dma_start3A_1115 = tpu.memref_squeeze %dma_start3A_1114 : memref<1x400xi32, #tpu.memory_space<hbm>> -> memref<400xi32, #tpu.memory_space<hbm>>
      tpu.enqueue_dma source(%dma_start3A_1115 : memref<400xi32, #tpu.memory_space<hbm>>) target(%dma_start3A_1113 : memref<400xi32, #tpu.memory_space<vmem>>) target_semaphore(%arg19 : memref<!tpu.dma_semaphore, #tpu.memory_space<semaphore_mem>>)
      %add3A_1116 = arith.constant 1 : i32
      %add3A_1117 = arith.addi %add3A_1032, %add3A_1116 : i32
      %dma_start3A_1118 = arith.constant 1 : i32
      %dma_start3A_1119 = arith.constant 160 : i32
      %dma_start3A_1120 = tpu.memref_slice %arg8[%dma_start3A_1118, %dma_start3A_1119] : memref<2x400xi32, #tpu.memory_space<vmem>> -> memref<1x80xi32, #tpu.memory_space<vmem>>
      %dma_start3A_1121 = tpu.memref_squeeze %dma_start3A_1120 : memref<1x80xi32, #tpu.memory_space<vmem>> -> memref<80xi32, #tpu.memory_space<vmem>>
      %dma_start3A_1122 = arith.constant 0 : i32
      %dma_start3A_1123 = arith.constant 0 : i32
      %dma_start3A_1124 = tpu.memref_slice %arg2[%dma_start3A_1122, %dma_start3A_1123] : memref<10000x128xf32, #tpu.memory_space<hbm>> -> memref<10000x128xf32, #tpu.memory_space<hbm>>
      tpu.enqueue_indirect_dma source(%dma_start3A_1124 : memref<10000x128xf32, #tpu.memory_space<hbm>>) target(%arg10 : memref<80x128xf32, #tpu.memory_space<vmem>>) offsets(%dma_start3A_1121 : memref<80xi32, #tpu.memory_space<vmem>>) semaphore(%arg16 : memref<!tpu.dma_semaphore, #tpu.memory_space<semaphore_mem>>)
      %mul3A_1125 = arith.constant 10000 : i32
      %mul3A_1126 = arith.muli %add3A, %mul3A_1125 : i32
      %mul3A_1127 = arith.constant 80 : i32
      %mul3A_1128 = arith.muli %add3A_1117, %mul3A_1127 : i32
      %add3A_1129 = arith.addi %mul3A_1126, %mul3A_1128 : i32
      %dma_start3A_1130 = arith.constant 0 : i32
      %dma_start3A_1131 = arith.constant 0 : i32
      %dma_start3A_1132 = tpu.memref_slice %arg12[%dma_start3A_1130, %dma_start3A_1131] : memref<80x32xf32, #tpu.memory_space<vmem>> -> memref<80x16xf32, #tpu.memory_space<vmem>>
      %dma_start3A_1133 = arith.constant 0 : i32
      %dma_start3A_1134 = tpu.memref_slice %arg4[%add3A_1129, %dma_start3A_1133] : memref<320000x16xf32, #tpu.memory_space<hbm>> -> memref<80x16xf32, #tpu.memory_space<hbm>>
      %dma_start3A_1135 = arith.constant 0 : i32
      %dma_start3A_1136 = arith.constant 0 : i32
      %dma_start3A_1137 = tpu.memref_slice %arg12[%dma_start3A_1135, %dma_start3A_1136] : memref<80x32xf32, #tpu.memory_space<vmem>> -> memref<80x16xf32, #tpu.memory_space<vmem>>
      %dma_start3A_1138 = arith.constant 0 : i32
      %dma_start3A_1139 = tpu.memref_slice %arg4[%add3A_1129, %dma_start3A_1138] : memref<320000x16xf32, #tpu.memory_space<hbm>> -> memref<80x16xf32, #tpu.memory_space<hbm>>
      tpu.enqueue_dma source(%dma_start3A_1139 : memref<80x16xf32, #tpu.memory_space<hbm>>) target(%dma_start3A_1137 : memref<80x16xf32, #tpu.memory_space<vmem>>) target_semaphore(%arg16 : memref<!tpu.dma_semaphore, #tpu.memory_space<semaphore_mem>>)
      %mul3A_1140 = arith.constant 10 : i32
      %mul3A_1141 = arith.muli %mul3A_1140, %scan3A_489 : i32
      %add3A_1142 = arith.constant 5 : i32
      %add3A_1143 = arith.addi %mul3A_1141, %add3A_1142 : i32
      %add3A_1144 = arith.constant 2 : i32
      %add3A_1145 = arith.addi %add3A_1143, %add3A_1144 : i32
      %dma_wait3A_1146 = arith.constant 1 : i32
      %dma_wait3A_1147 = arith.constant 160 : i32
      %dma_wait3A_1148 = tpu.memref_slice %arg8[%dma_wait3A_1146, %dma_wait3A_1147] : memref<2x400xi32, #tpu.memory_space<vmem>> -> memref<1x80xi32, #tpu.memory_space<vmem>>
      %dma_wait3A_1149 = tpu.memref_squeeze %dma_wait3A_1148 : memref<1x80xi32, #tpu.memory_space<vmem>> -> memref<80xi32, #tpu.memory_space<vmem>>
      %dma_wait3A_1150 = arith.constant 0 : i32
      %dma_wait3A_1151 = arith.constant 0 : i32
      %dma_wait3A_1152 = tpu.memref_slice %arg2[%dma_wait3A_1150, %dma_wait3A_1151] : memref<10000x128xf32, #tpu.memory_space<hbm>> -> memref<10000x128xf32, #tpu.memory_space<hbm>>
      tpu.wait_indirect_dma semaphore(%arg16 : memref<!tpu.dma_semaphore, #tpu.memory_space<semaphore_mem>>) src(%dma_wait3A_1152 : memref<10000x128xf32, #tpu.memory_space<hbm>>) dst(%arg10 : memref<80x128xf32, #tpu.memory_space<vmem>>)
      %mul3A_1153 = arith.constant 10000 : i32
      %mul3A_1154 = arith.muli %add3A, %mul3A_1153 : i32
      %mul3A_1155 = arith.constant 80 : i32
      %mul3A_1156 = arith.muli %add3A_1145, %mul3A_1155 : i32
      %add3A_1157 = arith.addi %mul3A_1154, %mul3A_1156 : i32
      %dma_wait3A_1158 = arith.constant 0 : i32
      %dma_wait3A_1159 = arith.constant 0 : i32
      %dma_wait3A_1160 = tpu.memref_slice %arg12[%dma_wait3A_1158, %dma_wait3A_1159] : memref<80x32xf32, #tpu.memory_space<vmem>> -> memref<80x16xf32, #tpu.memory_space<vmem>>
      %dma_wait3A_1161 = arith.constant 0 : i32
      %dma_wait3A_1162 = tpu.memref_slice %arg4[%add3A_1157, %dma_wait3A_1161] : memref<320000x16xf32, #tpu.memory_space<hbm>> -> memref<80x16xf32, #tpu.memory_space<hbm>>
      %dma_wait3A_1163 = arith.constant 0 : i32
      %dma_wait3A_1164 = arith.constant 0 : i32
      %dma_wait3A_1165 = tpu.memref_slice %arg12[%dma_wait3A_1163, %dma_wait3A_1164] : memref<80x32xf32, #tpu.memory_space<vmem>> -> memref<80x16xf32, #tpu.memory_space<vmem>>
      %dma_wait3A_1166 = arith.constant 0 : i32
      %dma_wait3A_1167 = tpu.memref_slice %arg4[%add3A_1157, %dma_wait3A_1166] : memref<320000x16xf32, #tpu.memory_space<hbm>> -> memref<80x16xf32, #tpu.memory_space<hbm>>
      tpu.wait_dma2 semaphore(%arg16 : memref<!tpu.dma_semaphore, #tpu.memory_space<semaphore_mem>>) src(%dma_wait3A_1167 : memref<80x16xf32, #tpu.memory_space<hbm>>) dst(%dma_wait3A_1165 : memref<80x16xf32, #tpu.memory_space<vmem>>)
      %dma_start3A_1168 = arith.constant 0 : i32
      %dma_start3A_1169 = arith.constant 160 : i32
      %dma_start3A_1170 = tpu.memref_slice %arg8[%dma_start3A_1168, %dma_start3A_1169] : memref<2x400xi32, #tpu.memory_space<vmem>> -> memref<1x80xi32, #tpu.memory_space<vmem>>
      %dma_start3A_1171 = tpu.memref_squeeze %dma_start3A_1170 : memref<1x80xi32, #tpu.memory_space<vmem>> -> memref<80xi32, #tpu.memory_space<vmem>>
      %dma_start3A_1172 = arith.constant 0 : i32
      %dma_start3A_1173 = arith.constant 0 : i32
      %dma_start3A_1174 = tpu.memref_slice %arg13[%dma_start3A_1172, %dma_start3A_1173] : memref<10000x128xf32, #tpu.memory_space<vmem_shared>> -> memref<10000x128xf32, #tpu.memory_space<vmem_shared>>
      tpu.enqueue_indirect_dma source(%arg10 : memref<80x128xf32, #tpu.memory_space<vmem>>) target(%dma_start3A_1174 : memref<10000x128xf32, #tpu.memory_space<vmem_shared>>) offsets(%dma_start3A_1171 : memref<80xi32, #tpu.memory_space<vmem>>) semaphore(%arg18 : memref<!tpu.dma_semaphore, #tpu.memory_space<semaphore_mem>>) {add = true}
      %dma_start3A_1175 = arith.constant 0 : i32
      %dma_start3A_1176 = arith.constant 160 : i32
      %dma_start3A_1177 = tpu.memref_slice %arg8[%dma_start3A_1175, %dma_start3A_1176] : memref<2x400xi32, #tpu.memory_space<vmem>> -> memref<1x80xi32, #tpu.memory_space<vmem>>
      %dma_start3A_1178 = tpu.memref_squeeze %dma_start3A_1177 : memref<1x80xi32, #tpu.memory_space<vmem>> -> memref<80xi32, #tpu.memory_space<vmem>>
      %dma_start3A_1179 = arith.constant 0 : i32
      %dma_start3A_1180 = arith.constant 0 : i32
      %dma_start3A_1181 = tpu.memref_slice %arg14[%dma_start3A_1179, %dma_start3A_1180] : memref<10000x32xf32, #tpu.memory_space<vmem_shared>> -> memref<10000x32xf32, #tpu.memory_space<vmem_shared>>
      tpu.enqueue_indirect_dma source(%arg12 : memref<80x32xf32, #tpu.memory_space<vmem>>) target(%dma_start3A_1181 : memref<10000x32xf32, #tpu.memory_space<vmem_shared>>) offsets(%dma_start3A_1178 : memref<80xi32, #tpu.memory_space<vmem>>) semaphore(%arg18 : memref<!tpu.dma_semaphore, #tpu.memory_space<semaphore_mem>>) {add = true}
      %dma_wait3A_1182 = arith.constant 0 : i32
      %dma_wait3A_1183 = arith.constant 0 : i32
      %dma_wait3A_1184 = tpu.memref_slice %arg7[%dma_wait3A_1182, %dma_wait3A_1183] : memref<2x400xi32, #tpu.memory_space<vmem>> -> memref<1x80xi32, #tpu.memory_space<vmem>>
      %dma_wait3A_1185 = tpu.memref_squeeze %dma_wait3A_1184 : memref<1x80xi32, #tpu.memory_space<vmem>> -> memref<80xi32, #tpu.memory_space<vmem>>
      %dma_wait3A_1186 = arith.constant 0 : i32
      %dma_wait3A_1187 = arith.constant 0 : i32
      %dma_wait3A_1188 = tpu.memref_slice %arg13[%dma_wait3A_1186, %dma_wait3A_1187] : memref<10000x128xf32, #tpu.memory_space<vmem_shared>> -> memref<10000x128xf32, #tpu.memory_space<vmem_shared>>
      tpu.wait_indirect_dma semaphore(%arg17 : memref<!tpu.dma_semaphore, #tpu.memory_space<semaphore_mem>>) src(%arg9 : memref<80x128xf32, #tpu.memory_space<vmem>>) dst(%dma_wait3A_1188 : memref<10000x128xf32, #tpu.memory_space<vmem_shared>>)
      %dma_wait3A_1189 = arith.constant 0 : i32
      %dma_wait3A_1190 = arith.constant 0 : i32
      %dma_wait3A_1191 = tpu.memref_slice %arg7[%dma_wait3A_1189, %dma_wait3A_1190] : memref<2x400xi32, #tpu.memory_space<vmem>> -> memref<1x80xi32, #tpu.memory_space<vmem>>
      %dma_wait3A_1192 = tpu.memref_squeeze %dma_wait3A_1191 : memref<1x80xi32, #tpu.memory_space<vmem>> -> memref<80xi32, #tpu.memory_space<vmem>>
      %dma_wait3A_1193 = arith.constant 0 : i32
      %dma_wait3A_1194 = arith.constant 0 : i32
      %dma_wait3A_1195 = tpu.memref_slice %arg14[%dma_wait3A_1193, %dma_wait3A_1194] : memref<10000x32xf32, #tpu.memory_space<vmem_shared>> -> memref<10000x32xf32, #tpu.memory_space<vmem_shared>>
      tpu.wait_indirect_dma semaphore(%arg17 : memref<!tpu.dma_semaphore, #tpu.memory_space<semaphore_mem>>) src(%arg11 : memref<80x32xf32, #tpu.memory_space<vmem>>) dst(%dma_wait3A_1195 : memref<10000x32xf32, #tpu.memory_space<vmem_shared>>)
      %add3A_1196 = arith.constant 1 : i32
      %add3A_1197 = arith.addi %add3A_1145, %add3A_1196 : i32
      %dma_start3A_1198 = arith.constant 1 : i32
      %dma_start3A_1199 = arith.constant 240 : i32
      %dma_start3A_1200 = tpu.memref_slice %arg8[%dma_start3A_1198, %dma_start3A_1199] : memref<2x400xi32, #tpu.memory_space<vmem>> -> memref<1x80xi32, #tpu.memory_space<vmem>>
      %dma_start3A_1201 = tpu.memref_squeeze %dma_start3A_1200 : memref<1x80xi32, #tpu.memory_space<vmem>> -> memref<80xi32, #tpu.memory_space<vmem>>
      %dma_start3A_1202 = arith.constant 0 : i32
      %dma_start3A_1203 = arith.constant 0 : i32
      %dma_start3A_1204 = tpu.memref_slice %arg2[%dma_start3A_1202, %dma_start3A_1203] : memref<10000x128xf32, #tpu.memory_space<hbm>> -> memref<10000x128xf32, #tpu.memory_space<hbm>>
      tpu.enqueue_indirect_dma source(%dma_start3A_1204 : memref<10000x128xf32, #tpu.memory_space<hbm>>) target(%arg9 : memref<80x128xf32, #tpu.memory_space<vmem>>) offsets(%dma_start3A_1201 : memref<80xi32, #tpu.memory_space<vmem>>) semaphore(%arg15 : memref<!tpu.dma_semaphore, #tpu.memory_space<semaphore_mem>>)
      %mul3A_1205 = arith.constant 10000 : i32
      %mul3A_1206 = arith.muli %add3A, %mul3A_1205 : i32
      %mul3A_1207 = arith.constant 80 : i32
      %mul3A_1208 = arith.muli %add3A_1197, %mul3A_1207 : i32
      %add3A_1209 = arith.addi %mul3A_1206, %mul3A_1208 : i32
      %dma_start3A_1210 = arith.constant 0 : i32
      %dma_start3A_1211 = arith.constant 0 : i32
      %dma_start3A_1212 = tpu.memref_slice %arg11[%dma_start3A_1210, %dma_start3A_1211] : memref<80x32xf32, #tpu.memory_space<vmem>> -> memref<80x16xf32, #tpu.memory_space<vmem>>
      %dma_start3A_1213 = arith.constant 0 : i32
      %dma_start3A_1214 = tpu.memref_slice %arg4[%add3A_1209, %dma_start3A_1213] : memref<320000x16xf32, #tpu.memory_space<hbm>> -> memref<80x16xf32, #tpu.memory_space<hbm>>
      %dma_start3A_1215 = arith.constant 0 : i32
      %dma_start3A_1216 = arith.constant 0 : i32
      %dma_start3A_1217 = tpu.memref_slice %arg11[%dma_start3A_1215, %dma_start3A_1216] : memref<80x32xf32, #tpu.memory_space<vmem>> -> memref<80x16xf32, #tpu.memory_space<vmem>>
      %dma_start3A_1218 = arith.constant 0 : i32
      %dma_start3A_1219 = tpu.memref_slice %arg4[%add3A_1209, %dma_start3A_1218] : memref<320000x16xf32, #tpu.memory_space<hbm>> -> memref<80x16xf32, #tpu.memory_space<hbm>>
      tpu.enqueue_dma source(%dma_start3A_1219 : memref<80x16xf32, #tpu.memory_space<hbm>>) target(%dma_start3A_1217 : memref<80x16xf32, #tpu.memory_space<vmem>>) target_semaphore(%arg15 : memref<!tpu.dma_semaphore, #tpu.memory_space<semaphore_mem>>)
      %mul3A_1220 = arith.constant 10 : i32
      %mul3A_1221 = arith.muli %mul3A_1220, %scan3A_489 : i32
      %add3A_1222 = arith.constant 5 : i32
      %add3A_1223 = arith.addi %mul3A_1221, %add3A_1222 : i32
      %add3A_1224 = arith.constant 3 : i32
      %add3A_1225 = arith.addi %add3A_1223, %add3A_1224 : i32
      %dma_wait3A_1226 = arith.constant 1 : i32
      %dma_wait3A_1227 = arith.constant 240 : i32
      %dma_wait3A_1228 = tpu.memref_slice %arg8[%dma_wait3A_1226, %dma_wait3A_1227] : memref<2x400xi32, #tpu.memory_space<vmem>> -> memref<1x80xi32, #tpu.memory_space<vmem>>
      %dma_wait3A_1229 = tpu.memref_squeeze %dma_wait3A_1228 : memref<1x80xi32, #tpu.memory_space<vmem>> -> memref<80xi32, #tpu.memory_space<vmem>>
      %dma_wait3A_1230 = arith.constant 0 : i32
      %dma_wait3A_1231 = arith.constant 0 : i32
      %dma_wait3A_1232 = tpu.memref_slice %arg2[%dma_wait3A_1230, %dma_wait3A_1231] : memref<10000x128xf32, #tpu.memory_space<hbm>> -> memref<10000x128xf32, #tpu.memory_space<hbm>>
      tpu.wait_indirect_dma semaphore(%arg15 : memref<!tpu.dma_semaphore, #tpu.memory_space<semaphore_mem>>) src(%dma_wait3A_1232 : memref<10000x128xf32, #tpu.memory_space<hbm>>) dst(%arg9 : memref<80x128xf32, #tpu.memory_space<vmem>>)
      %mul3A_1233 = arith.constant 10000 : i32
      %mul3A_1234 = arith.muli %add3A, %mul3A_1233 : i32
      %mul3A_1235 = arith.constant 80 : i32
      %mul3A_1236 = arith.muli %add3A_1225, %mul3A_1235 : i32
      %add3A_1237 = arith.addi %mul3A_1234, %mul3A_1236 : i32
      %dma_wait3A_1238 = arith.constant 0 : i32
      %dma_wait3A_1239 = arith.constant 0 : i32
      %dma_wait3A_1240 = tpu.memref_slice %arg11[%dma_wait3A_1238, %dma_wait3A_1239] : memref<80x32xf32, #tpu.memory_space<vmem>> -> memref<80x16xf32, #tpu.memory_space<vmem>>
      %dma_wait3A_1241 = arith.constant 0 : i32
      %dma_wait3A_1242 = tpu.memref_slice %arg4[%add3A_1237, %dma_wait3A_1241] : memref<320000x16xf32, #tpu.memory_space<hbm>> -> memref<80x16xf32, #tpu.memory_space<hbm>>
      %dma_wait3A_1243 = arith.constant 0 : i32
      %dma_wait3A_1244 = arith.constant 0 : i32
      %dma_wait3A_1245 = tpu.memref_slice %arg11[%dma_wait3A_1243, %dma_wait3A_1244] : memref<80x32xf32, #tpu.memory_space<vmem>> -> memref<80x16xf32, #tpu.memory_space<vmem>>
      %dma_wait3A_1246 = arith.constant 0 : i32
      %dma_wait3A_1247 = tpu.memref_slice %arg4[%add3A_1237, %dma_wait3A_1246] : memref<320000x16xf32, #tpu.memory_space<hbm>> -> memref<80x16xf32, #tpu.memory_space<hbm>>
      tpu.wait_dma2 semaphore(%arg15 : memref<!tpu.dma_semaphore, #tpu.memory_space<semaphore_mem>>) src(%dma_wait3A_1247 : memref<80x16xf32, #tpu.memory_space<hbm>>) dst(%dma_wait3A_1245 : memref<80x16xf32, #tpu.memory_space<vmem>>)
      %dma_start3A_1248 = arith.constant 0 : i32
      %dma_start3A_1249 = arith.constant 240 : i32
      %dma_start3A_1250 = tpu.memref_slice %arg8[%dma_start3A_1248, %dma_start3A_1249] : memref<2x400xi32, #tpu.memory_space<vmem>> -> memref<1x80xi32, #tpu.memory_space<vmem>>
      %dma_start3A_1251 = tpu.memref_squeeze %dma_start3A_1250 : memref<1x80xi32, #tpu.memory_space<vmem>> -> memref<80xi32, #tpu.memory_space<vmem>>
      %dma_start3A_1252 = arith.constant 0 : i32
      %dma_start3A_1253 = arith.constant 0 : i32
      %dma_start3A_1254 = tpu.memref_slice %arg13[%dma_start3A_1252, %dma_start3A_1253] : memref<10000x128xf32, #tpu.memory_space<vmem_shared>> -> memref<10000x128xf32, #tpu.memory_space<vmem_shared>>
      tpu.enqueue_indirect_dma source(%arg9 : memref<80x128xf32, #tpu.memory_space<vmem>>) target(%dma_start3A_1254 : memref<10000x128xf32, #tpu.memory_space<vmem_shared>>) offsets(%dma_start3A_1251 : memref<80xi32, #tpu.memory_space<vmem>>) semaphore(%arg17 : memref<!tpu.dma_semaphore, #tpu.memory_space<semaphore_mem>>) {add = true}
      %dma_start3A_1255 = arith.constant 0 : i32
      %dma_start3A_1256 = arith.constant 240 : i32
      %dma_start3A_1257 = tpu.memref_slice %arg8[%dma_start3A_1255, %dma_start3A_1256] : memref<2x400xi32, #tpu.memory_space<vmem>> -> memref<1x80xi32, #tpu.memory_space<vmem>>
      %dma_start3A_1258 = tpu.memref_squeeze %dma_start3A_1257 : memref<1x80xi32, #tpu.memory_space<vmem>> -> memref<80xi32, #tpu.memory_space<vmem>>
      %dma_start3A_1259 = arith.constant 0 : i32
      %dma_start3A_1260 = arith.constant 0 : i32
      %dma_start3A_1261 = tpu.memref_slice %arg14[%dma_start3A_1259, %dma_start3A_1260] : memref<10000x32xf32, #tpu.memory_space<vmem_shared>> -> memref<10000x32xf32, #tpu.memory_space<vmem_shared>>
      tpu.enqueue_indirect_dma source(%arg11 : memref<80x32xf32, #tpu.memory_space<vmem>>) target(%dma_start3A_1261 : memref<10000x32xf32, #tpu.memory_space<vmem_shared>>) offsets(%dma_start3A_1258 : memref<80xi32, #tpu.memory_space<vmem>>) semaphore(%arg17 : memref<!tpu.dma_semaphore, #tpu.memory_space<semaphore_mem>>) {add = true}
      %dma_wait3A_1262 = arith.constant 0 : i32
      %dma_wait3A_1263 = arith.constant 0 : i32
      %dma_wait3A_1264 = tpu.memref_slice %arg7[%dma_wait3A_1262, %dma_wait3A_1263] : memref<2x400xi32, #tpu.memory_space<vmem>> -> memref<1x80xi32, #tpu.memory_space<vmem>>
      %dma_wait3A_1265 = tpu.memref_squeeze %dma_wait3A_1264 : memref<1x80xi32, #tpu.memory_space<vmem>> -> memref<80xi32, #tpu.memory_space<vmem>>
      %dma_wait3A_1266 = arith.constant 0 : i32
      %dma_wait3A_1267 = arith.constant 0 : i32
      %dma_wait3A_1268 = tpu.memref_slice %arg13[%dma_wait3A_1266, %dma_wait3A_1267] : memref<10000x128xf32, #tpu.memory_space<vmem_shared>> -> memref<10000x128xf32, #tpu.memory_space<vmem_shared>>
      tpu.wait_indirect_dma semaphore(%arg18 : memref<!tpu.dma_semaphore, #tpu.memory_space<semaphore_mem>>) src(%arg10 : memref<80x128xf32, #tpu.memory_space<vmem>>) dst(%dma_wait3A_1268 : memref<10000x128xf32, #tpu.memory_space<vmem_shared>>)
      %dma_wait3A_1269 = arith.constant 0 : i32
      %dma_wait3A_1270 = arith.constant 0 : i32
      %dma_wait3A_1271 = tpu.memref_slice %arg7[%dma_wait3A_1269, %dma_wait3A_1270] : memref<2x400xi32, #tpu.memory_space<vmem>> -> memref<1x80xi32, #tpu.memory_space<vmem>>
      %dma_wait3A_1272 = tpu.memref_squeeze %dma_wait3A_1271 : memref<1x80xi32, #tpu.memory_space<vmem>> -> memref<80xi32, #tpu.memory_space<vmem>>
      %dma_wait3A_1273 = arith.constant 0 : i32
      %dma_wait3A_1274 = arith.constant 0 : i32
      %dma_wait3A_1275 = tpu.memref_slice %arg14[%dma_wait3A_1273, %dma_wait3A_1274] : memref<10000x32xf32, #tpu.memory_space<vmem_shared>> -> memref<10000x32xf32, #tpu.memory_space<vmem_shared>>
      tpu.wait_indirect_dma semaphore(%arg18 : memref<!tpu.dma_semaphore, #tpu.memory_space<semaphore_mem>>) src(%arg12 : memref<80x32xf32, #tpu.memory_space<vmem>>) dst(%dma_wait3A_1275 : memref<10000x32xf32, #tpu.memory_space<vmem_shared>>)
      %add3A_1276 = arith.constant 1 : i32
      %add3A_1277 = arith.addi %add3A_1225, %add3A_1276 : i32
      %dma_start3A_1278 = arith.constant 1 : i32
      %dma_start3A_1279 = arith.constant 320 : i32
      %dma_start3A_1280 = tpu.memref_slice %arg8[%dma_start3A_1278, %dma_start3A_1279] : memref<2x400xi32, #tpu.memory_space<vmem>> -> memref<1x80xi32, #tpu.memory_space<vmem>>
      %dma_start3A_1281 = tpu.memref_squeeze %dma_start3A_1280 : memref<1x80xi32, #tpu.memory_space<vmem>> -> memref<80xi32, #tpu.memory_space<vmem>>
      %dma_start3A_1282 = arith.constant 0 : i32
      %dma_start3A_1283 = arith.constant 0 : i32
      %dma_start3A_1284 = tpu.memref_slice %arg2[%dma_start3A_1282, %dma_start3A_1283] : memref<10000x128xf32, #tpu.memory_space<hbm>> -> memref<10000x128xf32, #tpu.memory_space<hbm>>
      tpu.enqueue_indirect_dma source(%dma_start3A_1284 : memref<10000x128xf32, #tpu.memory_space<hbm>>) target(%arg10 : memref<80x128xf32, #tpu.memory_space<vmem>>) offsets(%dma_start3A_1281 : memref<80xi32, #tpu.memory_space<vmem>>) semaphore(%arg16 : memref<!tpu.dma_semaphore, #tpu.memory_space<semaphore_mem>>)
      %mul3A_1285 = arith.constant 10000 : i32
      %mul3A_1286 = arith.muli %add3A, %mul3A_1285 : i32
      %mul3A_1287 = arith.constant 80 : i32
      %mul3A_1288 = arith.muli %add3A_1277, %mul3A_1287 : i32
      %add3A_1289 = arith.addi %mul3A_1286, %mul3A_1288 : i32
      %dma_start3A_1290 = arith.constant 0 : i32
      %dma_start3A_1291 = arith.constant 0 : i32
      %dma_start3A_1292 = tpu.memref_slice %arg12[%dma_start3A_1290, %dma_start3A_1291] : memref<80x32xf32, #tpu.memory_space<vmem>> -> memref<80x16xf32, #tpu.memory_space<vmem>>
      %dma_start3A_1293 = arith.constant 0 : i32
      %dma_start3A_1294 = tpu.memref_slice %arg4[%add3A_1289, %dma_start3A_1293] : memref<320000x16xf32, #tpu.memory_space<hbm>> -> memref<80x16xf32, #tpu.memory_space<hbm>>
      %dma_start3A_1295 = arith.constant 0 : i32
      %dma_start3A_1296 = arith.constant 0 : i32
      %dma_start3A_1297 = tpu.memref_slice %arg12[%dma_start3A_1295, %dma_start3A_1296] : memref<80x32xf32, #tpu.memory_space<vmem>> -> memref<80x16xf32, #tpu.memory_space<vmem>>
      %dma_start3A_1298 = arith.constant 0 : i32
      %dma_start3A_1299 = tpu.memref_slice %arg4[%add3A_1289, %dma_start3A_1298] : memref<320000x16xf32, #tpu.memory_space<hbm>> -> memref<80x16xf32, #tpu.memory_space<hbm>>
      tpu.enqueue_dma source(%dma_start3A_1299 : memref<80x16xf32, #tpu.memory_space<hbm>>) target(%dma_start3A_1297 : memref<80x16xf32, #tpu.memory_space<vmem>>) target_semaphore(%arg16 : memref<!tpu.dma_semaphore, #tpu.memory_space<semaphore_mem>>)
      %mul3A_1300 = arith.constant 10 : i32
      %mul3A_1301 = arith.muli %mul3A_1300, %scan3A_489 : i32
      %add3A_1302 = arith.constant 5 : i32
      %add3A_1303 = arith.addi %mul3A_1301, %add3A_1302 : i32
      %add3A_1304 = arith.constant 4 : i32
      %add3A_1305 = arith.addi %add3A_1303, %add3A_1304 : i32
      %dma_wait3A_1306 = arith.constant 1 : i32
      %dma_wait3A_1307 = arith.constant 320 : i32
      %dma_wait3A_1308 = tpu.memref_slice %arg8[%dma_wait3A_1306, %dma_wait3A_1307] : memref<2x400xi32, #tpu.memory_space<vmem>> -> memref<1x80xi32, #tpu.memory_space<vmem>>
      %dma_wait3A_1309 = tpu.memref_squeeze %dma_wait3A_1308 : memref<1x80xi32, #tpu.memory_space<vmem>> -> memref<80xi32, #tpu.memory_space<vmem>>
      %dma_wait3A_1310 = arith.constant 0 : i32
      %dma_wait3A_1311 = arith.constant 0 : i32
      %dma_wait3A_1312 = tpu.memref_slice %arg2[%dma_wait3A_1310, %dma_wait3A_1311] : memref<10000x128xf32, #tpu.memory_space<hbm>> -> memref<10000x128xf32, #tpu.memory_space<hbm>>
      tpu.wait_indirect_dma semaphore(%arg16 : memref<!tpu.dma_semaphore, #tpu.memory_space<semaphore_mem>>) src(%dma_wait3A_1312 : memref<10000x128xf32, #tpu.memory_space<hbm>>) dst(%arg10 : memref<80x128xf32, #tpu.memory_space<vmem>>)
      %mul3A_1313 = arith.constant 10000 : i32
      %mul3A_1314 = arith.muli %add3A, %mul3A_1313 : i32
      %mul3A_1315 = arith.constant 80 : i32
      %mul3A_1316 = arith.muli %add3A_1305, %mul3A_1315 : i32
      %add3A_1317 = arith.addi %mul3A_1314, %mul3A_1316 : i32
      %dma_wait3A_1318 = arith.constant 0 : i32
      %dma_wait3A_1319 = arith.constant 0 : i32
      %dma_wait3A_1320 = tpu.memref_slice %arg12[%dma_wait3A_1318, %dma_wait3A_1319] : memref<80x32xf32, #tpu.memory_space<vmem>> -> memref<80x16xf32, #tpu.memory_space<vmem>>
      %dma_wait3A_1321 = arith.constant 0 : i32
      %dma_wait3A_1322 = tpu.memref_slice %arg4[%add3A_1317, %dma_wait3A_1321] : memref<320000x16xf32, #tpu.memory_space<hbm>> -> memref<80x16xf32, #tpu.memory_space<hbm>>
      %dma_wait3A_1323 = arith.constant 0 : i32
      %dma_wait3A_1324 = arith.constant 0 : i32
      %dma_wait3A_1325 = tpu.memref_slice %arg12[%dma_wait3A_1323, %dma_wait3A_1324] : memref<80x32xf32, #tpu.memory_space<vmem>> -> memref<80x16xf32, #tpu.memory_space<vmem>>
      %dma_wait3A_1326 = arith.constant 0 : i32
      %dma_wait3A_1327 = tpu.memref_slice %arg4[%add3A_1317, %dma_wait3A_1326] : memref<320000x16xf32, #tpu.memory_space<hbm>> -> memref<80x16xf32, #tpu.memory_space<hbm>>
      tpu.wait_dma2 semaphore(%arg16 : memref<!tpu.dma_semaphore, #tpu.memory_space<semaphore_mem>>) src(%dma_wait3A_1327 : memref<80x16xf32, #tpu.memory_space<hbm>>) dst(%dma_wait3A_1325 : memref<80x16xf32, #tpu.memory_space<vmem>>)
      %dma_start3A_1328 = arith.constant 0 : i32
      %dma_start3A_1329 = arith.constant 320 : i32
      %dma_start3A_1330 = tpu.memref_slice %arg8[%dma_start3A_1328, %dma_start3A_1329] : memref<2x400xi32, #tpu.memory_space<vmem>> -> memref<1x80xi32, #tpu.memory_space<vmem>>
      %dma_start3A_1331 = tpu.memref_squeeze %dma_start3A_1330 : memref<1x80xi32, #tpu.memory_space<vmem>> -> memref<80xi32, #tpu.memory_space<vmem>>
      %dma_start3A_1332 = arith.constant 0 : i32
      %dma_start3A_1333 = arith.constant 0 : i32
      %dma_start3A_1334 = tpu.memref_slice %arg13[%dma_start3A_1332, %dma_start3A_1333] : memref<10000x128xf32, #tpu.memory_space<vmem_shared>> -> memref<10000x128xf32, #tpu.memory_space<vmem_shared>>
      tpu.enqueue_indirect_dma source(%arg10 : memref<80x128xf32, #tpu.memory_space<vmem>>) target(%dma_start3A_1334 : memref<10000x128xf32, #tpu.memory_space<vmem_shared>>) offsets(%dma_start3A_1331 : memref<80xi32, #tpu.memory_space<vmem>>) semaphore(%arg18 : memref<!tpu.dma_semaphore, #tpu.memory_space<semaphore_mem>>) {add = true}
      %dma_start3A_1335 = arith.constant 0 : i32
      %dma_start3A_1336 = arith.constant 320 : i32
      %dma_start3A_1337 = tpu.memref_slice %arg8[%dma_start3A_1335, %dma_start3A_1336] : memref<2x400xi32, #tpu.memory_space<vmem>> -> memref<1x80xi32, #tpu.memory_space<vmem>>
      %dma_start3A_1338 = tpu.memref_squeeze %dma_start3A_1337 : memref<1x80xi32, #tpu.memory_space<vmem>> -> memref<80xi32, #tpu.memory_space<vmem>>
      %dma_start3A_1339 = arith.constant 0 : i32
      %dma_start3A_1340 = arith.constant 0 : i32
      %dma_start3A_1341 = tpu.memref_slice %arg14[%dma_start3A_1339, %dma_start3A_1340] : memref<10000x32xf32, #tpu.memory_space<vmem_shared>> -> memref<10000x32xf32, #tpu.memory_space<vmem_shared>>
      tpu.enqueue_indirect_dma source(%arg12 : memref<80x32xf32, #tpu.memory_space<vmem>>) target(%dma_start3A_1341 : memref<10000x32xf32, #tpu.memory_space<vmem_shared>>) offsets(%dma_start3A_1338 : memref<80xi32, #tpu.memory_space<vmem>>) semaphore(%arg18 : memref<!tpu.dma_semaphore, #tpu.memory_space<semaphore_mem>>) {add = true}
      %dma_wait3A_1342 = arith.constant 0 : i32
      %dma_wait3A_1343 = arith.constant 0 : i32
      %dma_wait3A_1344 = tpu.memref_slice %arg7[%dma_wait3A_1342, %dma_wait3A_1343] : memref<2x400xi32, #tpu.memory_space<vmem>> -> memref<1x80xi32, #tpu.memory_space<vmem>>
      %dma_wait3A_1345 = tpu.memref_squeeze %dma_wait3A_1344 : memref<1x80xi32, #tpu.memory_space<vmem>> -> memref<80xi32, #tpu.memory_space<vmem>>
      %dma_wait3A_1346 = arith.constant 0 : i32
      %dma_wait3A_1347 = arith.constant 0 : i32
      %dma_wait3A_1348 = tpu.memref_slice %arg13[%dma_wait3A_1346, %dma_wait3A_1347] : memref<10000x128xf32, #tpu.memory_space<vmem_shared>> -> memref<10000x128xf32, #tpu.memory_space<vmem_shared>>
      tpu.wait_indirect_dma semaphore(%arg17 : memref<!tpu.dma_semaphore, #tpu.memory_space<semaphore_mem>>) src(%arg9 : memref<80x128xf32, #tpu.memory_space<vmem>>) dst(%dma_wait3A_1348 : memref<10000x128xf32, #tpu.memory_space<vmem_shared>>)
      %dma_wait3A_1349 = arith.constant 0 : i32
      %dma_wait3A_1350 = arith.constant 0 : i32
      %dma_wait3A_1351 = tpu.memref_slice %arg7[%dma_wait3A_1349, %dma_wait3A_1350] : memref<2x400xi32, #tpu.memory_space<vmem>> -> memref<1x80xi32, #tpu.memory_space<vmem>>
      %dma_wait3A_1352 = tpu.memref_squeeze %dma_wait3A_1351 : memref<1x80xi32, #tpu.memory_space<vmem>> -> memref<80xi32, #tpu.memory_space<vmem>>
      %dma_wait3A_1353 = arith.constant 0 : i32
      %dma_wait3A_1354 = arith.constant 0 : i32
      %dma_wait3A_1355 = tpu.memref_slice %arg14[%dma_wait3A_1353, %dma_wait3A_1354] : memref<10000x32xf32, #tpu.memory_space<vmem_shared>> -> memref<10000x32xf32, #tpu.memory_space<vmem_shared>>
      tpu.wait_indirect_dma semaphore(%arg17 : memref<!tpu.dma_semaphore, #tpu.memory_space<semaphore_mem>>) src(%arg11 : memref<80x32xf32, #tpu.memory_space<vmem>>) dst(%dma_wait3A_1355 : memref<10000x32xf32, #tpu.memory_space<vmem_shared>>)
      %mul3A_1356 = arith.constant 2 : i32
      %mul3A_1357 = arith.muli %mul3A_1356, %scan3A_489 : i32
      %add3A_1358 = arith.constant 2 : i32
      %add3A_1359 = arith.addi %mul3A_1357, %add3A_1358 : i32
      %mul3A_1360 = arith.constant 10000 : i32
      %mul3A_1361 = arith.muli %add3A, %mul3A_1360 : i32
      %mul3A_1362 = arith.constant 400 : i32
      %mul3A_1363 = arith.muli %add3A_1359, %mul3A_1362 : i32
      %add3A_1364 = arith.addi %mul3A_1361, %mul3A_1363 : i32
      %dma_wait3A_1365 = arith.constant 0 : i32
      %dma_wait3A_1366 = arith.constant 0 : i32
      %dma_wait3A_1367 = arith.constant 0 : i32
      %dma_wait3A_1368 = tpu.memref_slice %arg7[%dma_wait3A_1366, %dma_wait3A_1367] : memref<2x400xi32, #tpu.memory_space<vmem>> -> memref<1x400xi32, #tpu.memory_space<vmem>>
      %dma_wait3A_1369 = tpu.memref_squeeze %dma_wait3A_1368 : memref<1x400xi32, #tpu.memory_space<vmem>> -> memref<400xi32, #tpu.memory_space<vmem>>
      %dma_wait3A_1370 = tpu.memref_slice %arg3[%dma_wait3A_1365, %add3A_1364] : memref<2x320000xi32, #tpu.memory_space<hbm>> -> memref<1x400xi32, #tpu.memory_space<hbm>>
      %dma_wait3A_1371 = tpu.memref_squeeze %dma_wait3A_1370 : memref<1x400xi32, #tpu.memory_space<hbm>> -> memref<400xi32, #tpu.memory_space<hbm>>
      %dma_wait3A_1372 = arith.constant 0 : i32
      %dma_wait3A_1373 = tpu.memref_slice %arg7[%dma_wait3A_1366, %dma_wait3A_1372] : memref<2x400xi32, #tpu.memory_space<vmem>> -> memref<1x400xi32, #tpu.memory_space<vmem>>
      %dma_wait3A_1374 = tpu.memref_squeeze %dma_wait3A_1373 : memref<1x400xi32, #tpu.memory_space<vmem>> -> memref<400xi32, #tpu.memory_space<vmem>>
      %dma_wait3A_1375 = tpu.memref_slice %arg3[%dma_wait3A_1365, %add3A_1364] : memref<2x320000xi32, #tpu.memory_space<hbm>> -> memref<1x400xi32, #tpu.memory_space<hbm>>
      %dma_wait3A_1376 = tpu.memref_squeeze %dma_wait3A_1375 : memref<1x400xi32, #tpu.memory_space<hbm>> -> memref<400xi32, #tpu.memory_space<hbm>>
      tpu.wait_dma2 semaphore(%arg19 : memref<!tpu.dma_semaphore, #tpu.memory_space<semaphore_mem>>) src(%dma_wait3A_1376 : memref<400xi32, #tpu.memory_space<hbm>>) dst(%dma_wait3A_1374 : memref<400xi32, #tpu.memory_space<vmem>>)
      %dma_wait3A_1377 = arith.constant 1 : i32
      %dma_wait3A_1378 = arith.constant 1 : i32
      %dma_wait3A_1379 = arith.constant 0 : i32
      %dma_wait3A_1380 = tpu.memref_slice %arg7[%dma_wait3A_1378, %dma_wait3A_1379] : memref<2x400xi32, #tpu.memory_space<vmem>> -> memref<1x400xi32, #tpu.memory_space<vmem>>
      %dma_wait3A_1381 = tpu.memref_squeeze %dma_wait3A_1380 : memref<1x400xi32, #tpu.memory_space<vmem>> -> memref<400xi32, #tpu.memory_space<vmem>>
      %dma_wait3A_1382 = tpu.memref_slice %arg3[%dma_wait3A_1377, %add3A_1364] : memref<2x320000xi32, #tpu.memory_space<hbm>> -> memref<1x400xi32, #tpu.memory_space<hbm>>
      %dma_wait3A_1383 = tpu.memref_squeeze %dma_wait3A_1382 : memref<1x400xi32, #tpu.memory_space<hbm>> -> memref<400xi32, #tpu.memory_space<hbm>>
      %dma_wait3A_1384 = arith.constant 0 : i32
      %dma_wait3A_1385 = tpu.memref_slice %arg7[%dma_wait3A_1378, %dma_wait3A_1384] : memref<2x400xi32, #tpu.memory_space<vmem>> -> memref<1x400xi32, #tpu.memory_space<vmem>>
      %dma_wait3A_1386 = tpu.memref_squeeze %dma_wait3A_1385 : memref<1x400xi32, #tpu.memory_space<vmem>> -> memref<400xi32, #tpu.memory_space<vmem>>
      %dma_wait3A_1387 = tpu.memref_slice %arg3[%dma_wait3A_1377, %add3A_1364] : memref<2x320000xi32, #tpu.memory_space<hbm>> -> memref<1x400xi32, #tpu.memory_space<hbm>>
      %dma_wait3A_1388 = tpu.memref_squeeze %dma_wait3A_1387 : memref<1x400xi32, #tpu.memory_space<hbm>> -> memref<400xi32, #tpu.memory_space<hbm>>
      tpu.wait_dma2 semaphore(%arg19 : memref<!tpu.dma_semaphore, #tpu.memory_space<semaphore_mem>>) src(%dma_wait3A_1388 : memref<400xi32, #tpu.memory_space<hbm>>) dst(%dma_wait3A_1386 : memref<400xi32, #tpu.memory_space<vmem>>)
      %add3A_1389 = arith.constant 1 : i32
      %add3A_1390 = arith.addi %add3A_1305, %add3A_1389 : i32
      %dma_start3A_1391 = arith.constant 1 : i32
      %dma_start3A_1392 = arith.constant 0 : i32
      %dma_start3A_1393 = tpu.memref_slice %arg7[%dma_start3A_1391, %dma_start3A_1392] : memref<2x400xi32, #tpu.memory_space<vmem>> -> memref<1x80xi32, #tpu.memory_space<vmem>>
      %dma_start3A_1394 = tpu.memref_squeeze %dma_start3A_1393 : memref<1x80xi32, #tpu.memory_space<vmem>> -> memref<80xi32, #tpu.memory_space<vmem>>
      %dma_start3A_1395 = arith.constant 0 : i32
      %dma_start3A_1396 = arith.constant 0 : i32
      %dma_start3A_1397 = tpu.memref_slice %arg2[%dma_start3A_1395, %dma_start3A_1396] : memref<10000x128xf32, #tpu.memory_space<hbm>> -> memref<10000x128xf32, #tpu.memory_space<hbm>>
      tpu.enqueue_indirect_dma source(%dma_start3A_1397 : memref<10000x128xf32, #tpu.memory_space<hbm>>) target(%arg9 : memref<80x128xf32, #tpu.memory_space<vmem>>) offsets(%dma_start3A_1394 : memref<80xi32, #tpu.memory_space<vmem>>) semaphore(%arg15 : memref<!tpu.dma_semaphore, #tpu.memory_space<semaphore_mem>>)
      %mul3A_1398 = arith.constant 10000 : i32
      %mul3A_1399 = arith.muli %add3A, %mul3A_1398 : i32
      %mul3A_1400 = arith.constant 80 : i32
      %mul3A_1401 = arith.muli %add3A_1390, %mul3A_1400 : i32
      %add3A_1402 = arith.addi %mul3A_1399, %mul3A_1401 : i32
      %dma_start3A_1403 = arith.constant 0 : i32
      %dma_start3A_1404 = arith.constant 0 : i32
      %dma_start3A_1405 = tpu.memref_slice %arg11[%dma_start3A_1403, %dma_start3A_1404] : memref<80x32xf32, #tpu.memory_space<vmem>> -> memref<80x16xf32, #tpu.memory_space<vmem>>
      %dma_start3A_1406 = arith.constant 0 : i32
      %dma_start3A_1407 = tpu.memref_slice %arg4[%add3A_1402, %dma_start3A_1406] : memref<320000x16xf32, #tpu.memory_space<hbm>> -> memref<80x16xf32, #tpu.memory_space<hbm>>
      %dma_start3A_1408 = arith.constant 0 : i32
      %dma_start3A_1409 = arith.constant 0 : i32
      %dma_start3A_1410 = tpu.memref_slice %arg11[%dma_start3A_1408, %dma_start3A_1409] : memref<80x32xf32, #tpu.memory_space<vmem>> -> memref<80x16xf32, #tpu.memory_space<vmem>>
      %dma_start3A_1411 = arith.constant 0 : i32
      %dma_start3A_1412 = tpu.memref_slice %arg4[%add3A_1402, %dma_start3A_1411] : memref<320000x16xf32, #tpu.memory_space<hbm>> -> memref<80x16xf32, #tpu.memory_space<hbm>>
      tpu.enqueue_dma source(%dma_start3A_1412 : memref<80x16xf32, #tpu.memory_space<hbm>>) target(%dma_start3A_1410 : memref<80x16xf32, #tpu.memory_space<vmem>>) target_semaphore(%arg15 : memref<!tpu.dma_semaphore, #tpu.memory_space<semaphore_mem>>)
      %scan3A_1413 = arith.constant 0 : i32
      scf.yield %scan3A_1413 : i32
    }
    %scan3A_139 = arith.constant 12 : i32
    %dma_wait3A_140 = arith.constant 1 : i32
    %dma_wait3A_141 = arith.constant 0 : i32
    %dma_wait3A_142 = tpu.memref_slice %arg7[%dma_wait3A_140, %dma_wait3A_141] : memref<2x400xi32, #tpu.memory_space<vmem>> -> memref<1x80xi32, #tpu.memory_space<vmem>>
    %dma_wait3A_143 = tpu.memref_squeeze %dma_wait3A_142 : memref<1x80xi32, #tpu.memory_space<vmem>> -> memref<80xi32, #tpu.memory_space<vmem>>
    %dma_wait3A_144 = arith.constant 0 : i32
    %dma_wait3A_145 = arith.constant 0 : i32
    %dma_wait3A_146 = tpu.memref_slice %arg2[%dma_wait3A_144, %dma_wait3A_145] : memref<10000x128xf32, #tpu.memory_space<hbm>> -> memref<10000x128xf32, #tpu.memory_space<hbm>>
    tpu.wait_indirect_dma semaphore(%arg15 : memref<!tpu.dma_semaphore, #tpu.memory_space<semaphore_mem>>) src(%dma_wait3A_146 : memref<10000x128xf32, #tpu.memory_space<hbm>>) dst(%arg9 : memref<80x128xf32, #tpu.memory_space<vmem>>)
    %mul3A_147 = arith.constant 10000 : i32
    %mul3A_148 = arith.muli %add3A, %mul3A_147 : i32
    %add3A_149 = arith.constant 9600 : i32
    %add3A_150 = arith.addi %mul3A_148, %add3A_149 : i32
    %dma_wait3A_151 = arith.constant 0 : i32
    %dma_wait3A_152 = arith.constant 0 : i32
    %dma_wait3A_153 = tpu.memref_slice %arg11[%dma_wait3A_151, %dma_wait3A_152] : memref<80x32xf32, #tpu.memory_space<vmem>> -> memref<80x16xf32, #tpu.memory_space<vmem>>
    %dma_wait3A_154 = arith.constant 0 : i32
    %dma_wait3A_155 = tpu.memref_slice %arg4[%add3A_150, %dma_wait3A_154] : memref<320000x16xf32, #tpu.memory_space<hbm>> -> memref<80x16xf32, #tpu.memory_space<hbm>>
    %dma_wait3A_156 = arith.constant 0 : i32
    %dma_wait3A_157 = arith.constant 0 : i32
    %dma_wait3A_158 = tpu.memref_slice %arg11[%dma_wait3A_156, %dma_wait3A_157] : memref<80x32xf32, #tpu.memory_space<vmem>> -> memref<80x16xf32, #tpu.memory_space<vmem>>
    %dma_wait3A_159 = arith.constant 0 : i32
    %dma_wait3A_160 = tpu.memref_slice %arg4[%add3A_150, %dma_wait3A_159] : memref<320000x16xf32, #tpu.memory_space<hbm>> -> memref<80x16xf32, #tpu.memory_space<hbm>>
    tpu.wait_dma2 semaphore(%arg15 : memref<!tpu.dma_semaphore, #tpu.memory_space<semaphore_mem>>) src(%dma_wait3A_160 : memref<80x16xf32, #tpu.memory_space<hbm>>) dst(%dma_wait3A_158 : memref<80x16xf32, #tpu.memory_space<vmem>>)
    %dma_start3A_161 = arith.constant 0 : i32
    %dma_start3A_162 = arith.constant 0 : i32
    %dma_start3A_163 = tpu.memref_slice %arg7[%dma_start3A_161, %dma_start3A_162] : memref<2x400xi32, #tpu.memory_space<vmem>> -> memref<1x80xi32, #tpu.memory_space<vmem>>
    %dma_start3A_164 = tpu.memref_squeeze %dma_start3A_163 : memref<1x80xi32, #tpu.memory_space<vmem>> -> memref<80xi32, #tpu.memory_space<vmem>>
    %dma_start3A_165 = arith.constant 0 : i32
    %dma_start3A_166 = arith.constant 0 : i32
    %dma_start3A_167 = tpu.memref_slice %arg13[%dma_start3A_165, %dma_start3A_166] : memref<10000x128xf32, #tpu.memory_space<vmem_shared>> -> memref<10000x128xf32, #tpu.memory_space<vmem_shared>>
    tpu.enqueue_indirect_dma source(%arg9 : memref<80x128xf32, #tpu.memory_space<vmem>>) target(%dma_start3A_167 : memref<10000x128xf32, #tpu.memory_space<vmem_shared>>) offsets(%dma_start3A_164 : memref<80xi32, #tpu.memory_space<vmem>>) semaphore(%arg17 : memref<!tpu.dma_semaphore, #tpu.memory_space<semaphore_mem>>) {add = true}
    %dma_start3A_168 = arith.constant 0 : i32
    %dma_start3A_169 = arith.constant 0 : i32
    %dma_start3A_170 = tpu.memref_slice %arg7[%dma_start3A_168, %dma_start3A_169] : memref<2x400xi32, #tpu.memory_space<vmem>> -> memref<1x80xi32, #tpu.memory_space<vmem>>
    %dma_start3A_171 = tpu.memref_squeeze %dma_start3A_170 : memref<1x80xi32, #tpu.memory_space<vmem>> -> memref<80xi32, #tpu.memory_space<vmem>>
    %dma_start3A_172 = arith.constant 0 : i32
    %dma_start3A_173 = arith.constant 0 : i32
    %dma_start3A_174 = tpu.memref_slice %arg14[%dma_start3A_172, %dma_start3A_173] : memref<10000x32xf32, #tpu.memory_space<vmem_shared>> -> memref<10000x32xf32, #tpu.memory_space<vmem_shared>>
    tpu.enqueue_indirect_dma source(%arg11 : memref<80x32xf32, #tpu.memory_space<vmem>>) target(%dma_start3A_174 : memref<10000x32xf32, #tpu.memory_space<vmem_shared>>) offsets(%dma_start3A_171 : memref<80xi32, #tpu.memory_space<vmem>>) semaphore(%arg17 : memref<!tpu.dma_semaphore, #tpu.memory_space<semaphore_mem>>) {add = true}
    %dma_wait3A_175 = arith.constant 0 : i32
    %dma_wait3A_176 = arith.constant 0 : i32
    %dma_wait3A_177 = tpu.memref_slice %arg7[%dma_wait3A_175, %dma_wait3A_176] : memref<2x400xi32, #tpu.memory_space<vmem>> -> memref<1x80xi32, #tpu.memory_space<vmem>>
    %dma_wait3A_178 = tpu.memref_squeeze %dma_wait3A_177 : memref<1x80xi32, #tpu.memory_space<vmem>> -> memref<80xi32, #tpu.memory_space<vmem>>
    %dma_wait3A_179 = arith.constant 0 : i32
    %dma_wait3A_180 = arith.constant 0 : i32
    %dma_wait3A_181 = tpu.memref_slice %arg13[%dma_wait3A_179, %dma_wait3A_180] : memref<10000x128xf32, #tpu.memory_space<vmem_shared>> -> memref<10000x128xf32, #tpu.memory_space<vmem_shared>>
    tpu.wait_indirect_dma semaphore(%arg18 : memref<!tpu.dma_semaphore, #tpu.memory_space<semaphore_mem>>) src(%arg10 : memref<80x128xf32, #tpu.memory_space<vmem>>) dst(%dma_wait3A_181 : memref<10000x128xf32, #tpu.memory_space<vmem_shared>>)
    %dma_wait3A_182 = arith.constant 0 : i32
    %dma_wait3A_183 = arith.constant 0 : i32
    %dma_wait3A_184 = tpu.memref_slice %arg7[%dma_wait3A_182, %dma_wait3A_183] : memref<2x400xi32, #tpu.memory_space<vmem>> -> memref<1x80xi32, #tpu.memory_space<vmem>>
    %dma_wait3A_185 = tpu.memref_squeeze %dma_wait3A_184 : memref<1x80xi32, #tpu.memory_space<vmem>> -> memref<80xi32, #tpu.memory_space<vmem>>
    %dma_wait3A_186 = arith.constant 0 : i32
    %dma_wait3A_187 = arith.constant 0 : i32
    %dma_wait3A_188 = tpu.memref_slice %arg14[%dma_wait3A_186, %dma_wait3A_187] : memref<10000x32xf32, #tpu.memory_space<vmem_shared>> -> memref<10000x32xf32, #tpu.memory_space<vmem_shared>>
    tpu.wait_indirect_dma semaphore(%arg18 : memref<!tpu.dma_semaphore, #tpu.memory_space<semaphore_mem>>) src(%arg12 : memref<80x32xf32, #tpu.memory_space<vmem>>) dst(%dma_wait3A_188 : memref<10000x32xf32, #tpu.memory_space<vmem_shared>>)
    %dma_start3A_189 = arith.constant 1 : i32
    %dma_start3A_190 = arith.constant 80 : i32
    %dma_start3A_191 = tpu.memref_slice %arg7[%dma_start3A_189, %dma_start3A_190] : memref<2x400xi32, #tpu.memory_space<vmem>> -> memref<1x80xi32, #tpu.memory_space<vmem>>
    %dma_start3A_192 = tpu.memref_squeeze %dma_start3A_191 : memref<1x80xi32, #tpu.memory_space<vmem>> -> memref<80xi32, #tpu.memory_space<vmem>>
    %dma_start3A_193 = arith.constant 0 : i32
    %dma_start3A_194 = arith.constant 0 : i32
    %dma_start3A_195 = tpu.memref_slice %arg2[%dma_start3A_193, %dma_start3A_194] : memref<10000x128xf32, #tpu.memory_space<hbm>> -> memref<10000x128xf32, #tpu.memory_space<hbm>>
    tpu.enqueue_indirect_dma source(%dma_start3A_195 : memref<10000x128xf32, #tpu.memory_space<hbm>>) target(%arg10 : memref<80x128xf32, #tpu.memory_space<vmem>>) offsets(%dma_start3A_192 : memref<80xi32, #tpu.memory_space<vmem>>) semaphore(%arg16 : memref<!tpu.dma_semaphore, #tpu.memory_space<semaphore_mem>>)
    %mul3A_196 = arith.constant 10000 : i32
    %mul3A_197 = arith.muli %add3A, %mul3A_196 : i32
    %add3A_198 = arith.constant 9680 : i32
    %add3A_199 = arith.addi %mul3A_197, %add3A_198 : i32
    %dma_start3A_200 = arith.constant 0 : i32
    %dma_start3A_201 = arith.constant 0 : i32
    %dma_start3A_202 = tpu.memref_slice %arg12[%dma_start3A_200, %dma_start3A_201] : memref<80x32xf32, #tpu.memory_space<vmem>> -> memref<80x16xf32, #tpu.memory_space<vmem>>
    %dma_start3A_203 = arith.constant 0 : i32
    %dma_start3A_204 = tpu.memref_slice %arg4[%add3A_199, %dma_start3A_203] : memref<320000x16xf32, #tpu.memory_space<hbm>> -> memref<80x16xf32, #tpu.memory_space<hbm>>
    %dma_start3A_205 = arith.constant 0 : i32
    %dma_start3A_206 = arith.constant 0 : i32
    %dma_start3A_207 = tpu.memref_slice %arg12[%dma_start3A_205, %dma_start3A_206] : memref<80x32xf32, #tpu.memory_space<vmem>> -> memref<80x16xf32, #tpu.memory_space<vmem>>
    %dma_start3A_208 = arith.constant 0 : i32
    %dma_start3A_209 = tpu.memref_slice %arg4[%add3A_199, %dma_start3A_208] : memref<320000x16xf32, #tpu.memory_space<hbm>> -> memref<80x16xf32, #tpu.memory_space<hbm>>
    tpu.enqueue_dma source(%dma_start3A_209 : memref<80x16xf32, #tpu.memory_space<hbm>>) target(%dma_start3A_207 : memref<80x16xf32, #tpu.memory_space<vmem>>) target_semaphore(%arg16 : memref<!tpu.dma_semaphore, #tpu.memory_space<semaphore_mem>>)
    %dma_wait3A_210 = arith.constant 1 : i32
    %dma_wait3A_211 = arith.constant 80 : i32
    %dma_wait3A_212 = tpu.memref_slice %arg7[%dma_wait3A_210, %dma_wait3A_211] : memref<2x400xi32, #tpu.memory_space<vmem>> -> memref<1x80xi32, #tpu.memory_space<vmem>>
    %dma_wait3A_213 = tpu.memref_squeeze %dma_wait3A_212 : memref<1x80xi32, #tpu.memory_space<vmem>> -> memref<80xi32, #tpu.memory_space<vmem>>
    %dma_wait3A_214 = arith.constant 0 : i32
    %dma_wait3A_215 = arith.constant 0 : i32
    %dma_wait3A_216 = tpu.memref_slice %arg2[%dma_wait3A_214, %dma_wait3A_215] : memref<10000x128xf32, #tpu.memory_space<hbm>> -> memref<10000x128xf32, #tpu.memory_space<hbm>>
    tpu.wait_indirect_dma semaphore(%arg16 : memref<!tpu.dma_semaphore, #tpu.memory_space<semaphore_mem>>) src(%dma_wait3A_216 : memref<10000x128xf32, #tpu.memory_space<hbm>>) dst(%arg10 : memref<80x128xf32, #tpu.memory_space<vmem>>)
    %mul3A_217 = arith.constant 10000 : i32
    %mul3A_218 = arith.muli %add3A, %mul3A_217 : i32
    %add3A_219 = arith.constant 9680 : i32
    %add3A_220 = arith.addi %mul3A_218, %add3A_219 : i32
    %dma_wait3A_221 = arith.constant 0 : i32
    %dma_wait3A_222 = arith.constant 0 : i32
    %dma_wait3A_223 = tpu.memref_slice %arg12[%dma_wait3A_221, %dma_wait3A_222] : memref<80x32xf32, #tpu.memory_space<vmem>> -> memref<80x16xf32, #tpu.memory_space<vmem>>
    %dma_wait3A_224 = arith.constant 0 : i32
    %dma_wait3A_225 = tpu.memref_slice %arg4[%add3A_220, %dma_wait3A_224] : memref<320000x16xf32, #tpu.memory_space<hbm>> -> memref<80x16xf32, #tpu.memory_space<hbm>>
    %dma_wait3A_226 = arith.constant 0 : i32
    %dma_wait3A_227 = arith.constant 0 : i32
    %dma_wait3A_228 = tpu.memref_slice %arg12[%dma_wait3A_226, %dma_wait3A_227] : memref<80x32xf32, #tpu.memory_space<vmem>> -> memref<80x16xf32, #tpu.memory_space<vmem>>
    %dma_wait3A_229 = arith.constant 0 : i32
    %dma_wait3A_230 = tpu.memref_slice %arg4[%add3A_220, %dma_wait3A_229] : memref<320000x16xf32, #tpu.memory_space<hbm>> -> memref<80x16xf32, #tpu.memory_space<hbm>>
    tpu.wait_dma2 semaphore(%arg16 : memref<!tpu.dma_semaphore, #tpu.memory_space<semaphore_mem>>) src(%dma_wait3A_230 : memref<80x16xf32, #tpu.memory_space<hbm>>) dst(%dma_wait3A_228 : memref<80x16xf32, #tpu.memory_space<vmem>>)
    %dma_start3A_231 = arith.constant 0 : i32
    %dma_start3A_232 = arith.constant 80 : i32
    %dma_start3A_233 = tpu.memref_slice %arg7[%dma_start3A_231, %dma_start3A_232] : memref<2x400xi32, #tpu.memory_space<vmem>> -> memref<1x80xi32, #tpu.memory_space<vmem>>
    %dma_start3A_234 = tpu.memref_squeeze %dma_start3A_233 : memref<1x80xi32, #tpu.memory_space<vmem>> -> memref<80xi32, #tpu.memory_space<vmem>>
    %dma_start3A_235 = arith.constant 0 : i32
    %dma_start3A_236 = arith.constant 0 : i32
    %dma_start3A_237 = tpu.memref_slice %arg13[%dma_start3A_235, %dma_start3A_236] : memref<10000x128xf32, #tpu.memory_space<vmem_shared>> -> memref<10000x128xf32, #tpu.memory_space<vmem_shared>>
    tpu.enqueue_indirect_dma source(%arg10 : memref<80x128xf32, #tpu.memory_space<vmem>>) target(%dma_start3A_237 : memref<10000x128xf32, #tpu.memory_space<vmem_shared>>) offsets(%dma_start3A_234 : memref<80xi32, #tpu.memory_space<vmem>>) semaphore(%arg18 : memref<!tpu.dma_semaphore, #tpu.memory_space<semaphore_mem>>) {add = true}
    %dma_start3A_238 = arith.constant 0 : i32
    %dma_start3A_239 = arith.constant 80 : i32
    %dma_start3A_240 = tpu.memref_slice %arg7[%dma_start3A_238, %dma_start3A_239] : memref<2x400xi32, #tpu.memory_space<vmem>> -> memref<1x80xi32, #tpu.memory_space<vmem>>
    %dma_start3A_241 = tpu.memref_squeeze %dma_start3A_240 : memref<1x80xi32, #tpu.memory_space<vmem>> -> memref<80xi32, #tpu.memory_space<vmem>>
    %dma_start3A_242 = arith.constant 0 : i32
    %dma_start3A_243 = arith.constant 0 : i32
    %dma_start3A_244 = tpu.memref_slice %arg14[%dma_start3A_242, %dma_start3A_243] : memref<10000x32xf32, #tpu.memory_space<vmem_shared>> -> memref<10000x32xf32, #tpu.memory_space<vmem_shared>>
    tpu.enqueue_indirect_dma source(%arg12 : memref<80x32xf32, #tpu.memory_space<vmem>>) target(%dma_start3A_244 : memref<10000x32xf32, #tpu.memory_space<vmem_shared>>) offsets(%dma_start3A_241 : memref<80xi32, #tpu.memory_space<vmem>>) semaphore(%arg18 : memref<!tpu.dma_semaphore, #tpu.memory_space<semaphore_mem>>) {add = true}
    %dma_wait3A_245 = arith.constant 0 : i32
    %dma_wait3A_246 = arith.constant 0 : i32
    %dma_wait3A_247 = tpu.memref_slice %arg7[%dma_wait3A_245, %dma_wait3A_246] : memref<2x400xi32, #tpu.memory_space<vmem>> -> memref<1x80xi32, #tpu.memory_space<vmem>>
    %dma_wait3A_248 = tpu.memref_squeeze %dma_wait3A_247 : memref<1x80xi32, #tpu.memory_space<vmem>> -> memref<80xi32, #tpu.memory_space<vmem>>
    %dma_wait3A_249 = arith.constant 0 : i32
    %dma_wait3A_250 = arith.constant 0 : i32
    %dma_wait3A_251 = tpu.memref_slice %arg13[%dma_wait3A_249, %dma_wait3A_250] : memref<10000x128xf32, #tpu.memory_space<vmem_shared>> -> memref<10000x128xf32, #tpu.memory_space<vmem_shared>>
    tpu.wait_indirect_dma semaphore(%arg17 : memref<!tpu.dma_semaphore, #tpu.memory_space<semaphore_mem>>) src(%arg9 : memref<80x128xf32, #tpu.memory_space<vmem>>) dst(%dma_wait3A_251 : memref<10000x128xf32, #tpu.memory_space<vmem_shared>>)
    %dma_wait3A_252 = arith.constant 0 : i32
    %dma_wait3A_253 = arith.constant 0 : i32
    %dma_wait3A_254 = tpu.memref_slice %arg7[%dma_wait3A_252, %dma_wait3A_253] : memref<2x400xi32, #tpu.memory_space<vmem>> -> memref<1x80xi32, #tpu.memory_space<vmem>>
    %dma_wait3A_255 = tpu.memref_squeeze %dma_wait3A_254 : memref<1x80xi32, #tpu.memory_space<vmem>> -> memref<80xi32, #tpu.memory_space<vmem>>
    %dma_wait3A_256 = arith.constant 0 : i32
    %dma_wait3A_257 = arith.constant 0 : i32
    %dma_wait3A_258 = tpu.memref_slice %arg14[%dma_wait3A_256, %dma_wait3A_257] : memref<10000x32xf32, #tpu.memory_space<vmem_shared>> -> memref<10000x32xf32, #tpu.memory_space<vmem_shared>>
    tpu.wait_indirect_dma semaphore(%arg17 : memref<!tpu.dma_semaphore, #tpu.memory_space<semaphore_mem>>) src(%arg11 : memref<80x32xf32, #tpu.memory_space<vmem>>) dst(%dma_wait3A_258 : memref<10000x32xf32, #tpu.memory_space<vmem_shared>>)
    %dma_start3A_259 = arith.constant 1 : i32
    %dma_start3A_260 = arith.constant 160 : i32
    %dma_start3A_261 = tpu.memref_slice %arg7[%dma_start3A_259, %dma_start3A_260] : memref<2x400xi32, #tpu.memory_space<vmem>> -> memref<1x80xi32, #tpu.memory_space<vmem>>
    %dma_start3A_262 = tpu.memref_squeeze %dma_start3A_261 : memref<1x80xi32, #tpu.memory_space<vmem>> -> memref<80xi32, #tpu.memory_space<vmem>>
    %dma_start3A_263 = arith.constant 0 : i32
    %dma_start3A_264 = arith.constant 0 : i32
    %dma_start3A_265 = tpu.memref_slice %arg2[%dma_start3A_263, %dma_start3A_264] : memref<10000x128xf32, #tpu.memory_space<hbm>> -> memref<10000x128xf32, #tpu.memory_space<hbm>>
    tpu.enqueue_indirect_dma source(%dma_start3A_265 : memref<10000x128xf32, #tpu.memory_space<hbm>>) target(%arg9 : memref<80x128xf32, #tpu.memory_space<vmem>>) offsets(%dma_start3A_262 : memref<80xi32, #tpu.memory_space<vmem>>) semaphore(%arg15 : memref<!tpu.dma_semaphore, #tpu.memory_space<semaphore_mem>>)
    %mul3A_266 = arith.constant 10000 : i32
    %mul3A_267 = arith.muli %add3A, %mul3A_266 : i32
    %add3A_268 = arith.constant 9760 : i32
    %add3A_269 = arith.addi %mul3A_267, %add3A_268 : i32
    %dma_start3A_270 = arith.constant 0 : i32
    %dma_start3A_271 = arith.constant 0 : i32
    %dma_start3A_272 = tpu.memref_slice %arg11[%dma_start3A_270, %dma_start3A_271] : memref<80x32xf32, #tpu.memory_space<vmem>> -> memref<80x16xf32, #tpu.memory_space<vmem>>
    %dma_start3A_273 = arith.constant 0 : i32
    %dma_start3A_274 = tpu.memref_slice %arg4[%add3A_269, %dma_start3A_273] : memref<320000x16xf32, #tpu.memory_space<hbm>> -> memref<80x16xf32, #tpu.memory_space<hbm>>
    %dma_start3A_275 = arith.constant 0 : i32
    %dma_start3A_276 = arith.constant 0 : i32
    %dma_start3A_277 = tpu.memref_slice %arg11[%dma_start3A_275, %dma_start3A_276] : memref<80x32xf32, #tpu.memory_space<vmem>> -> memref<80x16xf32, #tpu.memory_space<vmem>>
    %dma_start3A_278 = arith.constant 0 : i32
    %dma_start3A_279 = tpu.memref_slice %arg4[%add3A_269, %dma_start3A_278] : memref<320000x16xf32, #tpu.memory_space<hbm>> -> memref<80x16xf32, #tpu.memory_space<hbm>>
    tpu.enqueue_dma source(%dma_start3A_279 : memref<80x16xf32, #tpu.memory_space<hbm>>) target(%dma_start3A_277 : memref<80x16xf32, #tpu.memory_space<vmem>>) target_semaphore(%arg15 : memref<!tpu.dma_semaphore, #tpu.memory_space<semaphore_mem>>)
    %dma_wait3A_280 = arith.constant 1 : i32
    %dma_wait3A_281 = arith.constant 160 : i32
    %dma_wait3A_282 = tpu.memref_slice %arg7[%dma_wait3A_280, %dma_wait3A_281] : memref<2x400xi32, #tpu.memory_space<vmem>> -> memref<1x80xi32, #tpu.memory_space<vmem>>
    %dma_wait3A_283 = tpu.memref_squeeze %dma_wait3A_282 : memref<1x80xi32, #tpu.memory_space<vmem>> -> memref<80xi32, #tpu.memory_space<vmem>>
    %dma_wait3A_284 = arith.constant 0 : i32
    %dma_wait3A_285 = arith.constant 0 : i32
    %dma_wait3A_286 = tpu.memref_slice %arg2[%dma_wait3A_284, %dma_wait3A_285] : memref<10000x128xf32, #tpu.memory_space<hbm>> -> memref<10000x128xf32, #tpu.memory_space<hbm>>
    tpu.wait_indirect_dma semaphore(%arg15 : memref<!tpu.dma_semaphore, #tpu.memory_space<semaphore_mem>>) src(%dma_wait3A_286 : memref<10000x128xf32, #tpu.memory_space<hbm>>) dst(%arg9 : memref<80x128xf32, #tpu.memory_space<vmem>>)
    %mul3A_287 = arith.constant 10000 : i32
    %mul3A_288 = arith.muli %add3A, %mul3A_287 : i32
    %add3A_289 = arith.constant 9760 : i32
    %add3A_290 = arith.addi %mul3A_288, %add3A_289 : i32
    %dma_wait3A_291 = arith.constant 0 : i32
    %dma_wait3A_292 = arith.constant 0 : i32
    %dma_wait3A_293 = tpu.memref_slice %arg11[%dma_wait3A_291, %dma_wait3A_292] : memref<80x32xf32, #tpu.memory_space<vmem>> -> memref<80x16xf32, #tpu.memory_space<vmem>>
    %dma_wait3A_294 = arith.constant 0 : i32
    %dma_wait3A_295 = tpu.memref_slice %arg4[%add3A_290, %dma_wait3A_294] : memref<320000x16xf32, #tpu.memory_space<hbm>> -> memref<80x16xf32, #tpu.memory_space<hbm>>
    %dma_wait3A_296 = arith.constant 0 : i32
    %dma_wait3A_297 = arith.constant 0 : i32
    %dma_wait3A_298 = tpu.memref_slice %arg11[%dma_wait3A_296, %dma_wait3A_297] : memref<80x32xf32, #tpu.memory_space<vmem>> -> memref<80x16xf32, #tpu.memory_space<vmem>>
    %dma_wait3A_299 = arith.constant 0 : i32
    %dma_wait3A_300 = tpu.memref_slice %arg4[%add3A_290, %dma_wait3A_299] : memref<320000x16xf32, #tpu.memory_space<hbm>> -> memref<80x16xf32, #tpu.memory_space<hbm>>
    tpu.wait_dma2 semaphore(%arg15 : memref<!tpu.dma_semaphore, #tpu.memory_space<semaphore_mem>>) src(%dma_wait3A_300 : memref<80x16xf32, #tpu.memory_space<hbm>>) dst(%dma_wait3A_298 : memref<80x16xf32, #tpu.memory_space<vmem>>)
    %dma_start3A_301 = arith.constant 0 : i32
    %dma_start3A_302 = arith.constant 160 : i32
    %dma_start3A_303 = tpu.memref_slice %arg7[%dma_start3A_301, %dma_start3A_302] : memref<2x400xi32, #tpu.memory_space<vmem>> -> memref<1x80xi32, #tpu.memory_space<vmem>>
    %dma_start3A_304 = tpu.memref_squeeze %dma_start3A_303 : memref<1x80xi32, #tpu.memory_space<vmem>> -> memref<80xi32, #tpu.memory_space<vmem>>
    %dma_start3A_305 = arith.constant 0 : i32
    %dma_start3A_306 = arith.constant 0 : i32
    %dma_start3A_307 = tpu.memref_slice %arg13[%dma_start3A_305, %dma_start3A_306] : memref<10000x128xf32, #tpu.memory_space<vmem_shared>> -> memref<10000x128xf32, #tpu.memory_space<vmem_shared>>
    tpu.enqueue_indirect_dma source(%arg9 : memref<80x128xf32, #tpu.memory_space<vmem>>) target(%dma_start3A_307 : memref<10000x128xf32, #tpu.memory_space<vmem_shared>>) offsets(%dma_start3A_304 : memref<80xi32, #tpu.memory_space<vmem>>) semaphore(%arg17 : memref<!tpu.dma_semaphore, #tpu.memory_space<semaphore_mem>>) {add = true}
    %dma_start3A_308 = arith.constant 0 : i32
    %dma_start3A_309 = arith.constant 160 : i32
    %dma_start3A_310 = tpu.memref_slice %arg7[%dma_start3A_308, %dma_start3A_309] : memref<2x400xi32, #tpu.memory_space<vmem>> -> memref<1x80xi32, #tpu.memory_space<vmem>>
    %dma_start3A_311 = tpu.memref_squeeze %dma_start3A_310 : memref<1x80xi32, #tpu.memory_space<vmem>> -> memref<80xi32, #tpu.memory_space<vmem>>
    %dma_start3A_312 = arith.constant 0 : i32
    %dma_start3A_313 = arith.constant 0 : i32
    %dma_start3A_314 = tpu.memref_slice %arg14[%dma_start3A_312, %dma_start3A_313] : memref<10000x32xf32, #tpu.memory_space<vmem_shared>> -> memref<10000x32xf32, #tpu.memory_space<vmem_shared>>
    tpu.enqueue_indirect_dma source(%arg11 : memref<80x32xf32, #tpu.memory_space<vmem>>) target(%dma_start3A_314 : memref<10000x32xf32, #tpu.memory_space<vmem_shared>>) offsets(%dma_start3A_311 : memref<80xi32, #tpu.memory_space<vmem>>) semaphore(%arg17 : memref<!tpu.dma_semaphore, #tpu.memory_space<semaphore_mem>>) {add = true}
    %dma_wait3A_315 = arith.constant 0 : i32
    %dma_wait3A_316 = arith.constant 0 : i32
    %dma_wait3A_317 = tpu.memref_slice %arg7[%dma_wait3A_315, %dma_wait3A_316] : memref<2x400xi32, #tpu.memory_space<vmem>> -> memref<1x80xi32, #tpu.memory_space<vmem>>
    %dma_wait3A_318 = tpu.memref_squeeze %dma_wait3A_317 : memref<1x80xi32, #tpu.memory_space<vmem>> -> memref<80xi32, #tpu.memory_space<vmem>>
    %dma_wait3A_319 = arith.constant 0 : i32
    %dma_wait3A_320 = arith.constant 0 : i32
    %dma_wait3A_321 = tpu.memref_slice %arg13[%dma_wait3A_319, %dma_wait3A_320] : memref<10000x128xf32, #tpu.memory_space<vmem_shared>> -> memref<10000x128xf32, #tpu.memory_space<vmem_shared>>
    tpu.wait_indirect_dma semaphore(%arg18 : memref<!tpu.dma_semaphore, #tpu.memory_space<semaphore_mem>>) src(%arg10 : memref<80x128xf32, #tpu.memory_space<vmem>>) dst(%dma_wait3A_321 : memref<10000x128xf32, #tpu.memory_space<vmem_shared>>)
    %dma_wait3A_322 = arith.constant 0 : i32
    %dma_wait3A_323 = arith.constant 0 : i32
    %dma_wait3A_324 = tpu.memref_slice %arg7[%dma_wait3A_322, %dma_wait3A_323] : memref<2x400xi32, #tpu.memory_space<vmem>> -> memref<1x80xi32, #tpu.memory_space<vmem>>
    %dma_wait3A_325 = tpu.memref_squeeze %dma_wait3A_324 : memref<1x80xi32, #tpu.memory_space<vmem>> -> memref<80xi32, #tpu.memory_space<vmem>>
    %dma_wait3A_326 = arith.constant 0 : i32
    %dma_wait3A_327 = arith.constant 0 : i32
    %dma_wait3A_328 = tpu.memref_slice %arg14[%dma_wait3A_326, %dma_wait3A_327] : memref<10000x32xf32, #tpu.memory_space<vmem_shared>> -> memref<10000x32xf32, #tpu.memory_space<vmem_shared>>
    tpu.wait_indirect_dma semaphore(%arg18 : memref<!tpu.dma_semaphore, #tpu.memory_space<semaphore_mem>>) src(%arg12 : memref<80x32xf32, #tpu.memory_space<vmem>>) dst(%dma_wait3A_328 : memref<10000x32xf32, #tpu.memory_space<vmem_shared>>)
    %dma_start3A_329 = arith.constant 1 : i32
    %dma_start3A_330 = arith.constant 240 : i32
    %dma_start3A_331 = tpu.memref_slice %arg7[%dma_start3A_329, %dma_start3A_330] : memref<2x400xi32, #tpu.memory_space<vmem>> -> memref<1x80xi32, #tpu.memory_space<vmem>>
    %dma_start3A_332 = tpu.memref_squeeze %dma_start3A_331 : memref<1x80xi32, #tpu.memory_space<vmem>> -> memref<80xi32, #tpu.memory_space<vmem>>
    %dma_start3A_333 = arith.constant 0 : i32
    %dma_start3A_334 = arith.constant 0 : i32
    %dma_start3A_335 = tpu.memref_slice %arg2[%dma_start3A_333, %dma_start3A_334] : memref<10000x128xf32, #tpu.memory_space<hbm>> -> memref<10000x128xf32, #tpu.memory_space<hbm>>
    tpu.enqueue_indirect_dma source(%dma_start3A_335 : memref<10000x128xf32, #tpu.memory_space<hbm>>) target(%arg10 : memref<80x128xf32, #tpu.memory_space<vmem>>) offsets(%dma_start3A_332 : memref<80xi32, #tpu.memory_space<vmem>>) semaphore(%arg16 : memref<!tpu.dma_semaphore, #tpu.memory_space<semaphore_mem>>)
    %mul3A_336 = arith.constant 10000 : i32
    %mul3A_337 = arith.muli %add3A, %mul3A_336 : i32
    %add3A_338 = arith.constant 9840 : i32
    %add3A_339 = arith.addi %mul3A_337, %add3A_338 : i32
    %dma_start3A_340 = arith.constant 0 : i32
    %dma_start3A_341 = arith.constant 0 : i32
    %dma_start3A_342 = tpu.memref_slice %arg12[%dma_start3A_340, %dma_start3A_341] : memref<80x32xf32, #tpu.memory_space<vmem>> -> memref<80x16xf32, #tpu.memory_space<vmem>>
    %dma_start3A_343 = arith.constant 0 : i32
    %dma_start3A_344 = tpu.memref_slice %arg4[%add3A_339, %dma_start3A_343] : memref<320000x16xf32, #tpu.memory_space<hbm>> -> memref<80x16xf32, #tpu.memory_space<hbm>>
    %dma_start3A_345 = arith.constant 0 : i32
    %dma_start3A_346 = arith.constant 0 : i32
    %dma_start3A_347 = tpu.memref_slice %arg12[%dma_start3A_345, %dma_start3A_346] : memref<80x32xf32, #tpu.memory_space<vmem>> -> memref<80x16xf32, #tpu.memory_space<vmem>>
    %dma_start3A_348 = arith.constant 0 : i32
    %dma_start3A_349 = tpu.memref_slice %arg4[%add3A_339, %dma_start3A_348] : memref<320000x16xf32, #tpu.memory_space<hbm>> -> memref<80x16xf32, #tpu.memory_space<hbm>>
    tpu.enqueue_dma source(%dma_start3A_349 : memref<80x16xf32, #tpu.memory_space<hbm>>) target(%dma_start3A_347 : memref<80x16xf32, #tpu.memory_space<vmem>>) target_semaphore(%arg16 : memref<!tpu.dma_semaphore, #tpu.memory_space<semaphore_mem>>)
    %dma_wait3A_350 = arith.constant 1 : i32
    %dma_wait3A_351 = arith.constant 240 : i32
    %dma_wait3A_352 = tpu.memref_slice %arg7[%dma_wait3A_350, %dma_wait3A_351] : memref<2x400xi32, #tpu.memory_space<vmem>> -> memref<1x80xi32, #tpu.memory_space<vmem>>
    %dma_wait3A_353 = tpu.memref_squeeze %dma_wait3A_352 : memref<1x80xi32, #tpu.memory_space<vmem>> -> memref<80xi32, #tpu.memory_space<vmem>>
    %dma_wait3A_354 = arith.constant 0 : i32
    %dma_wait3A_355 = arith.constant 0 : i32
    %dma_wait3A_356 = tpu.memref_slice %arg2[%dma_wait3A_354, %dma_wait3A_355] : memref<10000x128xf32, #tpu.memory_space<hbm>> -> memref<10000x128xf32, #tpu.memory_space<hbm>>
    tpu.wait_indirect_dma semaphore(%arg16 : memref<!tpu.dma_semaphore, #tpu.memory_space<semaphore_mem>>) src(%dma_wait3A_356 : memref<10000x128xf32, #tpu.memory_space<hbm>>) dst(%arg10 : memref<80x128xf32, #tpu.memory_space<vmem>>)
    %mul3A_357 = arith.constant 10000 : i32
    %mul3A_358 = arith.muli %add3A, %mul3A_357 : i32
    %add3A_359 = arith.constant 9840 : i32
    %add3A_360 = arith.addi %mul3A_358, %add3A_359 : i32
    %dma_wait3A_361 = arith.constant 0 : i32
    %dma_wait3A_362 = arith.constant 0 : i32
    %dma_wait3A_363 = tpu.memref_slice %arg12[%dma_wait3A_361, %dma_wait3A_362] : memref<80x32xf32, #tpu.memory_space<vmem>> -> memref<80x16xf32, #tpu.memory_space<vmem>>
    %dma_wait3A_364 = arith.constant 0 : i32
    %dma_wait3A_365 = tpu.memref_slice %arg4[%add3A_360, %dma_wait3A_364] : memref<320000x16xf32, #tpu.memory_space<hbm>> -> memref<80x16xf32, #tpu.memory_space<hbm>>
    %dma_wait3A_366 = arith.constant 0 : i32
    %dma_wait3A_367 = arith.constant 0 : i32
    %dma_wait3A_368 = tpu.memref_slice %arg12[%dma_wait3A_366, %dma_wait3A_367] : memref<80x32xf32, #tpu.memory_space<vmem>> -> memref<80x16xf32, #tpu.memory_space<vmem>>
    %dma_wait3A_369 = arith.constant 0 : i32
    %dma_wait3A_370 = tpu.memref_slice %arg4[%add3A_360, %dma_wait3A_369] : memref<320000x16xf32, #tpu.memory_space<hbm>> -> memref<80x16xf32, #tpu.memory_space<hbm>>
    tpu.wait_dma2 semaphore(%arg16 : memref<!tpu.dma_semaphore, #tpu.memory_space<semaphore_mem>>) src(%dma_wait3A_370 : memref<80x16xf32, #tpu.memory_space<hbm>>) dst(%dma_wait3A_368 : memref<80x16xf32, #tpu.memory_space<vmem>>)
    %dma_start3A_371 = arith.constant 0 : i32
    %dma_start3A_372 = arith.constant 240 : i32
    %dma_start3A_373 = tpu.memref_slice %arg7[%dma_start3A_371, %dma_start3A_372] : memref<2x400xi32, #tpu.memory_space<vmem>> -> memref<1x80xi32, #tpu.memory_space<vmem>>
    %dma_start3A_374 = tpu.memref_squeeze %dma_start3A_373 : memref<1x80xi32, #tpu.memory_space<vmem>> -> memref<80xi32, #tpu.memory_space<vmem>>
    %dma_start3A_375 = arith.constant 0 : i32
    %dma_start3A_376 = arith.constant 0 : i32
    %dma_start3A_377 = tpu.memref_slice %arg13[%dma_start3A_375, %dma_start3A_376] : memref<10000x128xf32, #tpu.memory_space<vmem_shared>> -> memref<10000x128xf32, #tpu.memory_space<vmem_shared>>
    tpu.enqueue_indirect_dma source(%arg10 : memref<80x128xf32, #tpu.memory_space<vmem>>) target(%dma_start3A_377 : memref<10000x128xf32, #tpu.memory_space<vmem_shared>>) offsets(%dma_start3A_374 : memref<80xi32, #tpu.memory_space<vmem>>) semaphore(%arg18 : memref<!tpu.dma_semaphore, #tpu.memory_space<semaphore_mem>>) {add = true}
    %dma_start3A_378 = arith.constant 0 : i32
    %dma_start3A_379 = arith.constant 240 : i32
    %dma_start3A_380 = tpu.memref_slice %arg7[%dma_start3A_378, %dma_start3A_379] : memref<2x400xi32, #tpu.memory_space<vmem>> -> memref<1x80xi32, #tpu.memory_space<vmem>>
    %dma_start3A_381 = tpu.memref_squeeze %dma_start3A_380 : memref<1x80xi32, #tpu.memory_space<vmem>> -> memref<80xi32, #tpu.memory_space<vmem>>
    %dma_start3A_382 = arith.constant 0 : i32
    %dma_start3A_383 = arith.constant 0 : i32
    %dma_start3A_384 = tpu.memref_slice %arg14[%dma_start3A_382, %dma_start3A_383] : memref<10000x32xf32, #tpu.memory_space<vmem_shared>> -> memref<10000x32xf32, #tpu.memory_space<vmem_shared>>
    tpu.enqueue_indirect_dma source(%arg12 : memref<80x32xf32, #tpu.memory_space<vmem>>) target(%dma_start3A_384 : memref<10000x32xf32, #tpu.memory_space<vmem_shared>>) offsets(%dma_start3A_381 : memref<80xi32, #tpu.memory_space<vmem>>) semaphore(%arg18 : memref<!tpu.dma_semaphore, #tpu.memory_space<semaphore_mem>>) {add = true}
    %dma_wait3A_385 = arith.constant 0 : i32
    %dma_wait3A_386 = arith.constant 0 : i32
    %dma_wait3A_387 = tpu.memref_slice %arg7[%dma_wait3A_385, %dma_wait3A_386] : memref<2x400xi32, #tpu.memory_space<vmem>> -> memref<1x80xi32, #tpu.memory_space<vmem>>
    %dma_wait3A_388 = tpu.memref_squeeze %dma_wait3A_387 : memref<1x80xi32, #tpu.memory_space<vmem>> -> memref<80xi32, #tpu.memory_space<vmem>>
    %dma_wait3A_389 = arith.constant 0 : i32
    %dma_wait3A_390 = arith.constant 0 : i32
    %dma_wait3A_391 = tpu.memref_slice %arg13[%dma_wait3A_389, %dma_wait3A_390] : memref<10000x128xf32, #tpu.memory_space<vmem_shared>> -> memref<10000x128xf32, #tpu.memory_space<vmem_shared>>
    tpu.wait_indirect_dma semaphore(%arg17 : memref<!tpu.dma_semaphore, #tpu.memory_space<semaphore_mem>>) src(%arg9 : memref<80x128xf32, #tpu.memory_space<vmem>>) dst(%dma_wait3A_391 : memref<10000x128xf32, #tpu.memory_space<vmem_shared>>)
    %dma_wait3A_392 = arith.constant 0 : i32
    %dma_wait3A_393 = arith.constant 0 : i32
    %dma_wait3A_394 = tpu.memref_slice %arg7[%dma_wait3A_392, %dma_wait3A_393] : memref<2x400xi32, #tpu.memory_space<vmem>> -> memref<1x80xi32, #tpu.memory_space<vmem>>
    %dma_wait3A_395 = tpu.memref_squeeze %dma_wait3A_394 : memref<1x80xi32, #tpu.memory_space<vmem>> -> memref<80xi32, #tpu.memory_space<vmem>>
    %dma_wait3A_396 = arith.constant 0 : i32
    %dma_wait3A_397 = arith.constant 0 : i32
    %dma_wait3A_398 = tpu.memref_slice %arg14[%dma_wait3A_396, %dma_wait3A_397] : memref<10000x32xf32, #tpu.memory_space<vmem_shared>> -> memref<10000x32xf32, #tpu.memory_space<vmem_shared>>
    tpu.wait_indirect_dma semaphore(%arg17 : memref<!tpu.dma_semaphore, #tpu.memory_space<semaphore_mem>>) src(%arg11 : memref<80x32xf32, #tpu.memory_space<vmem>>) dst(%dma_wait3A_398 : memref<10000x32xf32, #tpu.memory_space<vmem_shared>>)
    %dma_start3A_399 = arith.constant 1 : i32
    %dma_start3A_400 = arith.constant 320 : i32
    %dma_start3A_401 = tpu.memref_slice %arg7[%dma_start3A_399, %dma_start3A_400] : memref<2x400xi32, #tpu.memory_space<vmem>> -> memref<1x80xi32, #tpu.memory_space<vmem>>
    %dma_start3A_402 = tpu.memref_squeeze %dma_start3A_401 : memref<1x80xi32, #tpu.memory_space<vmem>> -> memref<80xi32, #tpu.memory_space<vmem>>
    %dma_start3A_403 = arith.constant 0 : i32
    %dma_start3A_404 = arith.constant 0 : i32
    %dma_start3A_405 = tpu.memref_slice %arg2[%dma_start3A_403, %dma_start3A_404] : memref<10000x128xf32, #tpu.memory_space<hbm>> -> memref<10000x128xf32, #tpu.memory_space<hbm>>
    tpu.enqueue_indirect_dma source(%dma_start3A_405 : memref<10000x128xf32, #tpu.memory_space<hbm>>) target(%arg9 : memref<80x128xf32, #tpu.memory_space<vmem>>) offsets(%dma_start3A_402 : memref<80xi32, #tpu.memory_space<vmem>>) semaphore(%arg15 : memref<!tpu.dma_semaphore, #tpu.memory_space<semaphore_mem>>)
    %mul3A_406 = arith.constant 10000 : i32
    %mul3A_407 = arith.muli %add3A, %mul3A_406 : i32
    %add3A_408 = arith.constant 9920 : i32
    %add3A_409 = arith.addi %mul3A_407, %add3A_408 : i32
    %dma_start3A_410 = arith.constant 0 : i32
    %dma_start3A_411 = arith.constant 0 : i32
    %dma_start3A_412 = tpu.memref_slice %arg11[%dma_start3A_410, %dma_start3A_411] : memref<80x32xf32, #tpu.memory_space<vmem>> -> memref<80x16xf32, #tpu.memory_space<vmem>>
    %dma_start3A_413 = arith.constant 0 : i32
    %dma_start3A_414 = tpu.memref_slice %arg4[%add3A_409, %dma_start3A_413] : memref<320000x16xf32, #tpu.memory_space<hbm>> -> memref<80x16xf32, #tpu.memory_space<hbm>>
    %dma_start3A_415 = arith.constant 0 : i32
    %dma_start3A_416 = arith.constant 0 : i32
    %dma_start3A_417 = tpu.memref_slice %arg11[%dma_start3A_415, %dma_start3A_416] : memref<80x32xf32, #tpu.memory_space<vmem>> -> memref<80x16xf32, #tpu.memory_space<vmem>>
    %dma_start3A_418 = arith.constant 0 : i32
    %dma_start3A_419 = tpu.memref_slice %arg4[%add3A_409, %dma_start3A_418] : memref<320000x16xf32, #tpu.memory_space<hbm>> -> memref<80x16xf32, #tpu.memory_space<hbm>>
    tpu.enqueue_dma source(%dma_start3A_419 : memref<80x16xf32, #tpu.memory_space<hbm>>) target(%dma_start3A_417 : memref<80x16xf32, #tpu.memory_space<vmem>>) target_semaphore(%arg15 : memref<!tpu.dma_semaphore, #tpu.memory_space<semaphore_mem>>)
    %dma_wait3A_420 = arith.constant 1 : i32
    %dma_wait3A_421 = arith.constant 320 : i32
    %dma_wait3A_422 = tpu.memref_slice %arg7[%dma_wait3A_420, %dma_wait3A_421] : memref<2x400xi32, #tpu.memory_space<vmem>> -> memref<1x80xi32, #tpu.memory_space<vmem>>
    %dma_wait3A_423 = tpu.memref_squeeze %dma_wait3A_422 : memref<1x80xi32, #tpu.memory_space<vmem>> -> memref<80xi32, #tpu.memory_space<vmem>>
    %dma_wait3A_424 = arith.constant 0 : i32
    %dma_wait3A_425 = arith.constant 0 : i32
    %dma_wait3A_426 = tpu.memref_slice %arg2[%dma_wait3A_424, %dma_wait3A_425] : memref<10000x128xf32, #tpu.memory_space<hbm>> -> memref<10000x128xf32, #tpu.memory_space<hbm>>
    tpu.wait_indirect_dma semaphore(%arg15 : memref<!tpu.dma_semaphore, #tpu.memory_space<semaphore_mem>>) src(%dma_wait3A_426 : memref<10000x128xf32, #tpu.memory_space<hbm>>) dst(%arg9 : memref<80x128xf32, #tpu.memory_space<vmem>>)
    %mul3A_427 = arith.constant 10000 : i32
    %mul3A_428 = arith.muli %add3A, %mul3A_427 : i32
    %add3A_429 = arith.constant 9920 : i32
    %add3A_430 = arith.addi %mul3A_428, %add3A_429 : i32
    %dma_wait3A_431 = arith.constant 0 : i32
    %dma_wait3A_432 = arith.constant 0 : i32
    %dma_wait3A_433 = tpu.memref_slice %arg11[%dma_wait3A_431, %dma_wait3A_432] : memref<80x32xf32, #tpu.memory_space<vmem>> -> memref<80x16xf32, #tpu.memory_space<vmem>>
    %dma_wait3A_434 = arith.constant 0 : i32
    %dma_wait3A_435 = tpu.memref_slice %arg4[%add3A_430, %dma_wait3A_434] : memref<320000x16xf32, #tpu.memory_space<hbm>> -> memref<80x16xf32, #tpu.memory_space<hbm>>
    %dma_wait3A_436 = arith.constant 0 : i32
    %dma_wait3A_437 = arith.constant 0 : i32
    %dma_wait3A_438 = tpu.memref_slice %arg11[%dma_wait3A_436, %dma_wait3A_437] : memref<80x32xf32, #tpu.memory_space<vmem>> -> memref<80x16xf32, #tpu.memory_space<vmem>>
    %dma_wait3A_439 = arith.constant 0 : i32
    %dma_wait3A_440 = tpu.memref_slice %arg4[%add3A_430, %dma_wait3A_439] : memref<320000x16xf32, #tpu.memory_space<hbm>> -> memref<80x16xf32, #tpu.memory_space<hbm>>
    tpu.wait_dma2 semaphore(%arg15 : memref<!tpu.dma_semaphore, #tpu.memory_space<semaphore_mem>>) src(%dma_wait3A_440 : memref<80x16xf32, #tpu.memory_space<hbm>>) dst(%dma_wait3A_438 : memref<80x16xf32, #tpu.memory_space<vmem>>)
    %dma_start3A_441 = arith.constant 0 : i32
    %dma_start3A_442 = arith.constant 320 : i32
    %dma_start3A_443 = tpu.memref_slice %arg7[%dma_start3A_441, %dma_start3A_442] : memref<2x400xi32, #tpu.memory_space<vmem>> -> memref<1x80xi32, #tpu.memory_space<vmem>>
    %dma_start3A_444 = tpu.memref_squeeze %dma_start3A_443 : memref<1x80xi32, #tpu.memory_space<vmem>> -> memref<80xi32, #tpu.memory_space<vmem>>
    %dma_start3A_445 = arith.constant 0 : i32
    %dma_start3A_446 = arith.constant 0 : i32
    %dma_start3A_447 = tpu.memref_slice %arg13[%dma_start3A_445, %dma_start3A_446] : memref<10000x128xf32, #tpu.memory_space<vmem_shared>> -> memref<10000x128xf32, #tpu.memory_space<vmem_shared>>
    tpu.enqueue_indirect_dma source(%arg9 : memref<80x128xf32, #tpu.memory_space<vmem>>) target(%dma_start3A_447 : memref<10000x128xf32, #tpu.memory_space<vmem_shared>>) offsets(%dma_start3A_444 : memref<80xi32, #tpu.memory_space<vmem>>) semaphore(%arg17 : memref<!tpu.dma_semaphore, #tpu.memory_space<semaphore_mem>>) {add = true}
    %dma_start3A_448 = arith.constant 0 : i32
    %dma_start3A_449 = arith.constant 320 : i32
    %dma_start3A_450 = tpu.memref_slice %arg7[%dma_start3A_448, %dma_start3A_449] : memref<2x400xi32, #tpu.memory_space<vmem>> -> memref<1x80xi32, #tpu.memory_space<vmem>>
    %dma_start3A_451 = tpu.memref_squeeze %dma_start3A_450 : memref<1x80xi32, #tpu.memory_space<vmem>> -> memref<80xi32, #tpu.memory_space<vmem>>
    %dma_start3A_452 = arith.constant 0 : i32
    %dma_start3A_453 = arith.constant 0 : i32
    %dma_start3A_454 = tpu.memref_slice %arg14[%dma_start3A_452, %dma_start3A_453] : memref<10000x32xf32, #tpu.memory_space<vmem_shared>> -> memref<10000x32xf32, #tpu.memory_space<vmem_shared>>
    tpu.enqueue_indirect_dma source(%arg11 : memref<80x32xf32, #tpu.memory_space<vmem>>) target(%dma_start3A_454 : memref<10000x32xf32, #tpu.memory_space<vmem_shared>>) offsets(%dma_start3A_451 : memref<80xi32, #tpu.memory_space<vmem>>) semaphore(%arg17 : memref<!tpu.dma_semaphore, #tpu.memory_space<semaphore_mem>>) {add = true}
    %dma_wait3A_455 = arith.constant 0 : i32
    %dma_wait3A_456 = arith.constant 0 : i32
    %dma_wait3A_457 = tpu.memref_slice %arg7[%dma_wait3A_455, %dma_wait3A_456] : memref<2x400xi32, #tpu.memory_space<vmem>> -> memref<1x80xi32, #tpu.memory_space<vmem>>
    %dma_wait3A_458 = tpu.memref_squeeze %dma_wait3A_457 : memref<1x80xi32, #tpu.memory_space<vmem>> -> memref<80xi32, #tpu.memory_space<vmem>>
    %dma_wait3A_459 = arith.constant 0 : i32
    %dma_wait3A_460 = arith.constant 0 : i32
    %dma_wait3A_461 = tpu.memref_slice %arg13[%dma_wait3A_459, %dma_wait3A_460] : memref<10000x128xf32, #tpu.memory_space<vmem_shared>> -> memref<10000x128xf32, #tpu.memory_space<vmem_shared>>
    tpu.wait_indirect_dma semaphore(%arg18 : memref<!tpu.dma_semaphore, #tpu.memory_space<semaphore_mem>>) src(%arg10 : memref<80x128xf32, #tpu.memory_space<vmem>>) dst(%dma_wait3A_461 : memref<10000x128xf32, #tpu.memory_space<vmem_shared>>)
    %dma_wait3A_462 = arith.constant 0 : i32
    %dma_wait3A_463 = arith.constant 0 : i32
    %dma_wait3A_464 = tpu.memref_slice %arg7[%dma_wait3A_462, %dma_wait3A_463] : memref<2x400xi32, #tpu.memory_space<vmem>> -> memref<1x80xi32, #tpu.memory_space<vmem>>
    %dma_wait3A_465 = tpu.memref_squeeze %dma_wait3A_464 : memref<1x80xi32, #tpu.memory_space<vmem>> -> memref<80xi32, #tpu.memory_space<vmem>>
    %dma_wait3A_466 = arith.constant 0 : i32
    %dma_wait3A_467 = arith.constant 0 : i32
    %dma_wait3A_468 = tpu.memref_slice %arg14[%dma_wait3A_466, %dma_wait3A_467] : memref<10000x32xf32, #tpu.memory_space<vmem_shared>> -> memref<10000x32xf32, #tpu.memory_space<vmem_shared>>
    tpu.wait_indirect_dma semaphore(%arg18 : memref<!tpu.dma_semaphore, #tpu.memory_space<semaphore_mem>>) src(%arg12 : memref<80x32xf32, #tpu.memory_space<vmem>>) dst(%dma_wait3A_468 : memref<10000x32xf32, #tpu.memory_space<vmem_shared>>)
    %dma_wait3A_469 = arith.constant 0 : i32
    %dma_wait3A_470 = arith.constant 0 : i32
    %dma_wait3A_471 = tpu.memref_slice %arg7[%dma_wait3A_469, %dma_wait3A_470] : memref<2x400xi32, #tpu.memory_space<vmem>> -> memref<1x80xi32, #tpu.memory_space<vmem>>
    %dma_wait3A_472 = tpu.memref_squeeze %dma_wait3A_471 : memref<1x80xi32, #tpu.memory_space<vmem>> -> memref<80xi32, #tpu.memory_space<vmem>>
    %dma_wait3A_473 = arith.constant 0 : i32
    %dma_wait3A_474 = arith.constant 0 : i32
    %dma_wait3A_475 = tpu.memref_slice %arg13[%dma_wait3A_473, %dma_wait3A_474] : memref<10000x128xf32, #tpu.memory_space<vmem_shared>> -> memref<10000x128xf32, #tpu.memory_space<vmem_shared>>
    tpu.wait_indirect_dma semaphore(%arg17 : memref<!tpu.dma_semaphore, #tpu.memory_space<semaphore_mem>>) src(%arg9 : memref<80x128xf32, #tpu.memory_space<vmem>>) dst(%dma_wait3A_475 : memref<10000x128xf32, #tpu.memory_space<vmem_shared>>)
    %dma_wait3A_476 = arith.constant 0 : i32
    %dma_wait3A_477 = arith.constant 0 : i32
    %dma_wait3A_478 = tpu.memref_slice %arg7[%dma_wait3A_476, %dma_wait3A_477] : memref<2x400xi32, #tpu.memory_space<vmem>> -> memref<1x80xi32, #tpu.memory_space<vmem>>
    %dma_wait3A_479 = tpu.memref_squeeze %dma_wait3A_478 : memref<1x80xi32, #tpu.memory_space<vmem>> -> memref<80xi32, #tpu.memory_space<vmem>>
    %dma_wait3A_480 = arith.constant 0 : i32
    %dma_wait3A_481 = arith.constant 0 : i32
    %dma_wait3A_482 = tpu.memref_slice %arg14[%dma_wait3A_480, %dma_wait3A_481] : memref<10000x32xf32, #tpu.memory_space<vmem_shared>> -> memref<10000x32xf32, #tpu.memory_space<vmem_shared>>
    tpu.wait_indirect_dma semaphore(%arg17 : memref<!tpu.dma_semaphore, #tpu.memory_space<semaphore_mem>>) src(%arg11 : memref<80x32xf32, #tpu.memory_space<vmem>>) dst(%dma_wait3A_482 : memref<10000x32xf32, #tpu.memory_space<vmem_shared>>)
    %barrier3A_483 = arith.constant 0 : index
    tpu.barrier barrier_id(%barrier3A_483)
    "tpu.region"() ({
      %run_scoped3A = tpu.sem_alloc : memref<!tpu.dma_semaphore, #tpu.memory_space<semaphore_mem>>
      %dma_start3A_489 = arith.constant 0 : i32
      %dma_start3A_490 = tpu.memref_slice %arg5[%arg0, %mul3A_8, %dma_start3A_489] : memref<2x10000x128xf32, #tpu.memory_space<hbm>> -> memref<1x624x128xf32, #tpu.memory_space<hbm>>
      %dma_start3A_491 = tpu.memref_squeeze %dma_start3A_490 : memref<1x624x128xf32, #tpu.memory_space<hbm>> -> memref<624x128xf32, #tpu.memory_space<hbm>>
      %dma_start3A_492 = arith.constant 0 : i32
      %dma_start3A_493 = tpu.memref_slice %arg13[%mul3A_8, %dma_start3A_492] : memref<10000x128xf32, #tpu.memory_space<vmem_shared>> -> memref<624x128xf32, #tpu.memory_space<vmem_shared>>
      tpu.enqueue_dma source(%dma_start3A_493 : memref<624x128xf32, #tpu.memory_space<vmem_shared>>) target(%dma_start3A_491 : memref<624x128xf32, #tpu.memory_space<hbm>>) target_semaphore(%run_scoped3A : memref<!tpu.dma_semaphore, #tpu.memory_space<semaphore_mem>>)
      %dma_wait3A_494 = arith.constant 0 : i32
      %dma_wait3A_495 = tpu.memref_slice %arg5[%arg0, %mul3A_8, %dma_wait3A_494] : memref<2x10000x128xf32, #tpu.memory_space<hbm>> -> memref<1x624x128xf32, #tpu.memory_space<hbm>>
      %dma_wait3A_496 = tpu.memref_squeeze %dma_wait3A_495 : memref<1x624x128xf32, #tpu.memory_space<hbm>> -> memref<624x128xf32, #tpu.memory_space<hbm>>
      %dma_wait3A_497 = arith.constant 0 : i32
      %dma_wait3A_498 = tpu.memref_slice %arg13[%mul3A_8, %dma_wait3A_497] : memref<10000x128xf32, #tpu.memory_space<vmem_shared>> -> memref<624x128xf32, #tpu.memory_space<vmem_shared>>
      tpu.wait_dma2 semaphore(%run_scoped3A : memref<!tpu.dma_semaphore, #tpu.memory_space<semaphore_mem>>) src(%dma_wait3A_498 : memref<624x128xf32, #tpu.memory_space<vmem_shared>>) dst(%dma_wait3A_496 : memref<624x128xf32, #tpu.memory_space<hbm>>)
      tpu.yield
    }) : () -> ()
    "tpu.region"() ({
      %run_scoped3A = tpu.sem_alloc : memref<!tpu.dma_semaphore, #tpu.memory_space<semaphore_mem>>
      %dma_start3A_489 = arith.constant 0 : i32
      %dma_start3A_490 = tpu.memref_slice %arg6[%arg0, %mul3A_8, %dma_start3A_489] : memref<2x10000x32xf32, #tpu.memory_space<hbm>> -> memref<1x624x32xf32, #tpu.memory_space<hbm>>
      %dma_start3A_491 = tpu.memref_squeeze %dma_start3A_490 : memref<1x624x32xf32, #tpu.memory_space<hbm>> -> memref<624x32xf32, #tpu.memory_space<hbm>>
      %dma_start3A_492 = arith.constant 0 : i32
      %dma_start3A_493 = tpu.memref_slice %arg14[%mul3A_8, %dma_start3A_492] : memref<10000x32xf32, #tpu.memory_space<vmem_shared>> -> memref<624x32xf32, #tpu.memory_space<vmem_shared>>
      tpu.enqueue_dma source(%dma_start3A_493 : memref<624x32xf32, #tpu.memory_space<vmem_shared>>) target(%dma_start3A_491 : memref<624x32xf32, #tpu.memory_space<hbm>>) target_semaphore(%run_scoped3A : memref<!tpu.dma_semaphore, #tpu.memory_space<semaphore_mem>>)
      %dma_wait3A_494 = arith.constant 0 : i32
      %dma_wait3A_495 = tpu.memref_slice %arg6[%arg0, %mul3A_8, %dma_wait3A_494] : memref<2x10000x32xf32, #tpu.memory_space<hbm>> -> memref<1x624x32xf32, #tpu.memory_space<hbm>>
      %dma_wait3A_496 = tpu.memref_squeeze %dma_wait3A_495 : memref<1x624x32xf32, #tpu.memory_space<hbm>> -> memref<624x32xf32, #tpu.memory_space<hbm>>
      %dma_wait3A_497 = arith.constant 0 : i32
      %dma_wait3A_498 = tpu.memref_slice %arg14[%mul3A_8, %dma_wait3A_497] : memref<10000x32xf32, #tpu.memory_space<vmem_shared>> -> memref<624x32xf32, #tpu.memory_space<vmem_shared>>
      tpu.wait_dma2 semaphore(%run_scoped3A : memref<!tpu.dma_semaphore, #tpu.memory_space<semaphore_mem>>) src(%dma_wait3A_498 : memref<624x32xf32, #tpu.memory_space<vmem_shared>>) dst(%dma_wait3A_496 : memref<624x32xf32, #tpu.memory_space<hbm>>)
      tpu.yield
    }) : () -> ()
    %eq3A_484 = arith.constant 15 : i32
    %eq3A_485 = arith.cmpi eq, %arg1, %eq3A_484 : i32
    %convert_element_type3A_486 = arith.extui %eq3A_485 : i1 to i32
    %cond3A_487 = arith.constant 0 : i32
    %cond3A_488 = arith.cmpi ne, %convert_element_type3A_486, %cond3A_487 : i32
    scf.if %cond3A_488 {
      "tpu.region"() ({
        %run_scoped3A = tpu.sem_alloc : memref<!tpu.dma_semaphore, #tpu.memory_space<semaphore_mem>>
        %dma_start3A_489 = arith.constant 9984 : i32
        %dma_start3A_490 = arith.constant 0 : i32
        %dma_start3A_491 = tpu.memref_slice %arg5[%arg0, %dma_start3A_489, %dma_start3A_490] : memref<2x10000x128xf32, #tpu.memory_space<hbm>> -> memref<1x16x128xf32, #tpu.memory_space<hbm>>
        %dma_start3A_492 = tpu.memref_squeeze %dma_start3A_491 : memref<1x16x128xf32, #tpu.memory_space<hbm>> -> memref<16x128xf32, #tpu.memory_space<hbm>>
        %dma_start3A_493 = arith.constant 9984 : i32
        %dma_start3A_494 = arith.constant 0 : i32
        %dma_start3A_495 = tpu.memref_slice %arg13[%dma_start3A_493, %dma_start3A_494] : memref<10000x128xf32, #tpu.memory_space<vmem_shared>> -> memref<16x128xf32, #tpu.memory_space<vmem_shared>>
        tpu.enqueue_dma source(%dma_start3A_495 : memref<16x128xf32, #tpu.memory_space<vmem_shared>>) target(%dma_start3A_492 : memref<16x128xf32, #tpu.memory_space<hbm>>) target_semaphore(%run_scoped3A : memref<!tpu.dma_semaphore, #tpu.memory_space<semaphore_mem>>)
        %dma_wait3A_496 = arith.constant 9984 : i32
        %dma_wait3A_497 = arith.constant 0 : i32
        %dma_wait3A_498 = tpu.memref_slice %arg5[%arg0, %dma_wait3A_496, %dma_wait3A_497] : memref<2x10000x128xf32, #tpu.memory_space<hbm>> -> memref<1x16x128xf32, #tpu.memory_space<hbm>>
        %dma_wait3A_499 = tpu.memref_squeeze %dma_wait3A_498 : memref<1x16x128xf32, #tpu.memory_space<hbm>> -> memref<16x128xf32, #tpu.memory_space<hbm>>
        %dma_wait3A_500 = arith.constant 9984 : i32
        %dma_wait3A_501 = arith.constant 0 : i32
        %dma_wait3A_502 = tpu.memref_slice %arg13[%dma_wait3A_500, %dma_wait3A_501] : memref<10000x128xf32, #tpu.memory_space<vmem_shared>> -> memref<16x128xf32, #tpu.memory_space<vmem_shared>>
        tpu.wait_dma2 semaphore(%run_scoped3A : memref<!tpu.dma_semaphore, #tpu.memory_space<semaphore_mem>>) src(%dma_wait3A_502 : memref<16x128xf32, #tpu.memory_space<vmem_shared>>) dst(%dma_wait3A_499 : memref<16x128xf32, #tpu.memory_space<hbm>>)
        tpu.yield
      }) : () -> ()
      "tpu.region"() ({
        %run_scoped3A = tpu.sem_alloc : memref<!tpu.dma_semaphore, #tpu.memory_space<semaphore_mem>>
        %dma_start3A_489 = arith.constant 9984 : i32
        %dma_start3A_490 = arith.constant 0 : i32
        %dma_start3A_491 = tpu.memref_slice %arg6[%arg0, %dma_start3A_489, %dma_start3A_490] : memref<2x10000x32xf32, #tpu.memory_space<hbm>> -> memref<1x16x32xf32, #tpu.memory_space<hbm>>
        %dma_start3A_492 = tpu.memref_squeeze %dma_start3A_491 : memref<1x16x32xf32, #tpu.memory_space<hbm>> -> memref<16x32xf32, #tpu.memory_space<hbm>>
        %dma_start3A_493 = arith.constant 9984 : i32
        %dma_start3A_494 = arith.constant 0 : i32
        %dma_start3A_495 = tpu.memref_slice %arg14[%dma_start3A_493, %dma_start3A_494] : memref<10000x32xf32, #tpu.memory_space<vmem_shared>> -> memref<16x32xf32, #tpu.memory_space<vmem_shared>>
        tpu.enqueue_dma source(%dma_start3A_495 : memref<16x32xf32, #tpu.memory_space<vmem_shared>>) target(%dma_start3A_492 : memref<16x32xf32, #tpu.memory_space<hbm>>) target_semaphore(%run_scoped3A : memref<!tpu.dma_semaphore, #tpu.memory_space<semaphore_mem>>)
        %dma_wait3A_496 = arith.constant 9984 : i32
        %dma_wait3A_497 = arith.constant 0 : i32
        %dma_wait3A_498 = tpu.memref_slice %arg6[%arg0, %dma_wait3A_496, %dma_wait3A_497] : memref<2x10000x32xf32, #tpu.memory_space<hbm>> -> memref<1x16x32xf32, #tpu.memory_space<hbm>>
        %dma_wait3A_499 = tpu.memref_squeeze %dma_wait3A_498 : memref<1x16x32xf32, #tpu.memory_space<hbm>> -> memref<16x32xf32, #tpu.memory_space<hbm>>
        %dma_wait3A_500 = arith.constant 9984 : i32
        %dma_wait3A_501 = arith.constant 0 : i32
        %dma_wait3A_502 = tpu.memref_slice %arg14[%dma_wait3A_500, %dma_wait3A_501] : memref<10000x32xf32, #tpu.memory_space<vmem_shared>> -> memref<16x32xf32, #tpu.memory_space<vmem_shared>>
        tpu.wait_dma2 semaphore(%run_scoped3A : memref<!tpu.dma_semaphore, #tpu.memory_space<semaphore_mem>>) src(%dma_wait3A_502 : memref<16x32xf32, #tpu.memory_space<vmem_shared>>) dst(%dma_wait3A_499 : memref<16x32xf32, #tpu.memory_space<hbm>>)
        tpu.yield
      }) : () -> ()
    } else {
    }
    return
  }
}

module attributes {stable_mosaic.version = 14 : i64} {
  func.func @_tc_body(%arg0: i32, %arg1: memref<1000x128xf32, #tpu.memory_space<vmem>>, %arg2: memref<2x1000x128xf32, #tpu.memory_space<vmem>>, %arg3: memref<2x1000x32xf32, #tpu.memory_space<vmem>>, %arg4: memref<128x128xf32, #tpu.memory_space<vmem>>, %arg5: memref<128x128xf32, #tpu.memory_space<vmem>>, %arg6: memref<32x128xf32, #tpu.memory_space<vmem>>, %arg7: memref<1x128xf32, #tpu.memory_space<vmem>>, %arg8: memref<1000x128xf32, #tpu.memory_space<vmem>>) attributes {dimension_semantics = [#tpu.dimension_semantics<arbitrary>], iteration_bounds = array<i64: 10>, scalar_prefetch = 0 : i64, scratch_operands = 0 : i64, tpu.core_type = #tpu.core_type<tc>, window_params = [{transform_indices = @transform_0, window_bounds = array<i64: 1000, 128>}, {transform_indices = @transform_1, window_bounds = array<i64: 2, 1000, 128>}, {transform_indices = @transform_2, window_bounds = array<i64: 2, 1000, 32>}, {pipeline_mode = #tpu.pipeline_mode<synchronous>, transform_indices = @transform_3, window_bounds = array<i64: 128, 128>}, {pipeline_mode = #tpu.pipeline_mode<synchronous>, transform_indices = @transform_4, window_bounds = array<i64: 128, 128>}, {pipeline_mode = #tpu.pipeline_mode<synchronous>, transform_indices = @transform_5, window_bounds = array<i64: 32, 128>}, {pipeline_mode = #tpu.pipeline_mode<synchronous>, transform_indices = @transform_6, window_bounds = array<i64: 1, 128>}, {transform_indices = @transform_7, window_bounds = array<i64: 1000, 128>}]} {
    %get3A = arith.constant 0 : index
    %get3A_0 = arith.constant 0 : index
    %get3A_1 = vector.load %arg1[%get3A, %get3A_0] : memref<1000x128xf32, #tpu.memory_space<vmem>>, vector<1000x128xf32>
    %get3A_2 = arith.constant 0 : index
    %get3A_3 = arith.constant 0 : index
    %get3A_4 = vector.load %arg4[%get3A_2, %get3A_3] : memref<128x128xf32, #tpu.memory_space<vmem>>, vector<128x128xf32>
    %dot_general3A = arith.constant dense<0.000000e+00> : vector<1000x128xf32>
    %dot_general3A_5 = tpu.matmul %get3A_1, %get3A_4, %dot_general3A {dimension_numbers = #tpu.dot_dimension_numbers<[1], [0], [0], [1], [0, 0, 1, 1], [], []>, transpose_lhs_hint = false} : vector<1000x128xf32>, vector<128x128xf32>, vector<1000x128xf32> -> vector<1000x128xf32>
    %get3A_6 = arith.constant 0 : index
    %get3A_7 = arith.constant 0 : index
    %get3A_8 = arith.constant 0 : index
    %get3A_9 = vector.load %arg2[%get3A_6, %get3A_7, %get3A_8] : memref<2x1000x128xf32, #tpu.memory_space<vmem>>, vector<1x1000x128xf32>
    %get3A_10 = vector.shape_cast %get3A_9 : vector<1x1000x128xf32> to vector<1000x128xf32>
    %get3A_11 = arith.constant 1 : index
    %get3A_12 = arith.constant 0 : index
    %get3A_13 = arith.constant 0 : index
    %get3A_14 = vector.load %arg2[%get3A_11, %get3A_12, %get3A_13] : memref<2x1000x128xf32, #tpu.memory_space<vmem>>, vector<1x1000x128xf32>
    %get3A_15 = vector.shape_cast %get3A_14 : vector<1x1000x128xf32> to vector<1000x128xf32>
    %add3A = arith.addf %get3A_10, %get3A_15 : vector<1000x128xf32>
    %get3A_16 = arith.constant 0 : index
    %get3A_17 = arith.constant 0 : index
    %get3A_18 = vector.load %arg5[%get3A_16, %get3A_17] : memref<128x128xf32, #tpu.memory_space<vmem>>, vector<128x128xf32>
    %dot_general3A_19 = arith.constant dense<0.000000e+00> : vector<1000x128xf32>
    %dot_general3A_20 = tpu.matmul %add3A, %get3A_18, %dot_general3A_19 {dimension_numbers = #tpu.dot_dimension_numbers<[1], [0], [0], [1], [0, 0, 1, 1], [], []>, transpose_lhs_hint = false} : vector<1000x128xf32>, vector<128x128xf32>, vector<1000x128xf32> -> vector<1000x128xf32>
    %add3A_21 = arith.addf %dot_general3A_5, %dot_general3A_20 : vector<1000x128xf32>
    %get3A_22 = arith.constant 0 : index
    %get3A_23 = arith.constant 0 : index
    %get3A_24 = arith.constant 0 : index
    %get3A_25 = vector.load %arg3[%get3A_22, %get3A_23, %get3A_24] : memref<2x1000x32xf32, #tpu.memory_space<vmem>>, vector<1x1000x32xf32>
    %get3A_26 = vector.shape_cast %get3A_25 : vector<1x1000x32xf32> to vector<1000x32xf32>
    %get3A_27 = arith.constant 1 : index
    %get3A_28 = arith.constant 0 : index
    %get3A_29 = arith.constant 0 : index
    %get3A_30 = vector.load %arg3[%get3A_27, %get3A_28, %get3A_29] : memref<2x1000x32xf32, #tpu.memory_space<vmem>>, vector<1x1000x32xf32>
    %get3A_31 = vector.shape_cast %get3A_30 : vector<1x1000x32xf32> to vector<1000x32xf32>
    %add3A_32 = arith.addf %get3A_26, %get3A_31 : vector<1000x32xf32>
    %get3A_33 = arith.constant 0 : index
    %get3A_34 = arith.constant 0 : index
    %get3A_35 = vector.load %arg6[%get3A_33, %get3A_34] : memref<32x128xf32, #tpu.memory_space<vmem>>, vector<32x128xf32>
    %dot_general3A_36 = arith.constant dense<0.000000e+00> : vector<1000x128xf32>
    %dot_general3A_37 = tpu.matmul %add3A_32, %get3A_35, %dot_general3A_36 {dimension_numbers = #tpu.dot_dimension_numbers<[1], [0], [0], [1], [0, 0, 1, 1], [], []>, transpose_lhs_hint = false} : vector<1000x32xf32>, vector<32x128xf32>, vector<1000x128xf32> -> vector<1000x128xf32>
    %add3A_38 = arith.addf %add3A_21, %dot_general3A_37 : vector<1000x128xf32>
    %get3A_39 = arith.constant 0 : index
    %get3A_40 = arith.constant 0 : index
    %get3A_41 = vector.load %arg7[%get3A_39, %get3A_40] : memref<1x128xf32, #tpu.memory_space<vmem>>, vector<1x128xf32>
    %add3A_42 = vector.broadcast %get3A_41 : vector<1x128xf32> to vector<1000x128xf32>
    %add3A_43 = arith.addf %add3A_38, %add3A_42 : vector<1000x128xf32>
    %swap3A = arith.constant 0 : index
    %swap3A_44 = arith.constant 0 : index
    %swap3A_45 = vector.load %arg8[%swap3A, %swap3A_44] : memref<1000x128xf32, #tpu.memory_space<vmem>>, vector<1000x128xf32>
    tpu.vector_store %arg8[%swap3A, %swap3A_44], %add3A_43 {strides = array<i32>} : memref<1000x128xf32, #tpu.memory_space<vmem>>, vector<1000x128xf32>,
    return
  }
  func.func @transform_0(%arg0: i32) -> (i32, i32) {
    %c0_i32 = arith.constant 0 : i32
    %c0_i32_0 = arith.constant 0 : i32
    return %arg0, %c0_i32 : i32, i32
  }
  func.func @transform_1(%arg0: i32) -> (i32, i32, i32) {
    %c0_i32 = arith.constant 0 : i32
    %c0_i32_0 = arith.constant 0 : i32
    %c0_i32_1 = arith.constant 0 : i32
    return %c0_i32, %arg0, %c0_i32_0 : i32, i32, i32
  }
  func.func @transform_2(%arg0: i32) -> (i32, i32, i32) {
    %c0_i32 = arith.constant 0 : i32
    %c0_i32_0 = arith.constant 0 : i32
    %c0_i32_1 = arith.constant 0 : i32
    return %c0_i32, %arg0, %c0_i32_0 : i32, i32, i32
  }
  func.func @transform_3(%arg0: i32) -> (i32, i32) {
    %c0_i32 = arith.constant 0 : i32
    %c0_i32_0 = arith.constant 0 : i32
    %c0_i32_1 = arith.constant 0 : i32
    return %c0_i32, %c0_i32_0 : i32, i32
  }
  func.func @transform_4(%arg0: i32) -> (i32, i32) {
    %c0_i32 = arith.constant 0 : i32
    %c0_i32_0 = arith.constant 0 : i32
    %c0_i32_1 = arith.constant 0 : i32
    return %c0_i32, %c0_i32_0 : i32, i32
  }
  func.func @transform_5(%arg0: i32) -> (i32, i32) {
    %c0_i32 = arith.constant 0 : i32
    %c0_i32_0 = arith.constant 0 : i32
    %c0_i32_1 = arith.constant 0 : i32
    return %c0_i32, %c0_i32_0 : i32, i32
  }
  func.func @transform_6(%arg0: i32) -> (i32, i32) {
    %c0_i32 = arith.constant 0 : i32
    %c0_i32_0 = arith.constant 0 : i32
    %c0_i32_1 = arith.constant 0 : i32
    return %c0_i32, %c0_i32_0 : i32, i32
  }
  func.func @transform_7(%arg0: i32) -> (i32, i32) {
    %c0_i32 = arith.constant 0 : i32
    %c0_i32_0 = arith.constant 0 : i32
    return %arg0, %c0_i32 : i32, i32
  }
}

</mosaic_0001>

<sc_bundles>
// kernel: kernel.4.cloned.1.call-start
scs
__scs_entry_jumppad:
0x0: {  	(pc) =	sbr.rel $0x88, $3  }
0x1: {  	(tag) =	ssettag $0x0;
	lr =	simm.s32 $0x1  }
0x2: {  	[smem:$0x3F98] =	sst lr;
	_ =	strace $0xD0000000  }
0x3: {  	_ = 	snop  }
0x4: {  	_ = 	snop  }
0x5: {  	_ = 	snop  }
0x6: {  	_ = 	snop  }
0x7: {  	_ = 	snop  }
__scs_overlays_trampoline_lowered:
0x8: {  	[smem:$0x3FA7] =	sst s0  }
0x9: {  	[smem:$0x3FA8] =	sst s1  }
0xa: {  	[smem:$0x3FA9] =	sst s2  }
0xb: {  	[smem:$0x3FAA] =	sst s3  }
0xc: {  	[smem:$0x3FAB] =	sst s4  }
0xd: {  	[smem:$0x3FAC] =	sst s5  }
0xe: {  	[smem:$0x3FAD] =	sst s6  }
0xf: {  	[smem:$0x3FAE] =	sst s7  }
0x10: {  	[smem:$0x3FAF] =	sst s8  }
0x11: {  	[smem:$0x3FB0] =	sst s9;
	s0 =	simm.s32 @!p0 $0x0  }
0x12: {  	s1 =	sld [smem:$0x3F96];
	s0 =	simm.s32 @p0 $0x1  }
0x13: {  	[smem:$0x3FB1] =	sst s0;
	s0 =	simm.s32 @!p1 $0x0  }
0x14: {  	s2 =	sld [smem:$0x3F95];
	s0 =	simm.s32 @p1 $0x1  }
0x15: {  	[smem:$0x3FB2] =	sst s0;
	s0 =	simm.s32 @!p2 $0x0  }
0x16: {  	s3 =	sld [smem:$0x3FDB];
	s0 =	simm.s32 @p2 $0x1  }
0x17: {  	s4 =	simm.s32 $0x1BF5;
	[smem:$0x3FB4] =	sst s0  }
0x18: {  	s0 =	sld [smem:$0x3F97];
	_ =	swait.ge [sflag:s4], $0x0  }
0x19: {  	s7 =	sld [smem:$0x3F98]  }
0x1a: {  	s8 =	sadd.s32 $0xFFFFE003, lr  }
0x1b: {  	s9 =	sadd.s32 $0xFFFFFEF7, lr;
	s5 =	simm.s32 $0xFFFFFFFF;
	p2 =	slt.u32 s8, $0xFFFFF086  }
0x1c: {  	p1 =	slt.u32 s9, $0xF7A;
	s5 =	simm.s32 @!p2 $0x0  }
0x1d: {  	s5 =	simm.s32 @p1 $0x1;
	p0 =	seq.s32 s7, s2  }
0x1e: {  	s7 =	smul.u32 @!p0 $0xF7A, s2;
	p2 =	seq.s32 @!p0 s5, $0x0  }
0x1f: {  	s9 =	smul.u32 $0xF7A, s1;
	s8 =	simm.s32 @!p0 $0x1BF5;
	p2 =	por !p2, p0  }
0x20: {  	[sflag:s8] =	ssyncset.s32 @!p0 $0xFFFFF086;
	s6 =	sadd.s32 @!p0 s3, s7;
	s7 =	simm.s32 @!p0 $0x108  }
0x21: {  	s3 =	sadd.s32 s3, s9;
	s6 =	sadd.s32 @!p0 $0x88, s6;
	s7 =	simm.s32 @p2 $0x1082  }
0x22: {  	[simem:s7], [sflag:s8] =	dma.local @!p0 [hbm:s6], $0xF7A  }
0x23: {  	s9 =	sor.u32 $0xD0000000, s2;
	s6 =	simm.s32 $0x108;
	_ =	swait.ge @!p0 [sflag:s8], $0x0  }
0x24: {  	s3 =	sadd.s32 $0x88, s3;
	s6 =	simm.s32 @!p1 $0x1082;
	[sflag:s4] =	ssyncset.s32 $0xFFFFF086  }
0x25: {  	[simem:s6], [sflag:s4] =	dma.local [hbm:s3], $0xF7A  }
0x26: {  	[smem:$0x3F98] =	sst s1;
	(tag) =	ssettag s2;
	_ =	strace s9  }
0x27: {  	s1 =	sld [smem:$0x3FA8]  }
0x28: {  	s2 =	sld [smem:$0x3FA9]  }
0x29: {  	s4 =	sld [smem:$0x3FAB]  }
0x2a: {  	p0 =	seq.s32 s5, $0x0;
	s5 =	sld [smem:$0x3FAC]  }
0x2b: {  	s6 =	sld [smem:$0x3FAD]  }
0x2c: {  	s7 =	sld [smem:$0x3FAE]  }
0x2d: {  	s3 =	simm.s32 $0x108;
	s8 =	sld [smem:$0x3FAF]  }
0x2e: {  	s3 =	simm.s32 @!p0 $0x1082;
	s9 =	sld [smem:$0x3FB0]  }
0x2f: {  	lr =	sadd.s32 s0, s3;
	s0 =	sld [smem:$0x3FA7]  }
0x30: {  	s3 =	sld [smem:$0x3FAA]  }
0x31: {  	[smem:$0x3FB3] =	sst s10  }
0x32: {  	s10 =	sld [smem:$0x3FB1];
	_ =	sdelay $0x3  }
0x33: {  	p0 =	seq.s32 s10, $0x1;
	s10 =	sld [smem:$0x3FB3];
	_ =	sdelay $0x3  }
0x34: {  	[smem:$0x3FB3] =	sst s10  }
0x35: {  	s10 =	sld [smem:$0x3FB2];
	_ =	sdelay $0x3  }
0x36: {  	p1 =	seq.s32 s10, $0x1;
	s10 =	sld [smem:$0x3FB3];
	_ =	sdelay $0x3  }
0x37: {  	[smem:$0x3FB3] =	sst s10  }
0x38: {  	s10 =	sld [smem:$0x3FB4]  }
0x39: {  	_ = 	snop;
	(pc) =	sbr.ind lr, $3  }
0x3a: {  	_ = 	snop  }
0x3b: {  	_ = 	snop  }
0x3c: {  	p2 =	seq.s32 s10, $0x1;
	s10 =	sld [smem:$0x3FB3]  }
0x3d: {  	_ =	shalt  }
0x3e: {  	_ =	shalt  }
0x3f: {  	_ =	shalt  }
0x40: {  	_ =	shalt  }
0x41: {  	_ =	shalt  }
0x42: {  	_ =	shalt  }
0x43: {  	_ =	shalt  }
0x44: {  	_ =	shalt  }
0x45: {  	_ =	shalt  }
0x46: {  	_ =	shalt  }
0x47: {  	_ =	shalt  }
0x48: {  	_ =	shalt  }
0x49: {  	_ =	shalt  }
0x4a: {  	_ =	shalt  }
0x4b: {  	_ =	shalt  }
0x4c: {  	_ =	shalt  }
0x4d: {  	_ =	shalt  }
0x4e: {  	_ =	shalt  }
0x4f: {  	_ =	shalt  }
0x50: {  	_ =	shalt  }
0x51: {  	_ =	shalt  }
0x52: {  	_ =	shalt  }
0x53: {  	_ =	shalt  }
0x54: {  	_ =	shalt  }
0x55: {  	_ =	shalt  }
0x56: {  	_ =	shalt  }
0x57: {  	_ =	shalt  }
0x58: {  	_ =	shalt  }
0x59: {  	_ =	shalt  }
0x5a: {  	_ =	shalt  }
0x5b: {  	_ =	shalt  }
0x5c: {  	_ =	shalt  }
0x5d: {  	_ =	shalt  }
0x5e: {  	_ =	shalt  }
0x5f: {  	_ =	shalt  }
0x60: {  	_ =	shalt  }
0x61: {  	_ =	shalt  }
0x62: {  	_ =	shalt  }
0x63: {  	_ =	shalt  }
0x64: {  	_ =	shalt  }
0x65: {  	_ =	shalt  }
0x66: {  	_ =	shalt  }
0x67: {  	_ =	shalt  }
0x68: {  	_ =	shalt  }
0x69: {  	_ =	shalt  }
0x6a: {  	_ =	shalt  }
0x6b: {  	_ =	shalt  }
0x6c: {  	_ =	shalt  }
0x6d: {  	_ =	shalt  }
0x6e: {  	_ =	shalt  }
0x6f: {  	_ =	shalt  }
0x70: {  	_ =	shalt  }
0x71: {  	_ =	shalt  }
0x72: {  	_ =	shalt  }
0x73: {  	_ =	shalt  }
0x74: {  	_ =	shalt  }
0x75: {  	_ =	shalt  }
0x76: {  	_ =	shalt  }
0x77: {  	_ =	shalt  }
0x78: {  	_ =	shalt  }
0x79: {  	_ =	shalt  }
0x7a: {  	_ =	shalt  }
0x7b: {  	_ =	shalt  }
0x7c: {  	_ =	shalt  }
0x7d: {  	_ =	shalt  }
0x7e: {  	_ =	shalt  }
0x7f: {  	_ =	shalt  }
0x80: {  	_ =	shalt  }
0x81: {  	_ =	shalt  }
0x82: {  	_ =	shalt  }
0x83: {  	_ =	shalt  }
0x84: {  	_ =	shalt  }
0x85: {  	_ =	shalt  }
0x86: {  	_ =	shalt  }
0x87: {  	_ =	shalt  }
.Lfunc_end0:
.L_simem_size_0:
called_computation_lowered:
.L_overlay_start_0:
0x88: {  	s2 =	sld [smem:$0x3FD9]  }
0x89: {  	s3 =	sld [smem:$0x3FFE];
	_ =	sdelay $0x1  }
0x8a: {  	s1 =	srdreg.scid  }
0x8b: {  	s0 =	sand.u32 $0x1, s1  }
0x8c: {  	s17 =	sshll.u32 s0, $0xA;
	s2 =	sadd.s32 s3, s2  }
0x8d: {  	s2 =	sadd.s32 s2, s17  }
0x8e: {  	[smem:$0x3FBF] =	sst s2  }
0x8f: {  	_ = 	snop  }
0x90: {  	s2 =	sld [smem:$0x3FC9]  }
0x91: {  	s18 =	sld [smem:$0x3FD0];
	(tm) =	ssettm $0x1  }
0x92: {  	s4 =	sld [smem:$0x3FFB];
	_ =	sdelay $0x3  }
0x93: {  	_ =	strace s4  }
0x94: {  	s4 =	sld [smem:$0x3FFC];
	_ =	sdelay $0x3  }
0x95: {  	_ =	strace s4  }
0x96: {  	s4 =	sld [smem:$0x3FFD];
	_ =	sdelay $0x3  }
0x97: {  	_ =	strace s4  }
0x98: {  	_ =	strace $0x8FFFFFFF  }
0x99: {  	s19 =	sld [smem:$0x3FDB];
	_ =	sdelay $0x1  }
0x9a: {  	s5 =	simm.s32 $_scs_section_size  }
0x9b: {  	s6 =	simm.s32 $_size__tile_overlayer_lowered;
	s7 =	simm.s32 $_tile_overlayer_lowered  }
0x9c: {  	s22 =	simm.s32 $0x1BFF;
	s21 =	sshll.u32 s7, $0x1;
	s4 =	sadd.s32 s5, s19  }
0x9d: {  	s8 =	simm.s32 $0x0;
	s20 =	sshll.u32 s6, $0x1;
	s6 =	sadd.s32 s21, s4  }
0x9e: {  	[timem:s8], [sflag:s22] =	dma.local [hbm:s6], s20  }
0x9f: {  	_ =	swait.ge [sflag:s22], s20  }
0xa0: {  	s5 =	ssub.s32 $0x0, s20;
	[sflag:s22] =	ssyncset.done $0x0  }
0xa1: {  	[sflag:s22] =	ssyncadd.s32 s5;
	_ =	sdelay $0x1  }
0xa2: {  	s23 =	simm.s32 $0x1B8B  }
0xa3: {  	_ =	swait.ge [sflag:s23], $0x1  }
0xa4: {  	[sflag:s23] =	ssyncset.done $0x0  }
0xa5: {  	s25 =	simm.s32 $0x1B8E;
	s24 =	sld [smem:$0x3FFE];
	[sflag:s23] =	ssyncadd.s32 $0xFFFFFFFF  }
0xa6: {  	s26 =	simm.s32 $execute0_lowered;
	[smem:$0x3FD2] =	sst s25  }
0xa7: {  	s6 =	sshll.u32 s26, $0x1;
	_ =	strace $0x80000046;
	[dreg:$0x1] =	wrdreg $0xFFFFFFFF  }
0xa8: {  	s28 =	simm.s32 $_size_execute0_lowered;
	s4 =	sadd.s32 s4, s6;
	[dreg:$0x0] =	wrdreg $0x0  }
0xa9: {  	s6 =	sshll.u32 s28, $0x1;
	[dreg:$0x2] =	wrdreg s4  }
0xaa: {  	[dreg:$0x3] =	wrdreg s6  }
0xab: {  	[dreg:$0x4] =	wrdreg $0xC0  }
0xac: {  	_ =	task [dreg:s8], $0x5FFFF  }
0xad: {  	[dreg:$0x1] =	wrdreg $0xFFFFFFFF  }
0xae: {  	[dreg:$0x0] =	wrdreg $0x60  }
0xaf: {  	[dreg:$0x2] =	wrdreg s2  }
0xb0: {  	[dreg:$0x3] =	wrdreg s18  }
0xb1: {  	[dreg:$0x4] =	wrdreg s24  }
0xb2: {  	[dreg:$0x5] =	wrdreg $0x6A400  }
0xb3: {  	[dreg:$0x6] =	wrdreg $0x1A2C00  }
0xb4: {  	[dreg:$0x7] =	wrdreg $0x9  }
0xb5: {  	_ =	task.clear_ibuf [dreg:s8], $0x8FFFF;
	_ =	strace $0x90000046  }
0xb6: {  	s29 =	simm.s32 $0x9;
	_ =	strace $0x80000048  }
0xb7: {  	_ =	swait.ge [sflag:s29], $0x1  }
0xb8: {  	[sflag:s29] =	ssyncadd.s32 $0xFFFFFFFF  }
0xb9: {  	_ =	strace $0x90000048  }
0xba: {  	_ =	sfence  }
0xbb: {  	s30 =	sld [smem:$0x0];
	_ =	sdelay $0x2  }
0xbc: {  	s31 =	sshll.u32 s1, $0xD;
	s1 =	sshrl.u32 s1, $0x2  }
0xbd: {  	s3 =	sand.u32 $0x4000, s31;
	s1 =	sadd.s32 s1, s30  }
0xbe: {  	s0 =	sor.u32 s3, s0;
	s1 =	sshll.u32 s1, $0x11  }
0xbf: {  	s0 =	sor.u32 s1, s0  }
0xc0: {  	s0 =	sadd.s32 $0x8F2B, s0  }
0xc1: {  	[sflag:s0] =	ssyncadd.remote.s32 $0x1  }
0xc2: {  	_ =	sfence.sel $0xFFFF  }
0xc3: {  	[dreg:$0x0] =	wrdreg $0xFFFFFFFF;
	(pc) =	sbr.abs _section_cstart, $3  }
0xc4: {  	[dreg:$0x1] =	wrdreg $0xFFFFFFFF  }
0xc5: {  	_ =	task.clear_ibuf [dreg:s8], $0x2FFFF;
	_ =	strace $0x9FFFFFFF  }
0xc6: {  	(tm) =	ssettm $0x7FFFFFFF  }
0xc7: {  	_ =	shalt  }
tec
execute0_lowered:
.L_overlay_start_1:
0x0: {  	(tag) =	ssettag $0x1  }
0x1: {  	s1 =	rddreg [dreg:$0x0]  }
0x2: {  	s18 =	rddreg [dreg:$0x1]  }
0x3: {  	s0 =	rddreg [dreg:$0x2]  }
0x4: {  	s3 =	rddreg [dreg:$0x3]  }
0x5: {  	s4 =	rddreg [dreg:$0x4];
	s5 =	simm.s32 $0x0;
	s2 =	srdreg.scid  }
0x6: {  	s19 =	stileid.u32;
	s31 =	simm.s32 $0x4;
	[smem:$0x7FF] =	sst s5  }
0x7: {  	s7 =	sadd.s32 $0x4E4000, s0;
	s6 =	sadd.s32 $0x15A00, s0;
	s8 =	smul.u32 $0x270, s19  }
0x8: {  	s2 =	sand.u32 $0x1, s2;
	s9 =	sadd.s32 $0x2000, s0;
	s10 =	smul.u32 $0x13800, s19  }
0x9: {  	s13 =	smul.u32 $0x4E00, s19;
	p0 =	sne.s32 s19, $0xF;
	_ =	strace $0x80000047  }
0xa: {  	s24 =	ssub.s32 $0x2, s2;
	s12 =	sshll.u32 s2, $0x4;
	s17 =	smul.u32 $0x138800, s2  }
0xb: {  	s2 =	smul.u32 $0x4E200, s2;
	s11 =	sshrl.u32 s24, $0x1;
	s25 =	sadd.s32 $0x50, s8  }
0xc: {  	s21 =	sadd.s32 s10, s3;
	s29 =	sadd.s32 s13, s4;
	s26 =	sadd.s32 $0xA0, s8  }
0xd: {  	s15 =	sadd.s32 $0xF0, s8;
	s23 =	sadd.s32 $0x140, s8;
	s0 =	ssub.s32 s24, s11  }
0xe: {  	s11 =	sor.u32 s19, s12;
	s14 =	sshll.u32 s25, $0x7;
	s12 =	sshll.u32 s25, $0x5  }
0xf: {  	s30 =	sshll.u32 s26, $0x7;
	s16 =	sshll.u32 s15, $0x7;
	s22 =	sshll.u32 s15, $0x5  }
0x10: {  	s10 =	sadd.s32 s10, s17;
	s24 =	sshrl.u32 s17, $0x3;
	[dreg:$0x6] =	wrdreg s21  }
0x11: {  	s25 =	sshll.u32 s23, $0x7;
	s19 =	simm.s32 $0x3;
	[dreg:$0x7] =	wrdreg s29  }
0x12: {  	s14 =	sadd.s32 s14, s3;
	s12 =	sadd.s32 s12, s4;
	s20 =	sadd.s32 s16, s3  }
0x13: {  	s10 =	sshrl.u32 s10, $0x3;
	s16 =	sadd.s32 $0x1E0, s8;
	[dreg:$0x8] =	wrdreg s14  }
0x14: {  	s0 =	smax.u32 s0, $0x1;
	[dreg:$0x9] =	wrdreg s12;
	s14 =	sshll.u32 s26, $0x5  }
0x15: {  	s12 =	sadd.s32 s30, s3;
	[dreg:$0xc] =	wrdreg s20;
	s10 =	sadd.s32 s6, s10  }
0x16: {  	s6 =	sadd.s32 s6, s24;
	s26 =	sadd.s32 s13, s2;
	s30 =	sshll.u32 s23, $0x5  }
0x17: {  	s2 =	sshrl.u32 s2, $0x3;
	s13 =	sadd.s32 $0x190, s8;
	[smem:$0x7FA] =	sst s0  }
0x18: {  	s17 =	sshll.u32 s16, $0x7;
	s8 =	sadd.s32 $0x230, s8;
	[dreg:$0xa] =	wrdreg s12  }
0x19: {  	s14 =	sadd.s32 s14, s4;
	[dreg:$0xd] =	wrdreg s10;
	s12 =	sadd.s32 s22, s4  }
0x1a: {  	s10 =	sadd.s32 s25, s3;
	s2 =	sadd.s32 s9, s2;
	[dreg:$0xb] =	wrdreg s14  }
0x1b: {  	s15 =	sshll.u32 s13, $0x7;
	s20 =	sadd.s32 s17, s3;
	[dreg:$0xe] =	wrdreg s12  }
0x1c: {  	s22 =	sshll.u32 s16, $0x5;
	s23 =	sshll.u32 s8, $0x7;
	[dreg:$0xf] =	wrdreg s10  }
0x1d: {  	s25 =	smul.u32 $0x4E20, s11;
	s6 =	sadd.s32 $0x27000, s6;
	[dreg:$0x14] =	wrdreg s20  }
0x1e: {  	s8 =	sshll.u32 s8, $0x5;
	s14 =	sadd.s32 s30, s4;
	[smem:$0x7F8] =	sst s6  }
0x1f: {  	s10 =	sshrl.u32 s26, $0x3;
	s24 =	sadd.s32 s23, s3;
	[dreg:$0x11] =	wrdreg s14  }
0x20: {  	s12 =	smul.u32 $0x2710, s11;
	s8 =	sadd.s32 s8, s4;
	[dreg:$0x16] =	wrdreg s24  }
0x21: {  	s26 =	smul.u32 $0x27100, s11;
	s2 =	sadd.s32 $0x9C00, s2;
	[dreg:$0x17] =	wrdreg s8  }
0x22: {  	s6 =	simm.s32 $0x0;
	s10 =	sadd.s32 s9, s10;
	[smem:$0x7F9] =	sst s2  }
0x23: {  	s9 =	sshll.u32 s13, $0x5;
	[dreg:$0x10] =	wrdreg s10;
	s10 =	sadd.s32 s15, s3  }
0x24: {  	s28 =	sadd.s32 s7, s25;
	s9 =	sadd.s32 s9, s4;
	[dreg:$0x12] =	wrdreg s10  }
0x25: {  	s2 =	simm.s32 $0x320;
	s14 =	sadd.s32 $0x50, s12;
	[dreg:$0x13] =	wrdreg s9  }
0x26: {  	s30 =	sshrl.u32 s12, $0x3;
	s15 =	sadd.s32 $0x190, s12;
	[dreg:$0x19] =	wrdreg s14  }
0x27: {  	s13 =	sshrl.u32 s26, $0x3;
	s16 =	sadd.s32 $0xA0, s12;
	[dreg:$0x1a] =	wrdreg s15  }
0x28: {  	s17 =	sadd.s32 $0xF0, s12;
	s20 =	sadd.s32 $0x1E0, s12;
	[dreg:$0x1b] =	wrdreg s16  }
0x29: {  	s23 =	sadd.s32 $0x230, s12;
	s24 =	sadd.s32 $0x280, s12;
	[dreg:$0x1c] =	wrdreg s17  }
0x2a: {  	s25 =	sadd.s32 $0x2D0, s12;
	s26 =	sadd.s32 $0x4E000, s4;
	[dreg:$0x1e] =	wrdreg s20  }
0x2b: {  	s9 =	sadd.s32 s22, s4;
	s11 =	sadd.s32 s18, s30;
	[smem:$0x7F5] =	sst s23  }
0x2c: {  	s18 =	sadd.s32 $0x140, s12;
	s22 =	sadd.s32 $0x320, s12;
	[smem:$0x7F6] =	sst s24  }
0x2d: {  	[smem:$0x7F7] =	sst s25;
	s8 =	sadd.s32 s7, s13;
	s14 =	sadd.s32 $0x138000, s3  }
0x2e: {  	[smem:$0x7FB] =	sst s26;
	s25 =	simm.s32 $0x640;
	s20 =	simm.s32 $0x5640  }
0x2f: {  	s24 =	simm.s32 $0x5;
	s26 =	simm.s32 $0x50;
	[dreg:$0x15] =	wrdreg s9  }
0x30: {  	s23 =	simm.s32 $0x2;
	s10 =	simm.s32 $0x6;
	[dreg:$0x1d] =	wrdreg s18  }
0x31: {  	[dreg:$0x1f] =	wrdreg s22;
	s15 =	sadd.s32 $0x4BA0, s8;
	s16 =	sadd.s32 $0x4C40, s8  }
0x32: {  	s17 =	sadd.s32 $0x4CE0, s8;
	s18 =	sadd.s32 $0x4D80, s8;
	[dreg:$0x18] =	wrdreg s11  }
0x33: {  	v0 =	vimm.f32 $0.0e+00;
	vm0 =	vcmask $0x300;
	s30 =	sadd.s32 $0x9C40, s11;
	s8 =	simm.s32 $0x1;
	[smem:$0x7FD] =	sst s14  }
0x34: {  	v1 =	vsel vm0, $0x3F800000, v0;
	s22 =	simm.s32 $0x2E40;
	s9 =	simm.s32 $0x6040;
	[smem:$0x7FC] =	sst s30  }
.LBB2_1:
0x35: {  	s11 =	simm.s32 $0x680  }
0x36: {  	[tilespmem:s11+$0x20] =	vst v0  }
0x37: {  	[tilespmem:s11+$0x10] =	vst v0  }
0x38: {  	[tilespmem:s11+$0x0] =	vst v0  }
0x39: {  	[tilespmem:s11+$0xFFFFFFF0] =	vst v0  }
0x3a: {  	[tilespmem:s11+$0xFFFFFFE0] =	vst v0  }
0x3b: {  	[tilespmem:s11+$0xFFFFFFD0] =	vst v0  }
0x3c: {  	[tilespmem:s11+$0xFFFFFFC0] =	vst v0  }
0x3d: {  	s13 =	simm.s32 $0x0;
	s12 =	simm.s32 $0x80;
	[tilespmem:s11+$0x30] =	vst v0  }
.LBB2_2:
0x3e: {  	p1 =	sne.s32 s12, $0x2780;
	[tilespmem:s13+$0x5650] =	vst v0  }
0x3f: {  	s11 =	sadd.s32 $0x80, s11;
	[tilespmem:s13+$0x5640] =	vst v0  }
0x40: {  	[tilespmem:s11+$0x20] =	vst v0  }
0x41: {  	[tilespmem:s11+$0x10] =	vst v0  }
0x42: {  	[tilespmem:s11+$0x0] =	vst v0  }
.Ltmp0:
0x43: {  	[tilespmem:s11+$0xFFFFFFF0] =	vst v0;
	(pc) =	sbr.rel @p1 .LBB2_2-.Ltmp0, $4  }
0x44: {  	[tilespmem:s11+$0xFFFFFFE0] =	vst v0  }
0x45: {  	[tilespmem:s11+$0xFFFFFFD0] =	vst v0  }
0x46: {  	[tilespmem:s11+$0xFFFFFFC0] =	vst v0  }
0x47: {  	s13 =	sshra.s32 s12, $0x2;
	s12 =	sadd.s32 $0x80, s12;
	[tilespmem:s11+$0x30] =	vst v0  }
0x48: {  	[tilespmem:s13+$0x5650] =	vst v0  }
0x49: {  	[smem:$0x7F4] =	sst s6;
	[tilespmem:s13+$0x5640] =	vst v0;
	s11 =	simm.s32 $0x7  }
0x4a: {  	[spmem:s21] =	stream.linear.scatter [tilespmem:s25], [sflag:$0x7], $0x2800, $0x38;
	[tilespmem:$0x1F0E0] =	vst v63  }
0x4b: {  	_ =	swait.ge [sflag:s11], $0x2800  }
0x4c: {  	[sflag:s11] =	ssyncset.done $0x0  }
0x4d: {  	[sflag:s11] =	ssyncadd.s32 $0xFFFFD800  }
0x4e: {  	[spmem:s29] =	stream.linear.scatter [tilespmem:s20], [sflag:$0x7], $0xA00, $0x38;
	[tilespmem:$0x1F0E0] =	vst v63  }
0x4f: {  	_ =	swait.ge [sflag:s11], $0xA00  }
0x50: {  	[sflag:s11] =	ssyncset.done $0x0  }
0x51: {  	s0 =	rddreg [dreg:$0x8];
	[sflag:s11] =	ssyncadd.s32 $0xFFFFF600  }
0x52: {  	[spmem:s0] =	stream.linear.scatter [tilespmem:s25], [sflag:$0x7], $0x2800, $0x38;
	[tilespmem:$0x1F0E0] =	vst v63  }
0x53: {  	_ =	swait.ge [sflag:s11], $0x2800  }
0x54: {  	[sflag:s11] =	ssyncset.done $0x0  }
0x55: {  	s30 =	rddreg [dreg:$0x9];
	[sflag:s11] =	ssyncadd.s32 $0xFFFFD800  }
0x56: {  	[spmem:s30] =	stream.linear.scatter [tilespmem:s20], [sflag:$0x7], $0xA00, $0x38;
	[tilespmem:$0x1F0E0] =	vst v63  }
0x57: {  	_ =	swait.ge [sflag:s11], $0xA00  }
0x58: {  	[sflag:s11] =	ssyncset.done $0x0  }
0x59: {  	s6 =	rddreg [dreg:$0xa];
	[sflag:s11] =	ssyncadd.s32 $0xFFFFF600  }
0x5a: {  	[spmem:s6] =	stream.linear.scatter [tilespmem:s25], [sflag:$0x7], $0x2800, $0x38;
	[tilespmem:$0x1F0E0] =	vst v63  }
0x5b: {  	_ =	swait.ge [sflag:s11], $0x2800  }
0x5c: {  	[sflag:s11] =	ssyncset.done $0x0  }
0x5d: {  	s12 =	rddreg [dreg:$0xb];
	[sflag:s11] =	ssyncadd.s32 $0xFFFFD800  }
0x5e: {  	[spmem:s12] =	stream.linear.scatter [tilespmem:s20], [sflag:$0x7], $0xA00, $0x38;
	[tilespmem:$0x1F0E0] =	vst v63  }
0x5f: {  	_ =	swait.ge [sflag:s11], $0xA00  }
0x60: {  	[sflag:s11] =	ssyncset.done $0x0  }
0x61: {  	s13 =	rddreg [dreg:$0xc];
	[sflag:s11] =	ssyncadd.s32 $0xFFFFF600  }
0x62: {  	[spmem:s13] =	stream.linear.scatter [tilespmem:s25], [sflag:$0x7], $0x2800, $0x38;
	[tilespmem:$0x1F0E0] =	vst v63  }
0x63: {  	_ =	swait.ge [sflag:s11], $0x2800  }
0x64: {  	[sflag:s11] =	ssyncset.done $0x0  }
0x65: {  	s21 =	rddreg [dreg:$0xe];
	[sflag:s11] =	ssyncadd.s32 $0xFFFFD800  }
0x66: {  	[spmem:s21] =	stream.linear.scatter [tilespmem:s20], [sflag:$0x7], $0xA00, $0x38;
	[tilespmem:$0x1F0E0] =	vst v63  }
0x67: {  	_ =	swait.ge [sflag:s11], $0xA00  }
0x68: {  	[sflag:s11] =	ssyncset.done $0x0  }
0x69: {  	s29 =	rddreg [dreg:$0xf];
	[sflag:s11] =	ssyncadd.s32 $0xFFFFF600  }
0x6a: {  	[spmem:s29] =	stream.linear.scatter [tilespmem:s25], [sflag:$0x7], $0x2800, $0x38;
	[tilespmem:$0x1F0E0] =	vst v63  }
0x6b: {  	_ =	swait.ge [sflag:s11], $0x2800  }
0x6c: {  	[sflag:s11] =	ssyncset.done $0x0  }
0x6d: {  	s30 =	rddreg [dreg:$0x11];
	[sflag:s11] =	ssyncadd.s32 $0xFFFFD800  }
0x6e: {  	[spmem:s30] =	stream.linear.scatter [tilespmem:s20], [sflag:$0x7], $0xA00, $0x38;
	[tilespmem:$0x1F0E0] =	vst v63  }
0x6f: {  	_ =	swait.ge [sflag:s11], $0xA00  }
0x70: {  	[sflag:s11] =	ssyncset.done $0x0  }
0x71: {  	s6 =	rddreg [dreg:$0x12];
	[sflag:s11] =	ssyncadd.s32 $0xFFFFF600  }
0x72: {  	[spmem:s6] =	stream.linear.scatter [tilespmem:s25], [sflag:$0x7], $0x2800, $0x38;
	[tilespmem:$0x1F0E0] =	vst v63  }
0x73: {  	_ =	swait.ge [sflag:s11], $0x2800  }
0x74: {  	[sflag:s11] =	ssyncset.done $0x0  }
0x75: {  	s12 =	rddreg [dreg:$0x13];
	[sflag:s11] =	ssyncadd.s32 $0xFFFFD800  }
0x76: {  	[spmem:s12] =	stream.linear.scatter [tilespmem:s20], [sflag:$0x7], $0xA00, $0x38;
	[tilespmem:$0x1F0E0] =	vst v63  }
0x77: {  	_ =	swait.ge [sflag:s11], $0xA00  }
0x78: {  	[sflag:s11] =	ssyncset.done $0x0  }
0x79: {  	s13 =	rddreg [dreg:$0x14];
	[sflag:s11] =	ssyncadd.s32 $0xFFFFF600  }
0x7a: {  	[spmem:s13] =	stream.linear.scatter [tilespmem:s25], [sflag:$0x7], $0x2800, $0x38;
	[tilespmem:$0x1F0E0] =	vst v63  }
0x7b: {  	_ =	swait.ge [sflag:s11], $0x2800  }
0x7c: {  	[sflag:s11] =	ssyncset.done $0x0  }
0x7d: {  	s21 =	rddreg [dreg:$0x15];
	[sflag:s11] =	ssyncadd.s32 $0xFFFFD800  }
0x7e: {  	[spmem:s21] =	stream.linear.scatter [tilespmem:s20], [sflag:$0x7], $0xA00, $0x38;
	[tilespmem:$0x1F0E0] =	vst v63  }
0x7f: {  	_ =	swait.ge [sflag:s11], $0xA00  }
0x80: {  	[sflag:s11] =	ssyncset.done $0x0  }
0x81: {  	s29 =	rddreg [dreg:$0x16];
	[sflag:s11] =	ssyncadd.s32 $0xFFFFF600  }
0x82: {  	[spmem:s29] =	stream.linear.scatter [tilespmem:s25], [sflag:$0x7], $0x2000, $0x38;
	[tilespmem:$0x1F0E0] =	vst v63  }
0x83: {  	_ =	swait.ge [sflag:s11], $0x2000  }
0x84: {  	[sflag:s11] =	ssyncset.done $0x0  }
0x85: {  	s30 =	rddreg [dreg:$0x17];
	[sflag:s11] =	ssyncadd.s32 $0xFFFFE000  }
0x86: {  	[spmem:s30] =	stream.linear.scatter [tilespmem:s20], [sflag:$0x7], $0x800, $0x38;
	[tilespmem:$0x1F0E0] =	vst v63  }
0x87: {  	_ =	swait.ge [sflag:s11], $0x800  }
0x88: {  	[sflag:s11] =	ssyncset.done $0x0  }
0x89: {  	s0 =	simm.s32 @!p0 $0x640;
	[sflag:s11] =	ssyncadd.s32 $0xFFFFF800  }
0x8a: {  	[spmem:s14] =	stream.linear.scatter @!p0 [tilespmem:s0], [sflag:$0x7], $0x800, $0x38;
	[tilespmem:$0x1F0E0] =	vst v63  }
0x8b: {  	s0 =	simm.s32 @!p0 $0x7  }
0x8c: {  	_ =	swait.ge @!p0 [sflag:s0], $0x800  }
0x8d: {  	s12 =	sld [smem:$0x7FB]  }
0x8e: {  	[sflag:s0] =	ssyncset.done @!p0 $0x0  }
0x8f: {  	s11 =	simm.s32 @!p0 $0x5640;
	[sflag:s0] =	ssyncadd.s32 @!p0 $0xFFFFF800  }
0x90: {  	[spmem:s12] =	stream.linear.scatter @!p0 [tilespmem:s11], [sflag:$0x7], $0x200, $0x38;
	[tilespmem:$0x1F0E0] =	vst v63  }
0x91: {  	_ =	swait.ge @!p0 [sflag:s0], $0x200  }
0x92: {  	[sflag:s0] =	ssyncset.done @!p0 $0x0  }
0x93: {  	s11 =	simm.s32 $0xC0;
	s12 =	simm.s32 $0x10;
	[sflag:s0] =	ssyncadd.s32 @!p0 $0xFFFFFE00  }
.LBB2_4:
0x94: {  	p1 =	sne.s32 s11, $0x27C0;
	[tilespmem:s12+$0x5640] =	vst v1;
	s0 =	smov.u32 s11;
	s11 =	sadd.s32 $0x80, s11  }
.Ltmp1:
0x95: {  	[tilespmem:s12+$0x6040] =	vst v1;
	(pc) =	sbr.rel @p1 .LBB2_4-.Ltmp1, $2  }
0x96: {  	_ =	sdelay $0x2  }
0x97: {  	s12 =	sshra.s32 s0, $0x2  }
0x98: {  	[tilespmem:s12+$0x5640] =	vst v1  }
0x99: {  	[tilespmem:s12+$0x6040] =	vst v1  }
0x9a: {  	[bflag:$0x0] =	sbarrier.arrive $0xFFFF  }
0x9b: {  	s0 =	rddreg [dreg:$0x18]  }
0x9c: {  	s29 =	simm.s32 $0x0;
	s30 =	sld [smem:$0x7FC]  }
0x9d: {  	[tilespmem:s29], [sflag:$0x5] =	stream.linear.gather [hbm4b:s0+s29], $0x190, $0x38;
	[tilespmem:$0x1F0E0] =	vst v63  }
0x9e: {  	s11 =	simm.s32 $0x190  }
0x9f: {  	[tilespmem:s11], [sflag:$0x5] =	stream.linear.gather [hbm4b:s30+s29], $0x190, $0x38;
	[tilespmem:$0x1F0E0] =	vst v63  }
0xa0: {  	_ =	swait.ge [sflag:s24], $0x190  }
0xa1: {  	[sflag:s24] =	ssyncset.done $0x0  }
0xa2: {  	[sflag:s24] =	ssyncadd.s32 $0xFFFFFE70  }
0xa3: {  	_ =	swait.ge [sflag:s24], $0x190  }
0xa4: {  	[sflag:s24] =	ssyncset.done $0x0  }
0xa5: {  	s6 =	simm.s32 $0x190;
	s12 =	simm.s32 $0x2;
	[sflag:s24] =	ssyncadd.s32 $0xFFFFFE70  }
0xa6: {  	[tilespmem:s25], [sflag:$0x1] =	stream.indirect.gather [hbm4b:s1+s26], $0x80, s11, s26, $0xb8;
	[tilespmem:$0x1F0E0] =	vst v63  }
0xa7: {  	s14 =	sadd.s32 $0x0, s28;
	s13 =	simm.s32 $0x5660;
	s11 =	simm.s32 $0x5640  }
.LBB2_6:
0xa8: {  	[tilespmem:s11], [sflag:$0x1] =	stream.linear.gather [hbm4b:s14+s29], $0x10, $0x38;
	[tilespmem:$0x1F0E0] =	vst v63  }
0xa9: {  	s0 =	smov.u32 s12;
	s11 =	smov.u32 s13;
	p1 =	sne.s32 s12, $0x9E  }
.Ltmp2:
0xaa: {  	s12 =	sadd.s32 $0x2, s12;
	(pc) =	sbr.rel @p1 .LBB2_6-.Ltmp2, $2  }
0xab: {  	_ =	sdelay $0x2  }
0xac: {  	s13 =	sadd.s32 $0x20, s13;
	s14 =	sadd.s32 s0, s28  }
0xad: {  	[tilespmem:s11], [sflag:$0x1] =	stream.linear.gather [hbm4b:s14+s29], $0x10, $0x38;
	[tilespmem:$0x1F0E0] =	vst v63  }
.LBB2_8:
0xae: {  	_ =	swait.ge [sflag:s8], $0x2800  }
0xaf: {  	[sflag:s8] =	ssyncset.done $0x0  }
0xb0: {  	[sflag:s8] =	ssyncadd.s32 $0xFFFFD800  }
0xb1: {  	_ =	swait.ge [sflag:s8], $0x500  }
0xb2: {  	[sflag:s8] =	ssyncset.done $0x0  }
0xb3: {  	p1 =	seq.s32 s29, $0x0;
	[sflag:s8] =	ssyncadd.s32 $0xFFFFFB00  }
0xb4: {  	[spmem:s3] =	stream.indirect.scatter.add.f32 [tilespmem:s25], [sflag:$0x3], $0x80, s5, s26, $0xb8;
	[tilespmem:$0x1F0E0] =	vst v63  }
0xb5: {  	s0 =	simm.s32 @!p1 $0x4  }
0xb6: {  	[spmem:s4] =	stream.indirect.scatter.add.f32 [tilespmem:s20], [sflag:$0x3], $0x20, s5, s26, $0xb8;
	[tilespmem:$0x1F0E0] =	vst v63  }
0xb7: {  	_ =	swait.ge @!p1 [sflag:s0], $0x2800  }
0xb8: {  	[sflag:s0] =	ssyncset.done @!p1 $0x0  }
0xb9: {  	[sflag:s0] =	ssyncadd.s32 @!p1 $0xFFFFD800  }
0xba: {  	s11 =	smul.u32 $0x320, s29;
	_ =	swait.ge @!p1 [sflag:s0], $0xA00  }
0xbb: {  	[sflag:s0] =	ssyncset.done @!p1 $0x0;
	s21 =	rddreg [dreg:$0x19]  }
0xbc: {  	s14 =	simm.s32 $0x1E0;
	[sflag:s0] =	ssyncadd.s32 @!p1 $0xFFFFF600;
	s0 =	sadd.s32 s11, s21  }
0xbd: {  	[tilespmem:s22], [sflag:$0x2] =	stream.indirect.gather [hbm4b:s1+s26], $0x80, s14, s26, $0xb8;
	[tilespmem:$0x1F0E0] =	vst v63  }
0xbe: {  	s0 =	sshll.u32 s0, $0x1  }
0xbf: {  	s0 =	sand.u32 $0x1FFFFFE0, s0  }
0xc0: {  	s13 =	simm.s32 $0x6040;
	s12 =	sadd.s32 s7, s0  }
0xc1: {  	s21 =	simm.s32 $0x2;
	s14 =	simm.s32 $0x6060;
	s30 =	sadd.s32 $0x0, s12  }
.LBB2_9:
0xc2: {  	[tilespmem:s13], [sflag:$0x2] =	stream.linear.gather [hbm4b:s30+s5], $0x10, $0x38;
	[tilespmem:$0x1F0E0] =	vst v63  }
0xc3: {  	s0 =	smov.u32 s21;
	s13 =	smov.u32 s14;
	p1 =	sne.s32 s21, $0x9E  }
.Ltmp3:
0xc4: {  	s21 =	sadd.s32 $0x2, s21;
	(pc) =	sbr.rel @p1 .LBB2_9-.Ltmp3, $2  }
0xc5: {  	_ =	sdelay $0x2  }
0xc6: {  	s14 =	sadd.s32 $0x20, s14;
	s30 =	sadd.s32 s0, s12  }
0xc7: {  	[tilespmem:s13], [sflag:$0x2] =	stream.linear.gather [hbm4b:s30+s5], $0x10, $0x38;
	[tilespmem:$0x1F0E0] =	vst v63  }
0xc8: {  	_ =	swait.ge [sflag:s23], $0x2800  }
0xc9: {  	[sflag:s23] =	ssyncset.done $0x0  }
0xca: {  	[sflag:s23] =	ssyncadd.s32 $0xFFFFD800  }
0xcb: {  	_ =	swait.ge [sflag:s23], $0x500  }
0xcc: {  	[sflag:s23] =	ssyncset.done $0x0  }
0xcd: {  	[sflag:s23] =	ssyncadd.s32 $0xFFFFFB00  }
0xce: {  	[spmem:s3] =	stream.indirect.scatter.add.f32 [tilespmem:s22], [sflag:$0x4], $0x80, s26, s26, $0xb8;
	[tilespmem:$0x1F0E0] =	vst v63  }
0xcf: {  	_ = 	snop  }
0xd0: {  	[spmem:s4] =	stream.indirect.scatter.add.f32 [tilespmem:s9], [sflag:$0x4], $0x20, s26, s26, $0xb8;
	[tilespmem:$0x1F0E0] =	vst v63  }
0xd1: {  	_ =	swait.ge [sflag:s19], $0x2800  }
0xd2: {  	[sflag:s19] =	ssyncset.done $0x0  }
0xd3: {  	[sflag:s19] =	ssyncadd.s32 $0xFFFFD800  }
0xd4: {  	_ =	swait.ge [sflag:s19], $0xA00  }
0xd5: {  	s0 =	rddreg [dreg:$0x1a];
	[sflag:s19] =	ssyncset.done $0x0  }
0xd6: {  	s12 =	sadd.s32 s11, s0;
	[sflag:s19] =	ssyncadd.s32 $0xFFFFF600  }
0xd7: {  	s0 =	sshrl.u32 s12, $0x3;
	s14 =	rddreg [dreg:$0x1]  }
0xd8: {  	s21 =	simm.s32 $0x0;
	s0 =	sadd.s32 s14, s0  }
0xd9: {  	[tilespmem:s2], [sflag:$0x6] =	stream.linear.gather [hbm4b:s0+s21], $0x190, $0x38;
	[tilespmem:$0x1F0E0] =	vst v63  }
0xda: {  	s14 =	simm.s32 $0x4B0;
	s0 =	sadd.s32 $0x9C40, s0  }
0xdb: {  	[tilespmem:s14], [sflag:$0x6] =	stream.linear.gather [hbm4b:s0+s21], $0x190, $0x38;
	[tilespmem:$0x1F0E0] =	vst v63  }
0xdc: {  	s21 =	rddreg [dreg:$0x1b]  }
0xdd: {  	s14 =	simm.s32 $0x230;
	s0 =	sadd.s32 s11, s21  }
0xde: {  	[tilespmem:s25], [sflag:$0x1] =	stream.indirect.gather [hbm4b:s1+s26], $0x80, s14, s26, $0xb8;
	[tilespmem:$0x1F0E0] =	vst v63  }
0xdf: {  	s0 =	sshll.u32 s0, $0x1  }
0xe0: {  	s0 =	sand.u32 $0x1FFFFFE0, s0  }
0xe1: {  	s30 =	simm.s32 $0x5660;
	s13 =	sadd.s32 s7, s0  }
0xe2: {  	s21 =	simm.s32 $0x5640;
	s14 =	simm.s32 $0x2;
	s0 =	sadd.s32 $0x0, s13  }
.LBB2_11:
0xe3: {  	[tilespmem:s21], [sflag:$0x1] =	stream.linear.gather [hbm4b:s0+s5], $0x10, $0x38;
	[tilespmem:$0x1F0E0] =	vst v63  }
0xe4: {  	s0 =	smov.u32 s14;
	s21 =	smov.u32 s30;
	p1 =	sne.s32 s14, $0x9E  }
.Ltmp4:
0xe5: {  	s14 =	sadd.s32 $0x2, s14;
	(pc) =	sbr.rel @p1 .LBB2_11-.Ltmp4, $2  }
0xe6: {  	_ =	sdelay $0x2  }
0xe7: {  	s30 =	sadd.s32 $0x20, s30;
	s0 =	sadd.s32 s0, s13  }
0xe8: {  	[tilespmem:s21], [sflag:$0x1] =	stream.linear.gather [hbm4b:s0+s5], $0x10, $0x38;
	[tilespmem:$0x1F0E0] =	vst v63  }
0xe9: {  	_ =	swait.ge [sflag:s8], $0x2800  }
0xea: {  	[sflag:s8] =	ssyncset.done $0x0  }
0xeb: {  	[sflag:s8] =	ssyncadd.s32 $0xFFFFD800  }
0xec: {  	_ =	swait.ge [sflag:s8], $0x500  }
0xed: {  	[sflag:s8] =	ssyncset.done $0x0  }
0xee: {  	s13 =	simm.s32 $0xA0;
	[sflag:s8] =	ssyncadd.s32 $0xFFFFFB00  }
0xef: {  	[spmem:s3] =	stream.indirect.scatter.add.f32 [tilespmem:s25], [sflag:$0x3], $0x80, s13, s26, $0xb8;
	[tilespmem:$0x1F0E0] =	vst v63  }
0xf0: {  	_ = 	snop  }
0xf1: {  	[spmem:s4] =	stream.indirect.scatter.add.f32 [tilespmem:s20], [sflag:$0x3], $0x20, s13, s26, $0xb8;
	[tilespmem:$0x1F0E0] =	vst v63  }
0xf2: {  	_ =	swait.ge [sflag:s31], $0x2800  }
0xf3: {  	[sflag:s31] =	ssyncset.done $0x0  }
0xf4: {  	[sflag:s31] =	ssyncadd.s32 $0xFFFFD800  }
0xf5: {  	_ =	swait.ge [sflag:s31], $0xA00  }
0xf6: {  	[sflag:s31] =	ssyncset.done $0x0;
	s21 =	rddreg [dreg:$0x1c]  }
0xf7: {  	s14 =	simm.s32 $0x280;
	[sflag:s31] =	ssyncadd.s32 $0xFFFFF600;
	s0 =	sadd.s32 s11, s21  }
0xf8: {  	[tilespmem:s22], [sflag:$0x2] =	stream.indirect.gather [hbm4b:s1+s26], $0x80, s14, s26, $0xb8;
	[tilespmem:$0x1F0E0] =	vst v63  }
0xf9: {  	s0 =	sshll.u32 s0, $0x1  }
0xfa: {  	s0 =	sand.u32 $0x1FFFFFE0, s0  }
0xfb: {  	s30 =	simm.s32 $0x6060;
	s13 =	sadd.s32 s7, s0  }
0xfc: {  	s21 =	simm.s32 $0x6040;
	s14 =	simm.s32 $0x2;
	s0 =	sadd.s32 $0x0, s13  }
.LBB2_13:
0xfd: {  	[tilespmem:s21], [sflag:$0x2] =	stream.linear.gather [hbm4b:s0+s5], $0x10, $0x38;
	[tilespmem:$0x1F0E0] =	vst v63  }
0xfe: {  	s0 =	smov.u32 s14;
	s21 =	smov.u32 s30;
	p1 =	sne.s32 s14, $0x9E  }
.Ltmp5:
0xff: {  	s14 =	sadd.s32 $0x2, s14;
	(pc) =	sbr.rel @p1 .LBB2_13-.Ltmp5, $2  }
0x100: {  	_ =	sdelay $0x2  }
0x101: {  	s30 =	sadd.s32 $0x20, s30;
	s0 =	sadd.s32 s0, s13  }
0x102: {  	[tilespmem:s21], [sflag:$0x2] =	stream.linear.gather [hbm4b:s0+s5], $0x10, $0x38;
	[tilespmem:$0x1F0E0] =	vst v63  }
0x103: {  	_ =	swait.ge [sflag:s23], $0x2800  }
0x104: {  	[sflag:s23] =	ssyncset.done $0x0  }
0x105: {  	[sflag:s23] =	ssyncadd.s32 $0xFFFFD800  }
0x106: {  	_ =	swait.ge [sflag:s23], $0x500  }
0x107: {  	[sflag:s23] =	ssyncset.done $0x0  }
0x108: {  	s13 =	simm.s32 $0xF0;
	[sflag:s23] =	ssyncadd.s32 $0xFFFFFB00  }
0x109: {  	[spmem:s3] =	stream.indirect.scatter.add.f32 [tilespmem:s22], [sflag:$0x4], $0x80, s13, s26, $0xb8;
	[tilespmem:$0x1F0E0] =	vst v63  }
0x10a: {  	_ = 	snop  }
0x10b: {  	[spmem:s4] =	stream.indirect.scatter.add.f32 [tilespmem:s9], [sflag:$0x4], $0x20, s13, s26, $0xb8;
	[tilespmem:$0x1F0E0] =	vst v63  }
0x10c: {  	_ =	swait.ge [sflag:s19], $0x2800  }
0x10d: {  	[sflag:s19] =	ssyncset.done $0x0  }
0x10e: {  	[sflag:s19] =	ssyncadd.s32 $0xFFFFD800  }
0x10f: {  	_ =	swait.ge [sflag:s19], $0xA00  }
0x110: {  	[sflag:s19] =	ssyncset.done $0x0;
	s21 =	rddreg [dreg:$0x1d]  }
0x111: {  	s14 =	simm.s32 $0x2D0;
	[sflag:s19] =	ssyncadd.s32 $0xFFFFF600;
	s0 =	sadd.s32 s11, s21  }
0x112: {  	[tilespmem:s25], [sflag:$0x1] =	stream.indirect.gather [hbm4b:s1+s26], $0x80, s14, s26, $0xb8;
	[tilespmem:$0x1F0E0] =	vst v63  }
0x113: {  	s0 =	sshll.u32 s0, $0x1  }
0x114: {  	s0 =	sand.u32 $0x1FFFFFE0, s0  }
0x115: {  	s30 =	simm.s32 $0x5660;
	s13 =	sadd.s32 s7, s0  }
0x116: {  	s21 =	simm.s32 $0x5640;
	s14 =	simm.s32 $0x2;
	s0 =	sadd.s32 $0x0, s13  }
.LBB2_15:
0x117: {  	[tilespmem:s21], [sflag:$0x1] =	stream.linear.gather [hbm4b:s0+s5], $0x10, $0x38;
	[tilespmem:$0x1F0E0] =	vst v63  }
0x118: {  	s0 =	smov.u32 s14;
	s21 =	smov.u32 s30;
	p1 =	sne.s32 s14, $0x9E  }
.Ltmp6:
0x119: {  	s14 =	sadd.s32 $0x2, s14;
	(pc) =	sbr.rel @p1 .LBB2_15-.Ltmp6, $2  }
0x11a: {  	_ =	sdelay $0x2  }
0x11b: {  	s30 =	sadd.s32 $0x20, s30;
	s0 =	sadd.s32 s0, s13  }
0x11c: {  	[tilespmem:s21], [sflag:$0x1] =	stream.linear.gather [hbm4b:s0+s5], $0x10, $0x38;
	[tilespmem:$0x1F0E0] =	vst v63  }
0x11d: {  	_ =	swait.ge [sflag:s8], $0x2800  }
0x11e: {  	[sflag:s8] =	ssyncset.done $0x0  }
0x11f: {  	[sflag:s8] =	ssyncadd.s32 $0xFFFFD800  }
0x120: {  	_ =	swait.ge [sflag:s8], $0x500  }
0x121: {  	[sflag:s8] =	ssyncset.done $0x0  }
0x122: {  	s14 =	simm.s32 $0x140;
	[sflag:s8] =	ssyncadd.s32 $0xFFFFFB00  }
0x123: {  	[spmem:s3] =	stream.indirect.scatter.add.f32 [tilespmem:s25], [sflag:$0x3], $0x80, s14, s26, $0xb8;
	[tilespmem:$0x1F0E0] =	vst v63  }
0x124: {  	_ = 	snop  }
0x125: {  	[spmem:s4] =	stream.indirect.scatter.add.f32 [tilespmem:s20], [sflag:$0x3], $0x20, s14, s26, $0xb8;
	[tilespmem:$0x1F0E0] =	vst v63  }
0x126: {  	_ =	swait.ge [sflag:s31], $0x2800  }
0x127: {  	[sflag:s31] =	ssyncset.done $0x0  }
0x128: {  	[sflag:s31] =	ssyncadd.s32 $0xFFFFD800  }
0x129: {  	_ =	swait.ge [sflag:s31], $0xA00  }
0x12a: {  	[sflag:s31] =	ssyncset.done $0x0  }
0x12b: {  	[sflag:s31] =	ssyncadd.s32 $0xFFFFF600  }
0x12c: {  	_ =	swait.ge [sflag:s10], $0x190  }
0x12d: {  	[sflag:s10] =	ssyncset.done $0x0  }
0x12e: {  	[sflag:s10] =	ssyncadd.s32 $0xFFFFFE70  }
0x12f: {  	s30 =	sshll.u32 s12, $0x1;
	_ =	swait.ge [sflag:s10], $0x190  }
0x130: {  	s21 =	simm.s32 $0x4B0;
	s0 =	sand.u32 $0x1FFFFFE0, s30;
	[sflag:s10] =	ssyncset.done $0x0  }
0x131: {  	s13 =	simm.s32 $0x6040;
	s12 =	sadd.s32 s7, s0;
	[sflag:s10] =	ssyncadd.s32 $0xFFFFFE70  }
0x132: {  	[tilespmem:s22], [sflag:$0x2] =	stream.indirect.gather [hbm4b:s1+s26], $0x80, s21, s26, $0xb8;
	[tilespmem:$0x1F0E0] =	vst v63  }
0x133: {  	s0 =	sadd.s32 $0x0, s12;
	s14 =	simm.s32 $0x2;
	s21 =	simm.s32 $0x6060  }
.LBB2_17:
0x134: {  	[tilespmem:s13], [sflag:$0x2] =	stream.linear.gather [hbm4b:s0+s5], $0x10, $0x38;
	[tilespmem:$0x1F0E0] =	vst v63  }
0x135: {  	s0 =	smov.u32 s14;
	s13 =	smov.u32 s21;
	p1 =	sne.s32 s14, $0x9E  }
.Ltmp7:
0x136: {  	s14 =	sadd.s32 $0x2, s14;
	(pc) =	sbr.rel @p1 .LBB2_17-.Ltmp7, $2  }
0x137: {  	_ =	sdelay $0x2  }
0x138: {  	s21 =	sadd.s32 $0x20, s21;
	s0 =	sadd.s32 s0, s12  }
0x139: {  	[tilespmem:s13], [sflag:$0x2] =	stream.linear.gather [hbm4b:s0+s5], $0x10, $0x38;
	[tilespmem:$0x1F0E0] =	vst v63  }
0x13a: {  	_ =	swait.ge [sflag:s23], $0x2800  }
0x13b: {  	[sflag:s23] =	ssyncset.done $0x0  }
0x13c: {  	[sflag:s23] =	ssyncadd.s32 $0xFFFFD800  }
0x13d: {  	_ =	swait.ge [sflag:s23], $0x500  }
0x13e: {  	[sflag:s23] =	ssyncset.done $0x0  }
0x13f: {  	[sflag:s23] =	ssyncadd.s32 $0xFFFFFB00  }
0x140: {  	[spmem:s3] =	stream.indirect.scatter.add.f32 [tilespmem:s22], [sflag:$0x4], $0x80, s2, s26, $0xb8;
	[tilespmem:$0x1F0E0] =	vst v63  }
0x141: {  	_ = 	snop  }
0x142: {  	[spmem:s4] =	stream.indirect.scatter.add.f32 [tilespmem:s9], [sflag:$0x4], $0x20, s2, s26, $0xb8;
	[tilespmem:$0x1F0E0] =	vst v63  }
0x143: {  	_ =	swait.ge [sflag:s19], $0x2800  }
0x144: {  	[sflag:s19] =	ssyncset.done $0x0  }
0x145: {  	[sflag:s19] =	ssyncadd.s32 $0xFFFFD800  }
0x146: {  	_ =	swait.ge [sflag:s19], $0xA00  }
0x147: {  	[sflag:s19] =	ssyncset.done $0x0;
	s30 =	rddreg [dreg:$0x1e]  }
0x148: {  	s21 =	simm.s32 $0x500;
	[sflag:s19] =	ssyncadd.s32 $0xFFFFF600;
	s0 =	sadd.s32 s11, s30  }
0x149: {  	[tilespmem:s25], [sflag:$0x1] =	stream.indirect.gather [hbm4b:s1+s26], $0x80, s21, s26, $0xb8;
	[tilespmem:$0x1F0E0] =	vst v63  }
0x14a: {  	s0 =	sshll.u32 s0, $0x1  }
0x14b: {  	s0 =	sand.u32 $0x1FFFFFE0, s0  }
0x14c: {  	s13 =	simm.s32 $0x5640;
	s12 =	sadd.s32 s7, s0  }
0x14d: {  	s14 =	simm.s32 $0x2;
	s21 =	simm.s32 $0x5660;
	s0 =	sadd.s32 $0x0, s12  }
.LBB2_19:
0x14e: {  	[tilespmem:s13], [sflag:$0x1] =	stream.linear.gather [hbm4b:s0+s5], $0x10, $0x38;
	[tilespmem:$0x1F0E0] =	vst v63  }
0x14f: {  	s0 =	smov.u32 s14;
	s13 =	smov.u32 s21;
	p1 =	sne.s32 s14, $0x9E  }
.Ltmp8:
0x150: {  	s14 =	sadd.s32 $0x2, s14;
	(pc) =	sbr.rel @p1 .LBB2_19-.Ltmp8, $2  }
0x151: {  	_ =	sdelay $0x2  }
0x152: {  	s21 =	sadd.s32 $0x20, s21;
	s0 =	sadd.s32 s0, s12  }
0x153: {  	[tilespmem:s13], [sflag:$0x1] =	stream.linear.gather [hbm4b:s0+s5], $0x10, $0x38;
	[tilespmem:$0x1F0E0] =	vst v63  }
0x154: {  	_ =	swait.ge [sflag:s8], $0x2800  }
0x155: {  	[sflag:s8] =	ssyncset.done $0x0  }
0x156: {  	[sflag:s8] =	ssyncadd.s32 $0xFFFFD800  }
0x157: {  	_ =	swait.ge [sflag:s8], $0x500  }
0x158: {  	[sflag:s8] =	ssyncset.done $0x0  }
0x159: {  	s12 =	simm.s32 $0x370;
	[sflag:s8] =	ssyncadd.s32 $0xFFFFFB00  }
0x15a: {  	[spmem:s3] =	stream.indirect.scatter.add.f32 [tilespmem:s25], [sflag:$0x3], $0x80, s12, s26, $0xb8;
	[tilespmem:$0x1F0E0] =	vst v63  }
0x15b: {  	_ = 	snop  }
0x15c: {  	[spmem:s4] =	stream.indirect.scatter.add.f32 [tilespmem:s20], [sflag:$0x3], $0x20, s12, s26, $0xb8;
	[tilespmem:$0x1F0E0] =	vst v63  }
0x15d: {  	_ =	swait.ge [sflag:s31], $0x2800  }
0x15e: {  	[sflag:s31] =	ssyncset.done $0x0  }
0x15f: {  	[sflag:s31] =	ssyncadd.s32 $0xFFFFD800  }
0x160: {  	_ =	swait.ge [sflag:s31], $0xA00  }
0x161: {  	s13 =	rddreg [dreg:$0x1f];
	[sflag:s31] =	ssyncset.done $0x0  }
0x162: {  	s12 =	sadd.s32 s11, s13;
	[sflag:s31] =	ssyncadd.s32 $0xFFFFF600  }
0x163: {  	s0 =	sshrl.u32 s12, $0x3;
	s14 =	rddreg [dreg:$0x1]  }
0x164: {  	s21 =	simm.s32 $0x0;
	s0 =	sadd.s32 s14, s0  }
0x165: {  	[tilespmem:s21], [sflag:$0x5] =	stream.linear.gather [hbm4b:s0+s21], $0x190, $0x38;
	[tilespmem:$0x1F0E0] =	vst v63  }
0x166: {  	s0 =	sadd.s32 $0x9C40, s0  }
0x167: {  	[tilespmem:s6], [sflag:$0x5] =	stream.linear.gather [hbm4b:s0+s21], $0x190, $0x38;
	[tilespmem:$0x1F0E0] =	vst v63  }
0x168: {  	s21 =	sld [smem:$0x7F5]  }
0x169: {  	s14 =	simm.s32 $0x550  }
0x16a: {  	[tilespmem:s22], [sflag:$0x2] =	stream.indirect.gather [hbm4b:s1+s26], $0x80, s14, s26, $0xb8;
	[tilespmem:$0x1F0E0] =	vst v63  }
0x16b: {  	s0 =	sadd.s32 s11, s21  }
0x16c: {  	s0 =	sshll.u32 s0, $0x1  }
0x16d: {  	s0 =	sand.u32 $0x1FFFFFE0, s0  }
0x16e: {  	s30 =	simm.s32 $0x6060;
	s13 =	sadd.s32 s7, s0  }
0x16f: {  	s14 =	simm.s32 $0x2;
	s21 =	simm.s32 $0x6040;
	s0 =	sadd.s32 $0x0, s13  }
.LBB2_21:
0x170: {  	[tilespmem:s21], [sflag:$0x2] =	stream.linear.gather [hbm4b:s0+s5], $0x10, $0x38;
	[tilespmem:$0x1F0E0] =	vst v63  }
0x171: {  	s0 =	smov.u32 s14;
	s21 =	smov.u32 s30;
	p1 =	sne.s32 s14, $0x9E  }
.Ltmp9:
0x172: {  	s14 =	sadd.s32 $0x2, s14;
	(pc) =	sbr.rel @p1 .LBB2_21-.Ltmp9, $2  }
0x173: {  	_ =	sdelay $0x2  }
0x174: {  	s30 =	sadd.s32 $0x20, s30;
	s0 =	sadd.s32 s0, s13  }
0x175: {  	[tilespmem:s21], [sflag:$0x2] =	stream.linear.gather [hbm4b:s0+s5], $0x10, $0x38;
	[tilespmem:$0x1F0E0] =	vst v63  }
0x176: {  	_ =	swait.ge [sflag:s23], $0x2800  }
0x177: {  	[sflag:s23] =	ssyncset.done $0x0  }
0x178: {  	[sflag:s23] =	ssyncadd.s32 $0xFFFFD800  }
0x179: {  	_ =	swait.ge [sflag:s23], $0x500  }
0x17a: {  	[sflag:s23] =	ssyncset.done $0x0  }
0x17b: {  	s13 =	simm.s32 $0x3C0;
	[sflag:s23] =	ssyncadd.s32 $0xFFFFFB00  }
0x17c: {  	[spmem:s3] =	stream.indirect.scatter.add.f32 [tilespmem:s22], [sflag:$0x4], $0x80, s13, s26, $0xb8;
	[tilespmem:$0x1F0E0] =	vst v63  }
0x17d: {  	_ = 	snop  }
0x17e: {  	[spmem:s4] =	stream.indirect.scatter.add.f32 [tilespmem:s9], [sflag:$0x4], $0x20, s13, s26, $0xb8;
	[tilespmem:$0x1F0E0] =	vst v63  }
0x17f: {  	_ =	swait.ge [sflag:s19], $0x2800  }
0x180: {  	[sflag:s19] =	ssyncset.done $0x0  }
0x181: {  	[sflag:s19] =	ssyncadd.s32 $0xFFFFD800  }
0x182: {  	_ =	swait.ge [sflag:s19], $0xA00  }
0x183: {  	[sflag:s19] =	ssyncset.done $0x0;
	s21 =	sld [smem:$0x7F6]  }
0x184: {  	s14 =	simm.s32 $0x5A0;
	[sflag:s19] =	ssyncadd.s32 $0xFFFFF600  }
0x185: {  	[tilespmem:s25], [sflag:$0x1] =	stream.indirect.gather [hbm4b:s1+s26], $0x80, s14, s26, $0xb8;
	[tilespmem:$0x1F0E0] =	vst v63  }
0x186: {  	s0 =	sadd.s32 s11, s21  }
0x187: {  	s0 =	sshll.u32 s0, $0x1  }
0x188: {  	s0 =	sand.u32 $0x1FFFFFE0, s0  }
0x189: {  	s30 =	simm.s32 $0x5660;
	s13 =	sadd.s32 s7, s0  }
0x18a: {  	s14 =	simm.s32 $0x2;
	s21 =	simm.s32 $0x5640;
	s0 =	sadd.s32 $0x0, s13  }
.LBB2_23:
0x18b: {  	[tilespmem:s21], [sflag:$0x1] =	stream.linear.gather [hbm4b:s0+s5], $0x10, $0x38;
	[tilespmem:$0x1F0E0] =	vst v63  }
0x18c: {  	s0 =	smov.u32 s14;
	s21 =	smov.u32 s30;
	p1 =	sne.s32 s14, $0x9E  }
.Ltmp10:
0x18d: {  	s14 =	sadd.s32 $0x2, s14;
	(pc) =	sbr.rel @p1 .LBB2_23-.Ltmp10, $2  }
0x18e: {  	_ =	sdelay $0x2  }
0x18f: {  	s30 =	sadd.s32 $0x20, s30;
	s0 =	sadd.s32 s0, s13  }
0x190: {  	[tilespmem:s21], [sflag:$0x1] =	stream.linear.gather [hbm4b:s0+s5], $0x10, $0x38;
	[tilespmem:$0x1F0E0] =	vst v63  }
0x191: {  	_ =	swait.ge [sflag:s8], $0x2800  }
0x192: {  	[sflag:s8] =	ssyncset.done $0x0  }
0x193: {  	[sflag:s8] =	ssyncadd.s32 $0xFFFFD800  }
0x194: {  	_ =	swait.ge [sflag:s8], $0x500  }
0x195: {  	[sflag:s8] =	ssyncset.done $0x0  }
0x196: {  	s14 =	simm.s32 $0x410;
	[sflag:s8] =	ssyncadd.s32 $0xFFFFFB00  }
0x197: {  	[spmem:s3] =	stream.indirect.scatter.add.f32 [tilespmem:s25], [sflag:$0x3], $0x80, s14, s26, $0xb8;
	[tilespmem:$0x1F0E0] =	vst v63  }
0x198: {  	_ = 	snop  }
0x199: {  	[spmem:s4] =	stream.indirect.scatter.add.f32 [tilespmem:s20], [sflag:$0x3], $0x20, s14, s26, $0xb8;
	[tilespmem:$0x1F0E0] =	vst v63  }
0x19a: {  	_ =	swait.ge [sflag:s31], $0x2800  }
0x19b: {  	[sflag:s31] =	ssyncset.done $0x0  }
0x19c: {  	[sflag:s31] =	ssyncadd.s32 $0xFFFFD800  }
0x19d: {  	_ =	swait.ge [sflag:s31], $0xA00  }
0x19e: {  	[sflag:s31] =	ssyncset.done $0x0;
	s30 =	sld [smem:$0x7F7]  }
0x19f: {  	s21 =	simm.s32 $0x5F0;
	[sflag:s31] =	ssyncadd.s32 $0xFFFFF600  }
0x1a0: {  	[tilespmem:s22], [sflag:$0x2] =	stream.indirect.gather [hbm4b:s1+s26], $0x80, s21, s26, $0xb8;
	[tilespmem:$0x1F0E0] =	vst v63  }
0x1a1: {  	s0 =	sadd.s32 s11, s30  }
0x1a2: {  	s0 =	sshll.u32 s0, $0x1  }
0x1a3: {  	s0 =	sand.u32 $0x1FFFFFE0, s0  }
0x1a4: {  	s13 =	simm.s32 $0x6040;
	s11 =	sadd.s32 s7, s0  }
0x1a5: {  	s14 =	simm.s32 $0x2;
	s21 =	simm.s32 $0x6060;
	s0 =	sadd.s32 $0x0, s11  }
.LBB2_25:
0x1a6: {  	[tilespmem:s13], [sflag:$0x2] =	stream.linear.gather [hbm4b:s0+s5], $0x10, $0x38;
	[tilespmem:$0x1F0E0] =	vst v63  }
0x1a7: {  	s0 =	smov.u32 s14;
	s13 =	smov.u32 s21;
	p1 =	sne.s32 s14, $0x9E  }
.Ltmp11:
0x1a8: {  	s14 =	sadd.s32 $0x2, s14;
	(pc) =	sbr.rel @p1 .LBB2_25-.Ltmp11, $2  }
0x1a9: {  	_ =	sdelay $0x2  }
0x1aa: {  	s21 =	sadd.s32 $0x20, s21;
	s0 =	sadd.s32 s0, s11  }
0x1ab: {  	[tilespmem:s13], [sflag:$0x2] =	stream.linear.gather [hbm4b:s0+s5], $0x10, $0x38;
	[tilespmem:$0x1F0E0] =	vst v63  }
0x1ac: {  	_ =	swait.ge [sflag:s23], $0x2800  }
0x1ad: {  	[sflag:s23] =	ssyncset.done $0x0  }
0x1ae: {  	[sflag:s23] =	ssyncadd.s32 $0xFFFFD800  }
0x1af: {  	_ =	swait.ge [sflag:s23], $0x500  }
0x1b0: {  	[sflag:s23] =	ssyncset.done $0x0  }
0x1b1: {  	s21 =	simm.s32 $0x460;
	[sflag:s23] =	ssyncadd.s32 $0xFFFFFB00  }
0x1b2: {  	[spmem:s3] =	stream.indirect.scatter.add.f32 [tilespmem:s22], [sflag:$0x4], $0x80, s21, s26, $0xb8;
	[tilespmem:$0x1F0E0] =	vst v63  }
0x1b3: {  	_ = 	snop  }
0x1b4: {  	[spmem:s4] =	stream.indirect.scatter.add.f32 [tilespmem:s9], [sflag:$0x4], $0x20, s21, s26, $0xb8;
	[tilespmem:$0x1F0E0] =	vst v63  }
0x1b5: {  	_ =	swait.ge [sflag:s19], $0x2800  }
0x1b6: {  	[sflag:s19] =	ssyncset.done $0x0  }
0x1b7: {  	[sflag:s19] =	ssyncadd.s32 $0xFFFFD800  }
0x1b8: {  	_ =	swait.ge [sflag:s19], $0xA00  }
0x1b9: {  	[sflag:s19] =	ssyncset.done $0x0  }
0x1ba: {  	[sflag:s19] =	ssyncadd.s32 $0xFFFFF600  }
0x1bb: {  	_ =	swait.ge [sflag:s24], $0x190  }
0x1bc: {  	[sflag:s24] =	ssyncset.done $0x0  }
0x1bd: {  	s30 =	sshll.u32 s12, $0x1;
	[sflag:s24] =	ssyncadd.s32 $0xFFFFFE70  }
0x1be: {  	s12 =	simm.s32 $0x5640;
	s0 =	sand.u32 $0x1FFFFFE0, s30;
	_ =	swait.ge [sflag:s24], $0x190  }
0x1bf: {  	s13 =	simm.s32 $0x2;
	s11 =	sadd.s32 s7, s0;
	[sflag:s24] =	ssyncset.done $0x0  }
0x1c0: {  	s14 =	simm.s32 $0x5660;
	s0 =	sadd.s32 $0x0, s11;
	[sflag:s24] =	ssyncadd.s32 $0xFFFFFE70  }
0x1c1: {  	[tilespmem:s25], [sflag:$0x1] =	stream.indirect.gather [hbm4b:s1+s26], $0x80, s6, s26, $0xb8;
	[tilespmem:$0x1F0E0] =	vst v63  }
.LBB2_27:
0x1c2: {  	[tilespmem:s12], [sflag:$0x1] =	stream.linear.gather [hbm4b:s0+s5], $0x10, $0x38;
	[tilespmem:$0x1F0E0] =	vst v63  }
0x1c3: {  	s0 =	smov.u32 s13;
	s12 =	smov.u32 s14;
	p1 =	sne.s32 s13, $0x9E  }
.Ltmp12:
0x1c4: {  	s13 =	sadd.s32 $0x2, s13;
	(pc) =	sbr.rel @p1 .LBB2_27-.Ltmp12, $2  }
0x1c5: {  	_ =	sdelay $0x2  }
0x1c6: {  	s14 =	sadd.s32 $0x20, s14;
	s0 =	sadd.s32 s0, s11  }
0x1c7: {  	s29 =	sadd.s32 $0x1, s29  }
0x1c8: {  	p1 =	sne.s32 s29, $0xC  }
.Ltmp13:
0x1c9: {  	_ = 	snop;
	(pc) =	sbr.rel @p1 .LBB2_8-.Ltmp13, $2  }
0x1ca: {  	_ =	sdelay $0x2  }
0x1cb: {  	[tilespmem:s12], [sflag:$0x1] =	stream.linear.gather [hbm4b:s0+s5], $0x10, $0x38;
	[tilespmem:$0x1F0E0] =	vst v63  }
0x1cc: {  	_ =	swait.ge [sflag:s8], $0x2800  }
0x1cd: {  	[sflag:s8] =	ssyncset.done $0x0  }
0x1ce: {  	[sflag:s8] =	ssyncadd.s32 $0xFFFFD800  }
0x1cf: {  	_ =	swait.ge [sflag:s8], $0x500  }
0x1d0: {  	[sflag:s8] =	ssyncset.done $0x0  }
0x1d1: {  	s0 =	simm.s32 $0x0;
	[sflag:s8] =	ssyncadd.s32 $0xFFFFFB00  }
0x1d2: {  	[spmem:s3] =	stream.indirect.scatter.add.f32 [tilespmem:s25], [sflag:$0x3], $0x80, s0, s26, $0xb8;
	[tilespmem:$0x1F0E0] =	vst v63  }
0x1d3: {  	_ = 	snop  }
0x1d4: {  	[spmem:s4] =	stream.indirect.scatter.add.f32 [tilespmem:s20], [sflag:$0x3], $0x20, s0, s26, $0xb8;
	[tilespmem:$0x1F0E0] =	vst v63  }
0x1d5: {  	_ =	swait.ge [sflag:s31], $0x2800  }
0x1d6: {  	[sflag:s31] =	ssyncset.done $0x0  }
0x1d7: {  	[sflag:s31] =	ssyncadd.s32 $0xFFFFD800  }
0x1d8: {  	s30 =	simm.s32 $0x1E0;
	s11 =	simm.s32 $0x6040;
	_ =	swait.ge [sflag:s31], $0xA00  }
0x1d9: {  	s12 =	simm.s32 $0x2;
	s13 =	simm.s32 $0x6060;
	[sflag:s31] =	ssyncset.done $0x0  }
0x1da: {  	s0 =	sadd.s32 $0x0, s15;
	s14 =	sld [smem:$0x7FD];
	[sflag:s31] =	ssyncadd.s32 $0xFFFFF600  }
0x1db: {  	[tilespmem:s22], [sflag:$0x2] =	stream.indirect.gather [hbm4b:s1+s26], $0x80, s30, s26, $0xb8;
	[tilespmem:$0x1F0E0] =	vst v63  }
.LBB2_30:
0x1dc: {  	[tilespmem:s11], [sflag:$0x2] =	stream.linear.gather [hbm4b:s0+s5], $0x10, $0x38;
	[tilespmem:$0x1F0E0] =	vst v63  }
0x1dd: {  	s0 =	smov.u32 s12;
	s11 =	smov.u32 s13;
	p1 =	sne.s32 s12, $0x9E  }
.Ltmp14:
0x1de: {  	s12 =	sadd.s32 $0x2, s12;
	(pc) =	sbr.rel @p1 .LBB2_30-.Ltmp14, $2  }
0x1df: {  	_ =	sdelay $0x2  }
0x1e0: {  	s13 =	sadd.s32 $0x20, s13;
	s0 =	sadd.s32 s0, s15  }
0x1e1: {  	[tilespmem:s11], [sflag:$0x2] =	stream.linear.gather [hbm4b:s0+s5], $0x10, $0x38;
	[tilespmem:$0x1F0E0] =	vst v63  }
0x1e2: {  	_ =	swait.ge [sflag:s23], $0x2800  }
0x1e3: {  	[sflag:s23] =	ssyncset.done $0x0  }
0x1e4: {  	[sflag:s23] =	ssyncadd.s32 $0xFFFFD800  }
0x1e5: {  	_ =	swait.ge [sflag:s23], $0x500  }
0x1e6: {  	[sflag:s23] =	ssyncset.done $0x0  }
0x1e7: {  	[sflag:s23] =	ssyncadd.s32 $0xFFFFFB00  }
0x1e8: {  	[spmem:s3] =	stream.indirect.scatter.add.f32 [tilespmem:s22], [sflag:$0x4], $0x80, s26, s26, $0xb8;
	[tilespmem:$0x1F0E0] =	vst v63  }
0x1e9: {  	_ = 	snop  }
0x1ea: {  	[spmem:s4] =	stream.indirect.scatter.add.f32 [tilespmem:s9], [sflag:$0x4], $0x20, s26, s26, $0xb8;
	[tilespmem:$0x1F0E0] =	vst v63  }
0x1eb: {  	_ =	swait.ge [sflag:s19], $0x2800  }
0x1ec: {  	[sflag:s19] =	ssyncset.done $0x0  }
0x1ed: {  	[sflag:s19] =	ssyncadd.s32 $0xFFFFD800  }
0x1ee: {  	s30 =	simm.s32 $0x230;
	_ =	swait.ge [sflag:s19], $0xA00  }
0x1ef: {  	s11 =	simm.s32 $0x5640;
	s12 =	simm.s32 $0x2;
	s21 =	rddreg [dreg:$0x6]  }
0x1f0: {  	s0 =	sadd.s32 $0x0, s16;
	[sflag:s19] =	ssyncset.done $0x0;
	s29 =	rddreg [dreg:$0x7]  }
0x1f1: {  	s13 =	simm.s32 $0x5660;
	s6 =	sld [smem:$0x7F4];
	[sflag:s19] =	ssyncadd.s32 $0xFFFFF600  }
0x1f2: {  	[tilespmem:s25], [sflag:$0x1] =	stream.indirect.gather [hbm4b:s1+s26], $0x80, s30, s26, $0xb8;
	[tilespmem:$0x1F0E0] =	vst v63  }
.LBB2_32:
0x1f3: {  	[tilespmem:s11], [sflag:$0x1] =	stream.linear.gather [hbm4b:s0+s5], $0x10, $0x38;
	[tilespmem:$0x1F0E0] =	vst v63  }
0x1f4: {  	s0 =	smov.u32 s12;
	s11 =	smov.u32 s13;
	p1 =	sne.s32 s12, $0x9E  }
.Ltmp15:
0x1f5: {  	s12 =	sadd.s32 $0x2, s12;
	(pc) =	sbr.rel @p1 .LBB2_32-.Ltmp15, $2  }
0x1f6: {  	_ =	sdelay $0x2  }
0x1f7: {  	s13 =	sadd.s32 $0x20, s13;
	s0 =	sadd.s32 s0, s16  }
0x1f8: {  	[tilespmem:s11], [sflag:$0x1] =	stream.linear.gather [hbm4b:s0+s5], $0x10, $0x38;
	[tilespmem:$0x1F0E0] =	vst v63  }
0x1f9: {  	_ =	swait.ge [sflag:s8], $0x2800  }
0x1fa: {  	[sflag:s8] =	ssyncset.done $0x0  }
0x1fb: {  	[sflag:s8] =	ssyncadd.s32 $0xFFFFD800  }
0x1fc: {  	_ =	swait.ge [sflag:s8], $0x500  }
0x1fd: {  	[sflag:s8] =	ssyncset.done $0x0  }
0x1fe: {  	s13 =	simm.s32 $0xA0;
	[sflag:s8] =	ssyncadd.s32 $0xFFFFFB00  }
0x1ff: {  	[spmem:s3] =	stream.indirect.scatter.add.f32 [tilespmem:s25], [sflag:$0x3], $0x80, s13, s26, $0xb8;
	[tilespmem:$0x1F0E0] =	vst v63  }
0x200: {  	_ = 	snop  }
0x201: {  	[spmem:s4] =	stream.indirect.scatter.add.f32 [tilespmem:s20], [sflag:$0x3], $0x20, s13, s26, $0xb8;
	[tilespmem:$0x1F0E0] =	vst v63  }
0x202: {  	_ =	swait.ge [sflag:s31], $0x2800  }
0x203: {  	[sflag:s31] =	ssyncset.done $0x0  }
0x204: {  	[sflag:s31] =	ssyncadd.s32 $0xFFFFD800  }
0x205: {  	s30 =	simm.s32 $0x280;
	_ =	swait.ge [sflag:s31], $0xA00  }
0x206: {  	s11 =	simm.s32 $0x6040;
	s12 =	simm.s32 $0x2;
	[sflag:s31] =	ssyncset.done $0x0  }
0x207: {  	s0 =	sadd.s32 $0x0, s17;
	s13 =	simm.s32 $0x6060;
	[sflag:s31] =	ssyncadd.s32 $0xFFFFF600  }
0x208: {  	[tilespmem:s22], [sflag:$0x2] =	stream.indirect.gather [hbm4b:s1+s26], $0x80, s30, s26, $0xb8;
	[tilespmem:$0x1F0E0] =	vst v63  }
.LBB2_34:
0x209: {  	[tilespmem:s11], [sflag:$0x2] =	stream.linear.gather [hbm4b:s0+s5], $0x10, $0x38;
	[tilespmem:$0x1F0E0] =	vst v63  }
0x20a: {  	s0 =	smov.u32 s12;
	s11 =	smov.u32 s13;
	p1 =	sne.s32 s12, $0x9E  }
.Ltmp16:
0x20b: {  	s12 =	sadd.s32 $0x2, s12;
	(pc) =	sbr.rel @p1 .LBB2_34-.Ltmp16, $2  }
0x20c: {  	_ =	sdelay $0x2  }
0x20d: {  	s13 =	sadd.s32 $0x20, s13;
	s0 =	sadd.s32 s0, s17  }
0x20e: {  	[tilespmem:s11], [sflag:$0x2] =	stream.linear.gather [hbm4b:s0+s5], $0x10, $0x38;
	[tilespmem:$0x1F0E0] =	vst v63  }
0x20f: {  	_ =	swait.ge [sflag:s23], $0x2800  }
0x210: {  	[sflag:s23] =	ssyncset.done $0x0  }
0x211: {  	[sflag:s23] =	ssyncadd.s32 $0xFFFFD800  }
0x212: {  	_ =	swait.ge [sflag:s23], $0x500  }
0x213: {  	[sflag:s23] =	ssyncset.done $0x0  }
0x214: {  	s13 =	simm.s32 $0xF0;
	[sflag:s23] =	ssyncadd.s32 $0xFFFFFB00  }
0x215: {  	[spmem:s3] =	stream.indirect.scatter.add.f32 [tilespmem:s22], [sflag:$0x4], $0x80, s13, s26, $0xb8;
	[tilespmem:$0x1F0E0] =	vst v63  }
0x216: {  	_ = 	snop  }
0x217: {  	[spmem:s4] =	stream.indirect.scatter.add.f32 [tilespmem:s9], [sflag:$0x4], $0x20, s13, s26, $0xb8;
	[tilespmem:$0x1F0E0] =	vst v63  }
0x218: {  	_ =	swait.ge [sflag:s19], $0x2800  }
0x219: {  	[sflag:s19] =	ssyncset.done $0x0  }
0x21a: {  	[sflag:s19] =	ssyncadd.s32 $0xFFFFD800  }
0x21b: {  	s30 =	simm.s32 $0x2D0;
	_ =	swait.ge [sflag:s19], $0xA00  }
0x21c: {  	s11 =	simm.s32 $0x5640;
	s12 =	simm.s32 $0x2;
	[sflag:s19] =	ssyncset.done $0x0  }
0x21d: {  	s0 =	sadd.s32 $0x0, s18;
	s13 =	simm.s32 $0x5660;
	[sflag:s19] =	ssyncadd.s32 $0xFFFFF600  }
0x21e: {  	[tilespmem:s25], [sflag:$0x1] =	stream.indirect.gather [hbm4b:s1+s26], $0x80, s30, s26, $0xb8;
	[tilespmem:$0x1F0E0] =	vst v63  }
.LBB2_36:
0x21f: {  	[tilespmem:s11], [sflag:$0x1] =	stream.linear.gather [hbm4b:s0+s5], $0x10, $0x38;
	[tilespmem:$0x1F0E0] =	vst v63  }
0x220: {  	s0 =	smov.u32 s12;
	s11 =	smov.u32 s13;
	p1 =	sne.s32 s12, $0x9E  }
.Ltmp17:
0x221: {  	s12 =	sadd.s32 $0x2, s12;
	(pc) =	sbr.rel @p1 .LBB2_36-.Ltmp17, $2  }
0x222: {  	_ =	sdelay $0x2  }
0x223: {  	s13 =	sadd.s32 $0x20, s13;
	s0 =	sadd.s32 s0, s18  }
0x224: {  	[tilespmem:s11], [sflag:$0x1] =	stream.linear.gather [hbm4b:s0+s5], $0x10, $0x38;
	[tilespmem:$0x1F0E0] =	vst v63  }
0x225: {  	_ =	swait.ge [sflag:s8], $0x2800  }
0x226: {  	[sflag:s8] =	ssyncset.done $0x0  }
0x227: {  	[sflag:s8] =	ssyncadd.s32 $0xFFFFD800  }
0x228: {  	_ =	swait.ge [sflag:s8], $0x500  }
0x229: {  	[sflag:s8] =	ssyncset.done $0x0  }
0x22a: {  	s12 =	simm.s32 $0x140;
	[sflag:s8] =	ssyncadd.s32 $0xFFFFFB00  }
0x22b: {  	[spmem:s3] =	stream.indirect.scatter.add.f32 [tilespmem:s25], [sflag:$0x3], $0x80, s12, s26, $0xb8;
	[tilespmem:$0x1F0E0] =	vst v63  }
0x22c: {  	_ = 	snop  }
0x22d: {  	[spmem:s4] =	stream.indirect.scatter.add.f32 [tilespmem:s20], [sflag:$0x3], $0x20, s12, s26, $0xb8;
	[tilespmem:$0x1F0E0] =	vst v63  }
0x22e: {  	_ =	swait.ge [sflag:s31], $0x2800  }
0x22f: {  	[sflag:s31] =	ssyncset.done $0x0  }
0x230: {  	[sflag:s31] =	ssyncadd.s32 $0xFFFFD800  }
0x231: {  	_ =	swait.ge [sflag:s31], $0xA00  }
0x232: {  	[sflag:s31] =	ssyncset.done $0x0  }
0x233: {  	[sflag:s31] =	ssyncadd.s32 $0xFFFFF600  }
0x234: {  	_ =	swait.ge [sflag:s19], $0x2800  }
0x235: {  	[sflag:s19] =	ssyncset.done $0x0  }
0x236: {  	[sflag:s19] =	ssyncadd.s32 $0xFFFFD800  }
0x237: {  	_ =	swait.ge [sflag:s19], $0xA00  }
0x238: {  	[sflag:s19] =	ssyncset.done $0x0  }
0x239: {  	s13 =	stileid.u32;
	[sflag:s19] =	ssyncadd.s32 $0xFFFFF600  }
0x23a: {  	s30 =	sshrl.u32 s21, $0x3;
	s0 =	sshll.u32 s13, $0x6;
	[bflag:$0x0] =	sbarrier.arrive $0xFFFF  }
0x23b: {  	s13 =	simm.s32 $0x7;
	s0 =	sor.u32 $0x1C07, s0;
	s12 =	rddreg [dreg:$0xd]  }
0x23c: {  	[hbm:s12], [sflag:s0] =	dma.local [spmem:s30], $0x2700  }
0x23d: {  	_ =	swait.ge [sflag:s13], $0x2700  }
0x23e: {  	[sflag:s13] =	ssyncset.done $0x0  }
0x23f: {  	s12 =	sshrl.u32 s29, $0x3;
	s30 =	rddreg [dreg:$0x10];
	[sflag:s13] =	ssyncadd.s32 $0xFFFFD900  }
0x240: {  	[hbm:s30], [sflag:s0] =	dma.local [spmem:s12], $0x9C0  }
0x241: {  	_ =	swait.ge [sflag:s13], $0x9C0  }
0x242: {  	s12 =	sld [smem:$0x7F8]  }
0x243: {  	[sflag:s13] =	ssyncset.done $0x0  }
0x244: {  	s11 =	sshrl.u32 @!p0 s14, $0x3;
	[sflag:s13] =	ssyncadd.s32 $0xFFFFF640  }
0x245: {  	[hbm:s12], [sflag:s0] =	dma.local @!p0 [spmem:s11], $0x100  }
0x246: {  	s11 =	simm.s32 @!p0 $0x7  }
0x247: {  	_ =	swait.ge @!p0 [sflag:s11], $0x100  }
0x248: {  	s12 =	sld [smem:$0x7FB]  }
0x249: {  	s13 =	sld [smem:$0x7F9]  }
0x24a: {  	[sflag:s11] =	ssyncset.done @!p0 $0x0  }
0x24b: {  	[sflag:s11] =	ssyncadd.s32 @!p0 $0xFFFFFF00;
	s12 =	sshrl.u32 @!p0 s12, $0x3  }
0x24c: {  	[hbm:s13], [sflag:s0] =	dma.local @!p0 [spmem:s12], $0x40  }
0x24d: {  	_ =	swait.ge @!p0 [sflag:s11], $0x40  }
0x24e: {  	s30 =	sld [smem:$0x7FA];
	_ =	sdelay $0x1  }
0x24f: {  	s6 =	sadd.s32 $0x1, s6  }
0x250: {  	p1 =	sne.s32 s6, s30  }
.Ltmp18:
0x251: {  	_ = 	snop;
	(pc) =	sbr.rel @p1 .LBB2_1-.Ltmp18, $3  }
0x252: {  	_ =	sdelay $0x1  }
0x253: {  	[sflag:s11] =	ssyncset.done @!p0 $0x0  }
0x254: {  	[sflag:s11] =	ssyncadd.s32 @!p0 $0xFFFFFFC0  }
0x255: {  	_ =	sfence.sel $0x180000  }
0x256: {  	[bflag:$0x0] =	sbarrier.arrive $0xFFFF  }
0x257: {  	_ =	strace $0x90000047  }
0x258: {  	s0 =	stileid.u32;
	[bflag:$0x2] =	sbarrier.arrive $0xFFFF  }
0x259: {  	p0 =	sne.s32 s0, $0x0;
	s0 =	rddreg [dreg:$0x5]  }
0x25a: {  	s0 =	sadd.s32 @!p0 $0x100000, s0  }
0x25b: {  	[sflag:s0] =	ssyncadd.tile.s32 @!p0 $0x1;
	_ =	shalt  }
.Lfunc_end2:
_tile_overlayer_lowered:
.L_overlay_start_2:
0x25c: {  	(tag) =	ssettag $0x2  }
0x25d: {  	s0 =	rddreg [dreg:$0x0];
	s2 =	stileid.u32  }
0x25e: {  	s1 =	rddreg [dreg:$0x1];
	p0 =	sne.s32 s2, $0x0  }
0x25f: {  	s3 =	rddreg [dreg:$0x2];
	[bflag:$0x3] =	sbarrier.arrive $0xFFFF;
	s2 =	simm.s32 @!p0 $0x1C07  }
0x260: {  	[timem:s3], [sflag:s2] =	dma.local @!p0 [hbm:s0], s1  }
0x261: {  	s0 =	simm.s32 @!p0 $0x7  }
0x262: {  	_ =	swait.ge @!p0 [sflag:s0], s1  }
0x263: {  	s1 =	ssub.s32 @!p0 $0x0, s1;
	[sflag:s0] =	ssyncset.done @!p0 $0x0  }
0x264: {  	[sflag:s0] =	ssyncadd.s32 @!p0 s1  }
0x265: {  	[bflag:$0x3] =	sbarrier.arrive $0xFFFF  }
0x266: {  	_ =	shalt  }

</sc_bundles>
